<compile_context>
chip_gen: v7x
topology: tpu7x:2x2x1
jax: 0.10.2.dev20260603
libtpu: 0.0.44.dev20260713+nightly
codegen_flags: <defaults>
</compile_context>

<pallas_src>
import functools
import math

import jax
import jax.numpy as jnp
import numpy as np
from jax import lax
from jax.experimental import pallas as pl
from jax.experimental.pallas import tpu as pltpu
from jax.experimental.pallas import tpu_sc as plsc

_SPARSITY = 0.05
_INT_MIN = np.int32(-(2**31))
_GROUP = 16
_NBKT = 256


def _sc_body(in_hbm, out_hbm, buf, hist, *, rows_per_worker, e, k):
    nc = 2
    wid = lax.axis_index("s") * nc + lax.axis_index("c")
    iota = lax.iota(jnp.int32, 16)
    ones = jnp.ones((16,), jnp.int32)
    zeros16 = jnp.zeros((16,), jnp.int32)
    lane_hist_base = iota * _NBKT
    n_groups = rows_per_worker // _GROUP
    ev = e // 8

    assert e & (e - 1) == 0
    row_base = iota * e

    def diag_idx(e0):
        return row_base + ((iota + e0) & (e - 1))

    def group_body(t, _):
        grow = wid * rows_per_worker + t * _GROUP
        pltpu.sync_copy(in_hbm.at[pl.ds(grow * e, _GROUP * e)], buf)

        prefix = zeros16
        kp = jnp.full((16,), k, jnp.int32)

        for p in range(4):
            shift = 24 - 8 * p

            @plsc.parallel_loop(0, 16 * _NBKT, 16, unroll=8)
            def _clear(i):
                hist[pl.ds(i, 16)] = zeros16

            def hist_body(i, prefix=prefix, shift=shift, p=p):
                idx = diag_idx(i)
                v = plsc.load_gather(buf, [idx])
                s = plsc.bitcast(v, jnp.int32)
                keyu = s ^ ((s >> 31) | _INT_MIN)
                digit = lax.shift_right_logical(keyu, shift) & np.int32(0xFF)
                sidx = (digit << 4) | iota
                if p == 0:
                    plsc.addupdate_scatter(hist, [sidx], ones)
                else:
                    pref_here = lax.shift_right_logical(keyu, shift + 8)
                    m = pref_here == prefix
                    plsc.addupdate_scatter(hist, [sidx], ones, mask=m)

            plsc.parallel_loop(0, e, 1, unroll=16)(hist_body)

            def scan_body(i, st, kp=kp):
                carry, found, bdig, s_above = st
                d = 255 - i
                h_d = hist[pl.ds(d * 16, 16)]
                new = carry + h_d
                crossed = jnp.logical_and(jnp.logical_not(found), new >= kp)
                bdig = jnp.where(crossed, jnp.int32(d), bdig)
                s_above = jnp.where(crossed, carry, s_above)
                found = jnp.logical_or(found, crossed)
                carry = new
                return carry, found, bdig, s_above

            _c, _f, b_vec, s_above = plsc.parallel_loop(
                0, _NBKT, 1, unroll=8,
                carry=(zeros16, jnp.zeros((16,), jnp.bool_), zeros16, zeros16),
            )(scan_body)
            prefix = (prefix << 8) | b_vec
            kp = kp - s_above

        thr_i = prefix ^ _INT_MIN

        def mask_body(i, thr_i=thr_i):
            idx = diag_idx(i)
            v = plsc.load_gather(buf, [idx])
            s = plsc.bitcast(v, jnp.int32)
            ki = s ^ ((s >> 31) & np.int32(0x7FFFFFFF))
            outv = jnp.where(ki >= thr_i, v, jnp.float32(0.0))
            plsc.store_scatter(buf, [idx], outv)

        plsc.parallel_loop(0, e, 1, unroll=16)(mask_body)
        pltpu.sync_copy(buf, out_hbm.at[pl.ds(grow * e, _GROUP * e)])
        return _

    lax.fori_loop(0, n_groups, group_body, None)


def _tc_body(x_ref, o_ref, *, k):
    x = x_ref[...]
    s = jax.lax.bitcast_convert_type(x, jnp.int32)
    ki = s ^ ((s >> 31) & np.int32(0x7FFFFFFF))
    rows = x.shape[0]
    p = jnp.zeros((rows, 1), jnp.int32)
    for bit in range(31, -1, -1):
        m = np.int32(np.uint32(1 << bit).astype(np.int32))
        pt = p | m
        thr = pt ^ _INT_MIN
        cnt = jnp.sum((ki >= thr).astype(jnp.int32), axis=1, keepdims=True)
        p = jnp.where(cnt >= k, pt, p)
    thr = p ^ _INT_MIN
    o_ref[...] = jnp.where(ki >= thr, x, 0.0)


def _run_sc(t_flat, rows, e, k):
    n_workers = 32
    mesh = plsc.VectorSubcoreMesh(core_axis_name="c", subcore_axis_name="s")
    body = functools.partial(
        _sc_body, rows_per_worker=rows // n_workers, e=e, k=k
    )
    return pl.kernel(
        body,
        out_type=jax.ShapeDtypeStruct((rows * e,), jnp.float32),
        mesh=mesh,
        compiler_params=pltpu.CompilerParams(
            use_tc_tiling_on_sc=False, needs_layout_passes=False
        ),
        cost_estimate=pl.CostEstimate(
            flops=rows * e * 12, bytes_accessed=rows * e * 48, transcendentals=0
        ),
        scratch_types=[
            pltpu.VMEM((_GROUP * e,), jnp.float32),
            pltpu.VMEM((16 * _NBKT,), jnp.int32),
        ],
    )(t_flat)


def _run_tc(t2d, e, k):
    rows = t2d.shape[0]
    block_rows = 256
    return pl.pallas_call(
        functools.partial(_tc_body, k=k),
        grid=(rows // block_rows,),
        in_specs=[pl.BlockSpec((block_rows, e), lambda i: (i, 0))],
        out_specs=pl.BlockSpec((block_rows, e), lambda i: (i, 0)),
        out_shape=jax.ShapeDtypeStruct((rows, e), jnp.float32),
    )(t2d)


_SC_ROWS = 2560


def kernel(tensor):
    b, f, e = tensor.shape
    k = int(math.ceil(_SPARSITY * e))
    rows = b * f
    t = tensor.reshape(rows, e)
    out_sc = _run_sc(t[:_SC_ROWS].reshape(-1), _SC_ROWS, e, k)
    out_tc = _run_tc(t[_SC_ROWS:], e, k)
    out = jnp.concatenate([out_sc.reshape(_SC_ROWS, e), out_tc], axis=0)
    return out.reshape(b, f, e)

# --- scband reference (transcript-rebuilt; emitter-appended) ---
"""Pipeline reference for scband-kwinners-take-all-learnt-31482110280143 (READ-ONLY COPY).

The authoritative reference and input builder live on the scoring server;
editing this copy changes nothing except your own understanding.
"""

import jax, jax.numpy as jnp
import numpy as np
import math

SPARSITY = 0.05

def setup_inputs(seed: int = 0) -> dict:
    key = jax.random.key(seed)
    tensor = jax.random.normal(key, (4, 2048, 4096), dtype=jnp.float32)
    return {"tensor": tensor}

def reference(tensor):
    original_shape = tensor.shape
    t = tensor.reshape(tensor.shape[0], tensor.shape[1], -1)
    batch_size, feature_no, embedding_size = t.shape
    k_active = int(math.ceil(SPARSITY * embedding_size))
    _, active_indices = jax.lax.top_k(t, k_active)
    b = jnp.arange(batch_size)[:, None, None]
    f = jnp.arange(feature_no)[None, :, None]
    mask_active = jnp.zeros_like(t).at[b, f, active_indices].set(1.0)
    out = t * mask_active
    return out.reshape(original_shape)

if __name__ == "__main__":
    import jax
    _d = setup_inputs()
    print(jax.jit(kernel)(*tuple(_d.values())))

</pallas_src>

<mosaic_0001>
#map = affine_map<(d0, d1) -> (0)>
module attributes {stable_mosaic.version = 14 : i64} {
  func.func @_sc_body(%arg0: i32, %arg1: i32, %arg2: memref<10485760xf32, #tpu.memory_space<hbm>>, %arg3: memref<10485760xf32, #tpu.memory_space<hbm>>, %arg4: memref<65536xf32, #tpu.memory_space<vmem>>, %arg5: memref<4096xi32, #tpu.memory_space<vmem>>) attributes {dimension_semantics = [#tpu.dimension_semantics<core_parallel>, #tpu.dimension_semantics<subcore_parallel>], iteration_bounds = array<i64: 2, 16>, scalar_prefetch = 0 : i64, scratch_operands = 2 : i64, tpu.core_type = #tpu.core_type<sc_vector_subcore>, window_params = [{transform_indices = #map}, {transform_indices = #map}]} {
    %mul3A = arith.constant 2 : i32
    %mul3A_0 = arith.muli %arg1, %mul3A : i32
    %add3A = arith.addi %mul3A_0, %arg0 : i32
    %iota3A = tpu.iota {dimensions = array<i32: 0>} : vector<16xi32>
    %broadcast_in_dim3A = arith.constant 1 : i32
    %broadcast_in_dim3A_1 = vector.broadcast %broadcast_in_dim3A : i32 to vector<16xi32>
    %broadcast_in_dim3A_2 = arith.constant 0 : i32
    %broadcast_in_dim3A_3 = vector.broadcast %broadcast_in_dim3A_2 : i32 to vector<16xi32>
    %mul3A_4 = arith.constant 256 : i32
    %mul3A_5 = vector.broadcast %mul3A_4 : i32 to vector<16xi32>
    %mul3A_6 = arith.muli %iota3A, %mul3A_5 : vector<16xi32>
    %mul3A_7 = arith.constant 4096 : i32
    %mul3A_8 = vector.broadcast %mul3A_7 : i32 to vector<16xi32>
    %mul3A_9 = arith.muli %iota3A, %mul3A_8 : vector<16xi32>
    %scan3A = arith.constant 0 : i32
    %scan3A_10 = arith.constant 5 : i32
    %scan3A_11 = arith.addi %scan3A, %scan3A_10 : i32
    %scan3A_12 = arith.constant 1 : i32
    scf.for %scan3A_14 = %scan3A to %scan3A_11 step %scan3A_12  : i32 {
      %mul3A_15 = arith.constant 80 : i32
      %mul3A_16 = arith.muli %add3A, %mul3A_15 : i32
      %mul3A_17 = arith.constant 16 : i32
      %mul3A_18 = arith.muli %scan3A_14, %mul3A_17 : i32
      %add3A_19 = arith.addi %mul3A_16, %mul3A_18 : i32
      %mul3A_20 = arith.constant 4096 : i32
      %mul3A_21 = arith.muli %add3A_19, %mul3A_20 : i32
      "tpu.region"() ({
        %run_scoped3A = tpu.sem_alloc : memref<!tpu.dma_semaphore, #tpu.memory_space<semaphore_mem>>
        %dma_start3A = tpu.memref_slice %arg2[%mul3A_21] : memref<10485760xf32, #tpu.memory_space<hbm>> -> memref<65536xf32, #tpu.memory_space<hbm>>
        %dma_start3A_95 = tpu.memref_slice %arg2[%mul3A_21] : memref<10485760xf32, #tpu.memory_space<hbm>> -> memref<65536xf32, #tpu.memory_space<hbm>>
        tpu.enqueue_dma source(%dma_start3A_95 : memref<65536xf32, #tpu.memory_space<hbm>>) target(%arg4 : memref<65536xf32, #tpu.memory_space<vmem>>) target_semaphore(%run_scoped3A : memref<!tpu.dma_semaphore, #tpu.memory_space<semaphore_mem>>)
        %dma_wait3A = tpu.memref_slice %arg2[%mul3A_21] : memref<10485760xf32, #tpu.memory_space<hbm>> -> memref<65536xf32, #tpu.memory_space<hbm>>
        %dma_wait3A_96 = tpu.memref_slice %arg2[%mul3A_21] : memref<10485760xf32, #tpu.memory_space<hbm>> -> memref<65536xf32, #tpu.memory_space<hbm>>
        tpu.wait_dma2 semaphore(%run_scoped3A : memref<!tpu.dma_semaphore, #tpu.memory_space<semaphore_mem>>) src(%dma_wait3A_96 : memref<65536xf32, #tpu.memory_space<hbm>>) dst(%arg4 : memref<65536xf32, #tpu.memory_space<vmem>>)
        tpu.yield
      }) : () -> ()
      %broadcast_in_dim3A_22 = arith.constant 205 : i32
      %broadcast_in_dim3A_23 = vector.broadcast %broadcast_in_dim3A_22 : i32 to vector<16xi32>
      %parallel_loop3A = arith.constant 0 : i32
      %parallel_loop3A_24 = arith.constant 4096 : i32
      %parallel_loop3A_25 = arith.constant 16 : i32
      scf.for %parallel_loop3A_95 = %parallel_loop3A to %parallel_loop3A_24 step %parallel_loop3A_25  : i32 {
        %parallel_loop3A_96 = arith.index_cast %parallel_loop3A_95 : i32 to index
        %parallel_loop3A_97 = tpu.vector_load %arg5[%parallel_loop3A_96] {strides = array<i32>} : memref<4096xi32, #tpu.memory_space<vmem>>, vector<16xi32>,
        tpu.vector_store %arg5[%parallel_loop3A_96], %broadcast_in_dim3A_3 {strides = array<i32>} : memref<4096xi32, #tpu.memory_space<vmem>>, vector<16xi32>,
      } {sc.loop_unroll_factor = 8 : i64, sc.parallel_access}
      %parallel_loop3A_26 = arith.constant 0 : i32
      %parallel_loop3A_27 = arith.constant 4096 : i32
      %parallel_loop3A_28 = arith.constant 1 : i32
      scf.for %parallel_loop3A_95 = %parallel_loop3A_26 to %parallel_loop3A_27 step %parallel_loop3A_28  : i32 {
        %parallel_loop3A_96 = vector.broadcast %parallel_loop3A_95 : i32 to vector<16xi32>
        %parallel_loop3A_97 = arith.addi %iota3A, %parallel_loop3A_96 : vector<16xi32>
        %parallel_loop3A_98 = arith.constant 4095 : i32
        %parallel_loop3A_99 = vector.broadcast %parallel_loop3A_98 : i32 to vector<16xi32>
        %parallel_loop3A_100 = arith.andi %parallel_loop3A_97, %parallel_loop3A_99 : vector<16xi32>
        %parallel_loop3A_101 = arith.addi %mul3A_9, %parallel_loop3A_100 : vector<16xi32>
        %parallel_loop3A_102 = tpu.vector_load_idx %arg4[%parallel_loop3A_101] : memref<65536xf32, #tpu.memory_space<vmem>>[vector<16xi32>], vector<16xf32>,
        %parallel_loop3A_103 = vector.bitcast %parallel_loop3A_102 : vector<16xf32> to vector<16xi32>
        %parallel_loop3A_104 = arith.constant 31 : i32
        %parallel_loop3A_105 = vector.broadcast %parallel_loop3A_104 : i32 to vector<16xi32>
        %parallel_loop3A_106 = arith.shrsi %parallel_loop3A_103, %parallel_loop3A_105 : vector<16xi32>
        %parallel_loop3A_107 = arith.constant -2147483648 : i32
        %parallel_loop3A_108 = vector.broadcast %parallel_loop3A_107 : i32 to vector<16xi32>
        %parallel_loop3A_109 = arith.ori %parallel_loop3A_106, %parallel_loop3A_108 : vector<16xi32>
        %parallel_loop3A_110 = arith.xori %parallel_loop3A_103, %parallel_loop3A_109 : vector<16xi32>
        %parallel_loop3A_111 = arith.constant 24 : i32
        %parallel_loop3A_112 = vector.broadcast %parallel_loop3A_111 : i32 to vector<16xi32>
        %parallel_loop3A_113 = arith.shrui %parallel_loop3A_110, %parallel_loop3A_112 : vector<16xi32>
        %parallel_loop3A_114 = arith.constant 255 : i32
        %parallel_loop3A_115 = vector.broadcast %parallel_loop3A_114 : i32 to vector<16xi32>
        %parallel_loop3A_116 = arith.andi %parallel_loop3A_113, %parallel_loop3A_115 : vector<16xi32>
        %parallel_loop3A_117 = arith.constant 4 : i32
        %parallel_loop3A_118 = vector.broadcast %parallel_loop3A_117 : i32 to vector<16xi32>
        %parallel_loop3A_119 = arith.shli %parallel_loop3A_116, %parallel_loop3A_118 : vector<16xi32>
        %parallel_loop3A_120 = arith.ori %parallel_loop3A_119, %iota3A : vector<16xi32>
        tpu.vector_store_idx %arg5[%parallel_loop3A_120], %broadcast_in_dim3A_1 {add = true} : memref<4096xi32, #tpu.memory_space<vmem>>[vector<16xi32>], vector<16xi32>,
      } {sc.loop_unroll_factor = 16 : i64, sc.parallel_access}
      %broadcast_in_dim3A_29 = arith.constant false
      %broadcast_in_dim3A_30 = vector.broadcast %broadcast_in_dim3A_29 : i1 to vector<16xi1>
      %parallel_loop3A_31 = arith.constant 0 : i32
      %parallel_loop3A_32 = arith.constant 256 : i32
      %parallel_loop3A_33 = arith.constant 1 : i32
      %parallel_loop3A_34:4 = scf.for %parallel_loop3A_95 = %parallel_loop3A_31 to %parallel_loop3A_32 step %parallel_loop3A_33 iter_args(%parallel_loop3A_96 = %broadcast_in_dim3A_3, %parallel_loop3A_97 = %broadcast_in_dim3A_30, %parallel_loop3A_98 = %broadcast_in_dim3A_3, %parallel_loop3A_99 = %broadcast_in_dim3A_3) -> (vector<16xi32>, vector<16xi1>, vector<16xi32>, vector<16xi32>)  : i32 {
        %parallel_loop3A_100 = arith.constant 255 : i32
        %parallel_loop3A_101 = arith.subi %parallel_loop3A_100, %parallel_loop3A_95 : i32
        %parallel_loop3A_102 = arith.constant 16 : i32
        %parallel_loop3A_103 = arith.muli %parallel_loop3A_101, %parallel_loop3A_102 : i32
        %parallel_loop3A_104 = arith.index_cast %parallel_loop3A_103 : i32 to index
        %parallel_loop3A_105 = tpu.vector_load %arg5[%parallel_loop3A_104] {strides = array<i32>} : memref<4096xi32, #tpu.memory_space<vmem>>, vector<16xi32>,
        %parallel_loop3A_106 = arith.addi %parallel_loop3A_96, %parallel_loop3A_105 : vector<16xi32>
        %parallel_loop3A_107 = arith.constant dense<true> : vector<16xi1>
        %parallel_loop3A_108 = arith.xori %parallel_loop3A_97, %parallel_loop3A_107 : vector<16xi1>
        %parallel_loop3A_109 = arith.cmpi sge, %parallel_loop3A_106, %broadcast_in_dim3A_23 : vector<16xi32>
        %parallel_loop3A_110 = arith.andi %parallel_loop3A_108, %parallel_loop3A_109 : vector<16xi1>
        %parallel_loop3A_111 = vector.broadcast %parallel_loop3A_101 : i32 to vector<16xi32>
        %parallel_loop3A_112 = arith.select %parallel_loop3A_110, %parallel_loop3A_111, %parallel_loop3A_98 : vector<16xi1>, vector<16xi32>
        %parallel_loop3A_113 = arith.select %parallel_loop3A_110, %parallel_loop3A_96, %parallel_loop3A_99 : vector<16xi1>, vector<16xi32>
        %parallel_loop3A_114 = arith.ori %parallel_loop3A_97, %parallel_loop3A_110 : vector<16xi1>
        scf.yield %parallel_loop3A_106, %parallel_loop3A_114, %parallel_loop3A_112, %parallel_loop3A_113 : vector<16xi32>, vector<16xi1>, vector<16xi32>, vector<16xi32>
      } {sc.loop_unroll_factor = 8 : i64, sc.parallel_access}
      %shift_left3A = arith.constant 8 : i32
      %shift_left3A_35 = vector.broadcast %shift_left3A : i32 to vector<16xi32>
      %shift_left3A_36 = arith.shli %broadcast_in_dim3A_3, %shift_left3A_35 : vector<16xi32>
      %or3A = arith.ori %shift_left3A_36, %parallel_loop3A_34#2 : vector<16xi32>
      %sub3A = arith.subi %broadcast_in_dim3A_23, %parallel_loop3A_34#3 : vector<16xi32>
      %parallel_loop3A_37 = arith.constant 0 : i32
      %parallel_loop3A_38 = arith.constant 4096 : i32
      %parallel_loop3A_39 = arith.constant 16 : i32
      scf.for %parallel_loop3A_95 = %parallel_loop3A_37 to %parallel_loop3A_38 step %parallel_loop3A_39  : i32 {
        %parallel_loop3A_96 = arith.index_cast %parallel_loop3A_95 : i32 to index
        %parallel_loop3A_97 = tpu.vector_load %arg5[%parallel_loop3A_96] {strides = array<i32>} : memref<4096xi32, #tpu.memory_space<vmem>>, vector<16xi32>,
        tpu.vector_store %arg5[%parallel_loop3A_96], %broadcast_in_dim3A_3 {strides = array<i32>} : memref<4096xi32, #tpu.memory_space<vmem>>, vector<16xi32>,
      } {sc.loop_unroll_factor = 8 : i64, sc.parallel_access}
      %parallel_loop3A_40 = arith.constant 0 : i32
      %parallel_loop3A_41 = arith.constant 4096 : i32
      %parallel_loop3A_42 = arith.constant 1 : i32
      scf.for %parallel_loop3A_95 = %parallel_loop3A_40 to %parallel_loop3A_41 step %parallel_loop3A_42  : i32 {
        %parallel_loop3A_96 = vector.broadcast %parallel_loop3A_95 : i32 to vector<16xi32>
        %parallel_loop3A_97 = arith.addi %iota3A, %parallel_loop3A_96 : vector<16xi32>
        %parallel_loop3A_98 = arith.constant 4095 : i32
        %parallel_loop3A_99 = vector.broadcast %parallel_loop3A_98 : i32 to vector<16xi32>
        %parallel_loop3A_100 = arith.andi %parallel_loop3A_97, %parallel_loop3A_99 : vector<16xi32>
        %parallel_loop3A_101 = arith.addi %mul3A_9, %parallel_loop3A_100 : vector<16xi32>
        %parallel_loop3A_102 = tpu.vector_load_idx %arg4[%parallel_loop3A_101] : memref<65536xf32, #tpu.memory_space<vmem>>[vector<16xi32>], vector<16xf32>,
        %parallel_loop3A_103 = vector.bitcast %parallel_loop3A_102 : vector<16xf32> to vector<16xi32>
        %parallel_loop3A_104 = arith.constant 31 : i32
        %parallel_loop3A_105 = vector.broadcast %parallel_loop3A_104 : i32 to vector<16xi32>
        %parallel_loop3A_106 = arith.shrsi %parallel_loop3A_103, %parallel_loop3A_105 : vector<16xi32>
        %parallel_loop3A_107 = arith.constant -2147483648 : i32
        %parallel_loop3A_108 = vector.broadcast %parallel_loop3A_107 : i32 to vector<16xi32>
        %parallel_loop3A_109 = arith.ori %parallel_loop3A_106, %parallel_loop3A_108 : vector<16xi32>
        %parallel_loop3A_110 = arith.xori %parallel_loop3A_103, %parallel_loop3A_109 : vector<16xi32>
        %parallel_loop3A_111 = arith.constant 16 : i32
        %parallel_loop3A_112 = vector.broadcast %parallel_loop3A_111 : i32 to vector<16xi32>
        %parallel_loop3A_113 = arith.shrui %parallel_loop3A_110, %parallel_loop3A_112 : vector<16xi32>
        %parallel_loop3A_114 = arith.constant 255 : i32
        %parallel_loop3A_115 = vector.broadcast %parallel_loop3A_114 : i32 to vector<16xi32>
        %parallel_loop3A_116 = arith.andi %parallel_loop3A_113, %parallel_loop3A_115 : vector<16xi32>
        %parallel_loop3A_117 = arith.constant 4 : i32
        %parallel_loop3A_118 = vector.broadcast %parallel_loop3A_117 : i32 to vector<16xi32>
        %parallel_loop3A_119 = arith.shli %parallel_loop3A_116, %parallel_loop3A_118 : vector<16xi32>
        %parallel_loop3A_120 = arith.ori %parallel_loop3A_119, %iota3A : vector<16xi32>
        %parallel_loop3A_121 = arith.constant 24 : i32
        %parallel_loop3A_122 = vector.broadcast %parallel_loop3A_121 : i32 to vector<16xi32>
        %parallel_loop3A_123 = arith.shrui %parallel_loop3A_110, %parallel_loop3A_122 : vector<16xi32>
        %parallel_loop3A_124 = arith.cmpi eq, %parallel_loop3A_123, %or3A : vector<16xi32>
        tpu.vector_store_idx %arg5[%parallel_loop3A_120], %broadcast_in_dim3A_1 masked %parallel_loop3A_124 {add = true} : memref<4096xi32, #tpu.memory_space<vmem>>[vector<16xi32>], vector<16xi32>, vector<16xi1>
      } {sc.loop_unroll_factor = 16 : i64, sc.parallel_access}
      %broadcast_in_dim3A_43 = arith.constant false
      %broadcast_in_dim3A_44 = vector.broadcast %broadcast_in_dim3A_43 : i1 to vector<16xi1>
      %parallel_loop3A_45 = arith.constant 0 : i32
      %parallel_loop3A_46 = arith.constant 256 : i32
      %parallel_loop3A_47 = arith.constant 1 : i32
      %parallel_loop3A_48:4 = scf.for %parallel_loop3A_95 = %parallel_loop3A_45 to %parallel_loop3A_46 step %parallel_loop3A_47 iter_args(%parallel_loop3A_96 = %broadcast_in_dim3A_3, %parallel_loop3A_97 = %broadcast_in_dim3A_44, %parallel_loop3A_98 = %broadcast_in_dim3A_3, %parallel_loop3A_99 = %broadcast_in_dim3A_3) -> (vector<16xi32>, vector<16xi1>, vector<16xi32>, vector<16xi32>)  : i32 {
        %parallel_loop3A_100 = arith.constant 255 : i32
        %parallel_loop3A_101 = arith.subi %parallel_loop3A_100, %parallel_loop3A_95 : i32
        %parallel_loop3A_102 = arith.constant 16 : i32
        %parallel_loop3A_103 = arith.muli %parallel_loop3A_101, %parallel_loop3A_102 : i32
        %parallel_loop3A_104 = arith.index_cast %parallel_loop3A_103 : i32 to index
        %parallel_loop3A_105 = tpu.vector_load %arg5[%parallel_loop3A_104] {strides = array<i32>} : memref<4096xi32, #tpu.memory_space<vmem>>, vector<16xi32>,
        %parallel_loop3A_106 = arith.addi %parallel_loop3A_96, %parallel_loop3A_105 : vector<16xi32>
        %parallel_loop3A_107 = arith.constant dense<true> : vector<16xi1>
        %parallel_loop3A_108 = arith.xori %parallel_loop3A_97, %parallel_loop3A_107 : vector<16xi1>
        %parallel_loop3A_109 = arith.cmpi sge, %parallel_loop3A_106, %sub3A : vector<16xi32>
        %parallel_loop3A_110 = arith.andi %parallel_loop3A_108, %parallel_loop3A_109 : vector<16xi1>
        %parallel_loop3A_111 = vector.broadcast %parallel_loop3A_101 : i32 to vector<16xi32>
        %parallel_loop3A_112 = arith.select %parallel_loop3A_110, %parallel_loop3A_111, %parallel_loop3A_98 : vector<16xi1>, vector<16xi32>
        %parallel_loop3A_113 = arith.select %parallel_loop3A_110, %parallel_loop3A_96, %parallel_loop3A_99 : vector<16xi1>, vector<16xi32>
        %parallel_loop3A_114 = arith.ori %parallel_loop3A_97, %parallel_loop3A_110 : vector<16xi1>
        scf.yield %parallel_loop3A_106, %parallel_loop3A_114, %parallel_loop3A_112, %parallel_loop3A_113 : vector<16xi32>, vector<16xi1>, vector<16xi32>, vector<16xi32>
      } {sc.loop_unroll_factor = 8 : i64, sc.parallel_access}
      %shift_left3A_49 = arith.constant 8 : i32
      %shift_left3A_50 = vector.broadcast %shift_left3A_49 : i32 to vector<16xi32>
      %shift_left3A_51 = arith.shli %or3A, %shift_left3A_50 : vector<16xi32>
      %or3A_52 = arith.ori %shift_left3A_51, %parallel_loop3A_48#2 : vector<16xi32>
      %sub3A_53 = arith.subi %sub3A, %parallel_loop3A_48#3 : vector<16xi32>
      %parallel_loop3A_54 = arith.constant 0 : i32
      %parallel_loop3A_55 = arith.constant 4096 : i32
      %parallel_loop3A_56 = arith.constant 16 : i32
      scf.for %parallel_loop3A_95 = %parallel_loop3A_54 to %parallel_loop3A_55 step %parallel_loop3A_56  : i32 {
        %parallel_loop3A_96 = arith.index_cast %parallel_loop3A_95 : i32 to index
        %parallel_loop3A_97 = tpu.vector_load %arg5[%parallel_loop3A_96] {strides = array<i32>} : memref<4096xi32, #tpu.memory_space<vmem>>, vector<16xi32>,
        tpu.vector_store %arg5[%parallel_loop3A_96], %broadcast_in_dim3A_3 {strides = array<i32>} : memref<4096xi32, #tpu.memory_space<vmem>>, vector<16xi32>,
      } {sc.loop_unroll_factor = 8 : i64, sc.parallel_access}
      %parallel_loop3A_57 = arith.constant 0 : i32
      %parallel_loop3A_58 = arith.constant 4096 : i32
      %parallel_loop3A_59 = arith.constant 1 : i32
      scf.for %parallel_loop3A_95 = %parallel_loop3A_57 to %parallel_loop3A_58 step %parallel_loop3A_59  : i32 {
        %parallel_loop3A_96 = vector.broadcast %parallel_loop3A_95 : i32 to vector<16xi32>
        %parallel_loop3A_97 = arith.addi %iota3A, %parallel_loop3A_96 : vector<16xi32>
        %parallel_loop3A_98 = arith.constant 4095 : i32
        %parallel_loop3A_99 = vector.broadcast %parallel_loop3A_98 : i32 to vector<16xi32>
        %parallel_loop3A_100 = arith.andi %parallel_loop3A_97, %parallel_loop3A_99 : vector<16xi32>
        %parallel_loop3A_101 = arith.addi %mul3A_9, %parallel_loop3A_100 : vector<16xi32>
        %parallel_loop3A_102 = tpu.vector_load_idx %arg4[%parallel_loop3A_101] : memref<65536xf32, #tpu.memory_space<vmem>>[vector<16xi32>], vector<16xf32>,
        %parallel_loop3A_103 = vector.bitcast %parallel_loop3A_102 : vector<16xf32> to vector<16xi32>
        %parallel_loop3A_104 = arith.constant 31 : i32
        %parallel_loop3A_105 = vector.broadcast %parallel_loop3A_104 : i32 to vector<16xi32>
        %parallel_loop3A_106 = arith.shrsi %parallel_loop3A_103, %parallel_loop3A_105 : vector<16xi32>
        %parallel_loop3A_107 = arith.constant -2147483648 : i32
        %parallel_loop3A_108 = vector.broadcast %parallel_loop3A_107 : i32 to vector<16xi32>
        %parallel_loop3A_109 = arith.ori %parallel_loop3A_106, %parallel_loop3A_108 : vector<16xi32>
        %parallel_loop3A_110 = arith.xori %parallel_loop3A_103, %parallel_loop3A_109 : vector<16xi32>
        %parallel_loop3A_111 = arith.constant 8 : i32
        %parallel_loop3A_112 = vector.broadcast %parallel_loop3A_111 : i32 to vector<16xi32>
        %parallel_loop3A_113 = arith.shrui %parallel_loop3A_110, %parallel_loop3A_112 : vector<16xi32>
        %parallel_loop3A_114 = arith.constant 255 : i32
        %parallel_loop3A_115 = vector.broadcast %parallel_loop3A_114 : i32 to vector<16xi32>
        %parallel_loop3A_116 = arith.andi %parallel_loop3A_113, %parallel_loop3A_115 : vector<16xi32>
        %parallel_loop3A_117 = arith.constant 4 : i32
        %parallel_loop3A_118 = vector.broadcast %parallel_loop3A_117 : i32 to vector<16xi32>
        %parallel_loop3A_119 = arith.shli %parallel_loop3A_116, %parallel_loop3A_118 : vector<16xi32>
        %parallel_loop3A_120 = arith.ori %parallel_loop3A_119, %iota3A : vector<16xi32>
        %parallel_loop3A_121 = arith.constant 16 : i32
        %parallel_loop3A_122 = vector.broadcast %parallel_loop3A_121 : i32 to vector<16xi32>
        %parallel_loop3A_123 = arith.shrui %parallel_loop3A_110, %parallel_loop3A_122 : vector<16xi32>
        %parallel_loop3A_124 = arith.cmpi eq, %parallel_loop3A_123, %or3A_52 : vector<16xi32>
        tpu.vector_store_idx %arg5[%parallel_loop3A_120], %broadcast_in_dim3A_1 masked %parallel_loop3A_124 {add = true} : memref<4096xi32, #tpu.memory_space<vmem>>[vector<16xi32>], vector<16xi32>, vector<16xi1>
      } {sc.loop_unroll_factor = 16 : i64, sc.parallel_access}
      %broadcast_in_dim3A_60 = arith.constant false
      %broadcast_in_dim3A_61 = vector.broadcast %broadcast_in_dim3A_60 : i1 to vector<16xi1>
      %parallel_loop3A_62 = arith.constant 0 : i32
      %parallel_loop3A_63 = arith.constant 256 : i32
      %parallel_loop3A_64 = arith.constant 1 : i32
      %parallel_loop3A_65:4 = scf.for %parallel_loop3A_95 = %parallel_loop3A_62 to %parallel_loop3A_63 step %parallel_loop3A_64 iter_args(%parallel_loop3A_96 = %broadcast_in_dim3A_3, %parallel_loop3A_97 = %broadcast_in_dim3A_61, %parallel_loop3A_98 = %broadcast_in_dim3A_3, %parallel_loop3A_99 = %broadcast_in_dim3A_3) -> (vector<16xi32>, vector<16xi1>, vector<16xi32>, vector<16xi32>)  : i32 {
        %parallel_loop3A_100 = arith.constant 255 : i32
        %parallel_loop3A_101 = arith.subi %parallel_loop3A_100, %parallel_loop3A_95 : i32
        %parallel_loop3A_102 = arith.constant 16 : i32
        %parallel_loop3A_103 = arith.muli %parallel_loop3A_101, %parallel_loop3A_102 : i32
        %parallel_loop3A_104 = arith.index_cast %parallel_loop3A_103 : i32 to index
        %parallel_loop3A_105 = tpu.vector_load %arg5[%parallel_loop3A_104] {strides = array<i32>} : memref<4096xi32, #tpu.memory_space<vmem>>, vector<16xi32>,
        %parallel_loop3A_106 = arith.addi %parallel_loop3A_96, %parallel_loop3A_105 : vector<16xi32>
        %parallel_loop3A_107 = arith.constant dense<true> : vector<16xi1>
        %parallel_loop3A_108 = arith.xori %parallel_loop3A_97, %parallel_loop3A_107 : vector<16xi1>
        %parallel_loop3A_109 = arith.cmpi sge, %parallel_loop3A_106, %sub3A_53 : vector<16xi32>
        %parallel_loop3A_110 = arith.andi %parallel_loop3A_108, %parallel_loop3A_109 : vector<16xi1>
        %parallel_loop3A_111 = vector.broadcast %parallel_loop3A_101 : i32 to vector<16xi32>
        %parallel_loop3A_112 = arith.select %parallel_loop3A_110, %parallel_loop3A_111, %parallel_loop3A_98 : vector<16xi1>, vector<16xi32>
        %parallel_loop3A_113 = arith.select %parallel_loop3A_110, %parallel_loop3A_96, %parallel_loop3A_99 : vector<16xi1>, vector<16xi32>
        %parallel_loop3A_114 = arith.ori %parallel_loop3A_97, %parallel_loop3A_110 : vector<16xi1>
        scf.yield %parallel_loop3A_106, %parallel_loop3A_114, %parallel_loop3A_112, %parallel_loop3A_113 : vector<16xi32>, vector<16xi1>, vector<16xi32>, vector<16xi32>
      } {sc.loop_unroll_factor = 8 : i64, sc.parallel_access}
      %shift_left3A_66 = arith.constant 8 : i32
      %shift_left3A_67 = vector.broadcast %shift_left3A_66 : i32 to vector<16xi32>
      %shift_left3A_68 = arith.shli %or3A_52, %shift_left3A_67 : vector<16xi32>
      %or3A_69 = arith.ori %shift_left3A_68, %parallel_loop3A_65#2 : vector<16xi32>
      %sub3A_70 = arith.subi %sub3A_53, %parallel_loop3A_65#3 : vector<16xi32>
      %parallel_loop3A_71 = arith.constant 0 : i32
      %parallel_loop3A_72 = arith.constant 4096 : i32
      %parallel_loop3A_73 = arith.constant 16 : i32
      scf.for %parallel_loop3A_95 = %parallel_loop3A_71 to %parallel_loop3A_72 step %parallel_loop3A_73  : i32 {
        %parallel_loop3A_96 = arith.index_cast %parallel_loop3A_95 : i32 to index
        %parallel_loop3A_97 = tpu.vector_load %arg5[%parallel_loop3A_96] {strides = array<i32>} : memref<4096xi32, #tpu.memory_space<vmem>>, vector<16xi32>,
        tpu.vector_store %arg5[%parallel_loop3A_96], %broadcast_in_dim3A_3 {strides = array<i32>} : memref<4096xi32, #tpu.memory_space<vmem>>, vector<16xi32>,
      } {sc.loop_unroll_factor = 8 : i64, sc.parallel_access}
      %parallel_loop3A_74 = arith.constant 0 : i32
      %parallel_loop3A_75 = arith.constant 4096 : i32
      %parallel_loop3A_76 = arith.constant 1 : i32
      scf.for %parallel_loop3A_95 = %parallel_loop3A_74 to %parallel_loop3A_75 step %parallel_loop3A_76  : i32 {
        %parallel_loop3A_96 = vector.broadcast %parallel_loop3A_95 : i32 to vector<16xi32>
        %parallel_loop3A_97 = arith.addi %iota3A, %parallel_loop3A_96 : vector<16xi32>
        %parallel_loop3A_98 = arith.constant 4095 : i32
        %parallel_loop3A_99 = vector.broadcast %parallel_loop3A_98 : i32 to vector<16xi32>
        %parallel_loop3A_100 = arith.andi %parallel_loop3A_97, %parallel_loop3A_99 : vector<16xi32>
        %parallel_loop3A_101 = arith.addi %mul3A_9, %parallel_loop3A_100 : vector<16xi32>
        %parallel_loop3A_102 = tpu.vector_load_idx %arg4[%parallel_loop3A_101] : memref<65536xf32, #tpu.memory_space<vmem>>[vector<16xi32>], vector<16xf32>,
        %parallel_loop3A_103 = vector.bitcast %parallel_loop3A_102 : vector<16xf32> to vector<16xi32>
        %parallel_loop3A_104 = arith.constant 31 : i32
        %parallel_loop3A_105 = vector.broadcast %parallel_loop3A_104 : i32 to vector<16xi32>
        %parallel_loop3A_106 = arith.shrsi %parallel_loop3A_103, %parallel_loop3A_105 : vector<16xi32>
        %parallel_loop3A_107 = arith.constant -2147483648 : i32
        %parallel_loop3A_108 = vector.broadcast %parallel_loop3A_107 : i32 to vector<16xi32>
        %parallel_loop3A_109 = arith.ori %parallel_loop3A_106, %parallel_loop3A_108 : vector<16xi32>
        %parallel_loop3A_110 = arith.xori %parallel_loop3A_103, %parallel_loop3A_109 : vector<16xi32>
        %parallel_loop3A_111 = arith.constant 0 : i32
        %parallel_loop3A_112 = vector.broadcast %parallel_loop3A_111 : i32 to vector<16xi32>
        %parallel_loop3A_113 = arith.shrui %parallel_loop3A_110, %parallel_loop3A_112 : vector<16xi32>
        %parallel_loop3A_114 = arith.constant 255 : i32
        %parallel_loop3A_115 = vector.broadcast %parallel_loop3A_114 : i32 to vector<16xi32>
        %parallel_loop3A_116 = arith.andi %parallel_loop3A_113, %parallel_loop3A_115 : vector<16xi32>
        %parallel_loop3A_117 = arith.constant 4 : i32
        %parallel_loop3A_118 = vector.broadcast %parallel_loop3A_117 : i32 to vector<16xi32>
        %parallel_loop3A_119 = arith.shli %parallel_loop3A_116, %parallel_loop3A_118 : vector<16xi32>
        %parallel_loop3A_120 = arith.ori %parallel_loop3A_119, %iota3A : vector<16xi32>
        %parallel_loop3A_121 = arith.constant 8 : i32
        %parallel_loop3A_122 = vector.broadcast %parallel_loop3A_121 : i32 to vector<16xi32>
        %parallel_loop3A_123 = arith.shrui %parallel_loop3A_110, %parallel_loop3A_122 : vector<16xi32>
        %parallel_loop3A_124 = arith.cmpi eq, %parallel_loop3A_123, %or3A_69 : vector<16xi32>
        tpu.vector_store_idx %arg5[%parallel_loop3A_120], %broadcast_in_dim3A_1 masked %parallel_loop3A_124 {add = true} : memref<4096xi32, #tpu.memory_space<vmem>>[vector<16xi32>], vector<16xi32>, vector<16xi1>
      } {sc.loop_unroll_factor = 16 : i64, sc.parallel_access}
      %broadcast_in_dim3A_77 = arith.constant false
      %broadcast_in_dim3A_78 = vector.broadcast %broadcast_in_dim3A_77 : i1 to vector<16xi1>
      %parallel_loop3A_79 = arith.constant 0 : i32
      %parallel_loop3A_80 = arith.constant 256 : i32
      %parallel_loop3A_81 = arith.constant 1 : i32
      %parallel_loop3A_82:4 = scf.for %parallel_loop3A_95 = %parallel_loop3A_79 to %parallel_loop3A_80 step %parallel_loop3A_81 iter_args(%parallel_loop3A_96 = %broadcast_in_dim3A_3, %parallel_loop3A_97 = %broadcast_in_dim3A_78, %parallel_loop3A_98 = %broadcast_in_dim3A_3, %parallel_loop3A_99 = %broadcast_in_dim3A_3) -> (vector<16xi32>, vector<16xi1>, vector<16xi32>, vector<16xi32>)  : i32 {
        %parallel_loop3A_100 = arith.constant 255 : i32
        %parallel_loop3A_101 = arith.subi %parallel_loop3A_100, %parallel_loop3A_95 : i32
        %parallel_loop3A_102 = arith.constant 16 : i32
        %parallel_loop3A_103 = arith.muli %parallel_loop3A_101, %parallel_loop3A_102 : i32
        %parallel_loop3A_104 = arith.index_cast %parallel_loop3A_103 : i32 to index
        %parallel_loop3A_105 = tpu.vector_load %arg5[%parallel_loop3A_104] {strides = array<i32>} : memref<4096xi32, #tpu.memory_space<vmem>>, vector<16xi32>,
        %parallel_loop3A_106 = arith.addi %parallel_loop3A_96, %parallel_loop3A_105 : vector<16xi32>
        %parallel_loop3A_107 = arith.constant dense<true> : vector<16xi1>
        %parallel_loop3A_108 = arith.xori %parallel_loop3A_97, %parallel_loop3A_107 : vector<16xi1>
        %parallel_loop3A_109 = arith.cmpi sge, %parallel_loop3A_106, %sub3A_70 : vector<16xi32>
        %parallel_loop3A_110 = arith.andi %parallel_loop3A_108, %parallel_loop3A_109 : vector<16xi1>
        %parallel_loop3A_111 = vector.broadcast %parallel_loop3A_101 : i32 to vector<16xi32>
        %parallel_loop3A_112 = arith.select %parallel_loop3A_110, %parallel_loop3A_111, %parallel_loop3A_98 : vector<16xi1>, vector<16xi32>
        %parallel_loop3A_113 = arith.select %parallel_loop3A_110, %parallel_loop3A_96, %parallel_loop3A_99 : vector<16xi1>, vector<16xi32>
        %parallel_loop3A_114 = arith.ori %parallel_loop3A_97, %parallel_loop3A_110 : vector<16xi1>
        scf.yield %parallel_loop3A_106, %parallel_loop3A_114, %parallel_loop3A_112, %parallel_loop3A_113 : vector<16xi32>, vector<16xi1>, vector<16xi32>, vector<16xi32>
      } {sc.loop_unroll_factor = 8 : i64, sc.parallel_access}
      %shift_left3A_83 = arith.constant 8 : i32
      %shift_left3A_84 = vector.broadcast %shift_left3A_83 : i32 to vector<16xi32>
      %shift_left3A_85 = arith.shli %or3A_69, %shift_left3A_84 : vector<16xi32>
      %or3A_86 = arith.ori %shift_left3A_85, %parallel_loop3A_82#2 : vector<16xi32>
      %sub3A_87 = arith.subi %sub3A_70, %parallel_loop3A_82#3 : vector<16xi32>
      %xor3A = arith.constant -2147483648 : i32
      %xor3A_88 = vector.broadcast %xor3A : i32 to vector<16xi32>
      %xor3A_89 = arith.xori %or3A_86, %xor3A_88 : vector<16xi32>
      %parallel_loop3A_90 = arith.constant 0 : i32
      %parallel_loop3A_91 = arith.constant 4096 : i32
      %parallel_loop3A_92 = arith.constant 1 : i32
      scf.for %parallel_loop3A_95 = %parallel_loop3A_90 to %parallel_loop3A_91 step %parallel_loop3A_92  : i32 {
        %parallel_loop3A_96 = vector.broadcast %parallel_loop3A_95 : i32 to vector<16xi32>
        %parallel_loop3A_97 = arith.addi %iota3A, %parallel_loop3A_96 : vector<16xi32>
        %parallel_loop3A_98 = arith.constant 4095 : i32
        %parallel_loop3A_99 = vector.broadcast %parallel_loop3A_98 : i32 to vector<16xi32>
        %parallel_loop3A_100 = arith.andi %parallel_loop3A_97, %parallel_loop3A_99 : vector<16xi32>
        %parallel_loop3A_101 = arith.addi %mul3A_9, %parallel_loop3A_100 : vector<16xi32>
        %parallel_loop3A_102 = tpu.vector_load_idx %arg4[%parallel_loop3A_101] : memref<65536xf32, #tpu.memory_space<vmem>>[vector<16xi32>], vector<16xf32>,
        %parallel_loop3A_103 = vector.bitcast %parallel_loop3A_102 : vector<16xf32> to vector<16xi32>
        %parallel_loop3A_104 = arith.constant 31 : i32
        %parallel_loop3A_105 = vector.broadcast %parallel_loop3A_104 : i32 to vector<16xi32>
        %parallel_loop3A_106 = arith.shrsi %parallel_loop3A_103, %parallel_loop3A_105 : vector<16xi32>
        %parallel_loop3A_107 = arith.constant 2147483647 : i32
        %parallel_loop3A_108 = vector.broadcast %parallel_loop3A_107 : i32 to vector<16xi32>
        %parallel_loop3A_109 = arith.andi %parallel_loop3A_106, %parallel_loop3A_108 : vector<16xi32>
        %parallel_loop3A_110 = arith.xori %parallel_loop3A_103, %parallel_loop3A_109 : vector<16xi32>
        %parallel_loop3A_111 = arith.cmpi sge, %parallel_loop3A_110, %xor3A_89 : vector<16xi32>
        %parallel_loop3A_112 = arith.constant 0.000000e+00 : f32
        %parallel_loop3A_113 = vector.broadcast %parallel_loop3A_112 : f32 to vector<16xf32>
        %parallel_loop3A_114 = arith.select %parallel_loop3A_111, %parallel_loop3A_102, %parallel_loop3A_113 : vector<16xi1>, vector<16xf32>
        tpu.vector_store_idx %arg4[%parallel_loop3A_101], %parallel_loop3A_114 : memref<65536xf32, #tpu.memory_space<vmem>>[vector<16xi32>], vector<16xf32>,
      } {sc.loop_unroll_factor = 16 : i64, sc.parallel_access}
      %mul3A_93 = arith.constant 4096 : i32
      %mul3A_94 = arith.muli %add3A_19, %mul3A_93 : i32
      "tpu.region"() ({
        %run_scoped3A = tpu.sem_alloc : memref<!tpu.dma_semaphore, #tpu.memory_space<semaphore_mem>>
        %dma_start3A = tpu.memref_slice %arg3[%mul3A_94] : memref<10485760xf32, #tpu.memory_space<hbm>> -> memref<65536xf32, #tpu.memory_space<hbm>>
        %dma_start3A_95 = tpu.memref_slice %arg3[%mul3A_94] : memref<10485760xf32, #tpu.memory_space<hbm>> -> memref<65536xf32, #tpu.memory_space<hbm>>
        tpu.enqueue_dma source(%arg4 : memref<65536xf32, #tpu.memory_space<vmem>>) target(%dma_start3A_95 : memref<65536xf32, #tpu.memory_space<hbm>>) target_semaphore(%run_scoped3A : memref<!tpu.dma_semaphore, #tpu.memory_space<semaphore_mem>>)
        %dma_wait3A = tpu.memref_slice %arg3[%mul3A_94] : memref<10485760xf32, #tpu.memory_space<hbm>> -> memref<65536xf32, #tpu.memory_space<hbm>>
        %dma_wait3A_96 = tpu.memref_slice %arg3[%mul3A_94] : memref<10485760xf32, #tpu.memory_space<hbm>> -> memref<65536xf32, #tpu.memory_space<hbm>>
        tpu.wait_dma2 semaphore(%run_scoped3A : memref<!tpu.dma_semaphore, #tpu.memory_space<semaphore_mem>>) src(%arg4 : memref<65536xf32, #tpu.memory_space<vmem>>) dst(%dma_wait3A_96 : memref<65536xf32, #tpu.memory_space<hbm>>)
        tpu.yield
      }) : () -> ()
    }
    %scan3A_13 = arith.constant 5 : i32
    return
  }
}

module attributes {stable_mosaic.version = 14 : i64} {
  func.func @_tc_body(%arg0: i32, %arg1: memref<256x4096xf32, #tpu.memory_space<vmem>>, %arg2: memref<256x4096xf32, #tpu.memory_space<vmem>>) attributes {dimension_semantics = [#tpu.dimension_semantics<arbitrary>], iteration_bounds = array<i64: 22>, scalar_prefetch = 0 : i64, scratch_operands = 0 : i64, tpu.core_type = #tpu.core_type<tc>, window_params = [{transform_indices = @transform_0, window_bounds = array<i64: 256, 4096>}, {transform_indices = @transform_1, window_bounds = array<i64: 256, 4096>}]} {
    %get3A = arith.constant 0 : index
    %get3A_0 = arith.constant 0 : index
    %get3A_1 = vector.load %arg1[%get3A, %get3A_0] : memref<256x4096xf32, #tpu.memory_space<vmem>>, vector<256x4096xf32>
    %bitcast_convert_type3A = tpu.bitcast %get3A_1 : vector<256x4096xf32> -> vector<256x4096xi32>
    %shift_right_arithmetic3A = arith.constant 31 : i32
    %shift_right_arithmetic3A_2 = vector.broadcast %shift_right_arithmetic3A : i32 to vector<256x4096xi32>
    %shift_right_arithmetic3A_3 = arith.shrsi %bitcast_convert_type3A, %shift_right_arithmetic3A_2 : vector<256x4096xi32>
    %and3A = arith.constant 2147483647 : i32
    %and3A_4 = vector.broadcast %and3A : i32 to vector<256x4096xi32>
    %and3A_5 = arith.andi %shift_right_arithmetic3A_3, %and3A_4 : vector<256x4096xi32>
    %xor3A = arith.xori %bitcast_convert_type3A, %and3A_5 : vector<256x4096xi32>
    %broadcast_in_dim3A = arith.constant 0 : i32
    %broadcast_in_dim3A_6 = vector.broadcast %broadcast_in_dim3A : i32 to vector<256x1xi32>
    %or3A = arith.constant -2147483648 : i32
    %or3A_7 = vector.broadcast %or3A : i32 to vector<256x1xi32>
    %or3A_8 = arith.ori %broadcast_in_dim3A_6, %or3A_7 : vector<256x1xi32>
    %xor3A_9 = arith.constant -2147483648 : i32
    %xor3A_10 = vector.broadcast %xor3A_9 : i32 to vector<256x1xi32>
    %xor3A_11 = arith.xori %or3A_8, %xor3A_10 : vector<256x1xi32>
    %ge3A = vector.broadcast %xor3A_11 : vector<256x1xi32> to vector<256x4096xi32>
    %ge3A_12 = arith.cmpi sge, %xor3A, %ge3A : vector<256x4096xi32>
    %convert_element_type3A = arith.extui %ge3A_12 : vector<256x4096xi1> to vector<256x4096xi32>
    %reduce_sum3A = arith.constant dense<0> : vector<256xi32>
    %reduce_sum3A_13 = vector.multi_reduction <add>, %convert_element_type3A, %reduce_sum3A [1] : vector<256x4096xi32> to vector<256xi32>
    %broadcast_in_dim3A_14 = vector.shape_cast %reduce_sum3A_13 : vector<256xi32> to vector<256x1xi32>
    %ge3A_15 = arith.constant 205 : i32
    %ge3A_16 = vector.broadcast %ge3A_15 : i32 to vector<256x1xi32>
    %ge3A_17 = arith.cmpi sge, %broadcast_in_dim3A_14, %ge3A_16 : vector<256x1xi32>
    %select_n3A = arith.select %ge3A_17, %or3A_8, %broadcast_in_dim3A_6 : vector<256x1xi1>, vector<256x1xi32>
    %or3A_18 = arith.constant 1073741824 : i32
    %or3A_19 = vector.broadcast %or3A_18 : i32 to vector<256x1xi32>
    %or3A_20 = arith.ori %select_n3A, %or3A_19 : vector<256x1xi32>
    %xor3A_21 = arith.constant -2147483648 : i32
    %xor3A_22 = vector.broadcast %xor3A_21 : i32 to vector<256x1xi32>
    %xor3A_23 = arith.xori %or3A_20, %xor3A_22 : vector<256x1xi32>
    %ge3A_24 = vector.broadcast %xor3A_23 : vector<256x1xi32> to vector<256x4096xi32>
    %ge3A_25 = arith.cmpi sge, %xor3A, %ge3A_24 : vector<256x4096xi32>
    %convert_element_type3A_26 = arith.extui %ge3A_25 : vector<256x4096xi1> to vector<256x4096xi32>
    %reduce_sum3A_27 = arith.constant dense<0> : vector<256xi32>
    %reduce_sum3A_28 = vector.multi_reduction <add>, %convert_element_type3A_26, %reduce_sum3A_27 [1] : vector<256x4096xi32> to vector<256xi32>
    %broadcast_in_dim3A_29 = vector.shape_cast %reduce_sum3A_28 : vector<256xi32> to vector<256x1xi32>
    %ge3A_30 = arith.constant 205 : i32
    %ge3A_31 = vector.broadcast %ge3A_30 : i32 to vector<256x1xi32>
    %ge3A_32 = arith.cmpi sge, %broadcast_in_dim3A_29, %ge3A_31 : vector<256x1xi32>
    %select_n3A_33 = arith.select %ge3A_32, %or3A_20, %select_n3A : vector<256x1xi1>, vector<256x1xi32>
    %or3A_34 = arith.constant 536870912 : i32
    %or3A_35 = vector.broadcast %or3A_34 : i32 to vector<256x1xi32>
    %or3A_36 = arith.ori %select_n3A_33, %or3A_35 : vector<256x1xi32>
    %xor3A_37 = arith.constant -2147483648 : i32
    %xor3A_38 = vector.broadcast %xor3A_37 : i32 to vector<256x1xi32>
    %xor3A_39 = arith.xori %or3A_36, %xor3A_38 : vector<256x1xi32>
    %ge3A_40 = vector.broadcast %xor3A_39 : vector<256x1xi32> to vector<256x4096xi32>
    %ge3A_41 = arith.cmpi sge, %xor3A, %ge3A_40 : vector<256x4096xi32>
    %convert_element_type3A_42 = arith.extui %ge3A_41 : vector<256x4096xi1> to vector<256x4096xi32>
    %reduce_sum3A_43 = arith.constant dense<0> : vector<256xi32>
    %reduce_sum3A_44 = vector.multi_reduction <add>, %convert_element_type3A_42, %reduce_sum3A_43 [1] : vector<256x4096xi32> to vector<256xi32>
    %broadcast_in_dim3A_45 = vector.shape_cast %reduce_sum3A_44 : vector<256xi32> to vector<256x1xi32>
    %ge3A_46 = arith.constant 205 : i32
    %ge3A_47 = vector.broadcast %ge3A_46 : i32 to vector<256x1xi32>
    %ge3A_48 = arith.cmpi sge, %broadcast_in_dim3A_45, %ge3A_47 : vector<256x1xi32>
    %select_n3A_49 = arith.select %ge3A_48, %or3A_36, %select_n3A_33 : vector<256x1xi1>, vector<256x1xi32>
    %or3A_50 = arith.constant 268435456 : i32
    %or3A_51 = vector.broadcast %or3A_50 : i32 to vector<256x1xi32>
    %or3A_52 = arith.ori %select_n3A_49, %or3A_51 : vector<256x1xi32>
    %xor3A_53 = arith.constant -2147483648 : i32
    %xor3A_54 = vector.broadcast %xor3A_53 : i32 to vector<256x1xi32>
    %xor3A_55 = arith.xori %or3A_52, %xor3A_54 : vector<256x1xi32>
    %ge3A_56 = vector.broadcast %xor3A_55 : vector<256x1xi32> to vector<256x4096xi32>
    %ge3A_57 = arith.cmpi sge, %xor3A, %ge3A_56 : vector<256x4096xi32>
    %convert_element_type3A_58 = arith.extui %ge3A_57 : vector<256x4096xi1> to vector<256x4096xi32>
    %reduce_sum3A_59 = arith.constant dense<0> : vector<256xi32>
    %reduce_sum3A_60 = vector.multi_reduction <add>, %convert_element_type3A_58, %reduce_sum3A_59 [1] : vector<256x4096xi32> to vector<256xi32>
    %broadcast_in_dim3A_61 = vector.shape_cast %reduce_sum3A_60 : vector<256xi32> to vector<256x1xi32>
    %ge3A_62 = arith.constant 205 : i32
    %ge3A_63 = vector.broadcast %ge3A_62 : i32 to vector<256x1xi32>
    %ge3A_64 = arith.cmpi sge, %broadcast_in_dim3A_61, %ge3A_63 : vector<256x1xi32>
    %select_n3A_65 = arith.select %ge3A_64, %or3A_52, %select_n3A_49 : vector<256x1xi1>, vector<256x1xi32>
    %or3A_66 = arith.constant 134217728 : i32
    %or3A_67 = vector.broadcast %or3A_66 : i32 to vector<256x1xi32>
    %or3A_68 = arith.ori %select_n3A_65, %or3A_67 : vector<256x1xi32>
    %xor3A_69 = arith.constant -2147483648 : i32
    %xor3A_70 = vector.broadcast %xor3A_69 : i32 to vector<256x1xi32>
    %xor3A_71 = arith.xori %or3A_68, %xor3A_70 : vector<256x1xi32>
    %ge3A_72 = vector.broadcast %xor3A_71 : vector<256x1xi32> to vector<256x4096xi32>
    %ge3A_73 = arith.cmpi sge, %xor3A, %ge3A_72 : vector<256x4096xi32>
    %convert_element_type3A_74 = arith.extui %ge3A_73 : vector<256x4096xi1> to vector<256x4096xi32>
    %reduce_sum3A_75 = arith.constant dense<0> : vector<256xi32>
    %reduce_sum3A_76 = vector.multi_reduction <add>, %convert_element_type3A_74, %reduce_sum3A_75 [1] : vector<256x4096xi32> to vector<256xi32>
    %broadcast_in_dim3A_77 = vector.shape_cast %reduce_sum3A_76 : vector<256xi32> to vector<256x1xi32>
    %ge3A_78 = arith.constant 205 : i32
    %ge3A_79 = vector.broadcast %ge3A_78 : i32 to vector<256x1xi32>
    %ge3A_80 = arith.cmpi sge, %broadcast_in_dim3A_77, %ge3A_79 : vector<256x1xi32>
    %select_n3A_81 = arith.select %ge3A_80, %or3A_68, %select_n3A_65 : vector<256x1xi1>, vector<256x1xi32>
    %or3A_82 = arith.constant 67108864 : i32
    %or3A_83 = vector.broadcast %or3A_82 : i32 to vector<256x1xi32>
    %or3A_84 = arith.ori %select_n3A_81, %or3A_83 : vector<256x1xi32>
    %xor3A_85 = arith.constant -2147483648 : i32
    %xor3A_86 = vector.broadcast %xor3A_85 : i32 to vector<256x1xi32>
    %xor3A_87 = arith.xori %or3A_84, %xor3A_86 : vector<256x1xi32>
    %ge3A_88 = vector.broadcast %xor3A_87 : vector<256x1xi32> to vector<256x4096xi32>
    %ge3A_89 = arith.cmpi sge, %xor3A, %ge3A_88 : vector<256x4096xi32>
    %convert_element_type3A_90 = arith.extui %ge3A_89 : vector<256x4096xi1> to vector<256x4096xi32>
    %reduce_sum3A_91 = arith.constant dense<0> : vector<256xi32>
    %reduce_sum3A_92 = vector.multi_reduction <add>, %convert_element_type3A_90, %reduce_sum3A_91 [1] : vector<256x4096xi32> to vector<256xi32>
    %broadcast_in_dim3A_93 = vector.shape_cast %reduce_sum3A_92 : vector<256xi32> to vector<256x1xi32>
    %ge3A_94 = arith.constant 205 : i32
    %ge3A_95 = vector.broadcast %ge3A_94 : i32 to vector<256x1xi32>
    %ge3A_96 = arith.cmpi sge, %broadcast_in_dim3A_93, %ge3A_95 : vector<256x1xi32>
    %select_n3A_97 = arith.select %ge3A_96, %or3A_84, %select_n3A_81 : vector<256x1xi1>, vector<256x1xi32>
    %or3A_98 = arith.constant 33554432 : i32
    %or3A_99 = vector.broadcast %or3A_98 : i32 to vector<256x1xi32>
    %or3A_100 = arith.ori %select_n3A_97, %or3A_99 : vector<256x1xi32>
    %xor3A_101 = arith.constant -2147483648 : i32
    %xor3A_102 = vector.broadcast %xor3A_101 : i32 to vector<256x1xi32>
    %xor3A_103 = arith.xori %or3A_100, %xor3A_102 : vector<256x1xi32>
    %ge3A_104 = vector.broadcast %xor3A_103 : vector<256x1xi32> to vector<256x4096xi32>
    %ge3A_105 = arith.cmpi sge, %xor3A, %ge3A_104 : vector<256x4096xi32>
    %convert_element_type3A_106 = arith.extui %ge3A_105 : vector<256x4096xi1> to vector<256x4096xi32>
    %reduce_sum3A_107 = arith.constant dense<0> : vector<256xi32>
    %reduce_sum3A_108 = vector.multi_reduction <add>, %convert_element_type3A_106, %reduce_sum3A_107 [1] : vector<256x4096xi32> to vector<256xi32>
    %broadcast_in_dim3A_109 = vector.shape_cast %reduce_sum3A_108 : vector<256xi32> to vector<256x1xi32>
    %ge3A_110 = arith.constant 205 : i32
    %ge3A_111 = vector.broadcast %ge3A_110 : i32 to vector<256x1xi32>
    %ge3A_112 = arith.cmpi sge, %broadcast_in_dim3A_109, %ge3A_111 : vector<256x1xi32>
    %select_n3A_113 = arith.select %ge3A_112, %or3A_100, %select_n3A_97 : vector<256x1xi1>, vector<256x1xi32>
    %or3A_114 = arith.constant 16777216 : i32
    %or3A_115 = vector.broadcast %or3A_114 : i32 to vector<256x1xi32>
    %or3A_116 = arith.ori %select_n3A_113, %or3A_115 : vector<256x1xi32>
    %xor3A_117 = arith.constant -2147483648 : i32
    %xor3A_118 = vector.broadcast %xor3A_117 : i32 to vector<256x1xi32>
    %xor3A_119 = arith.xori %or3A_116, %xor3A_118 : vector<256x1xi32>
    %ge3A_120 = vector.broadcast %xor3A_119 : vector<256x1xi32> to vector<256x4096xi32>
    %ge3A_121 = arith.cmpi sge, %xor3A, %ge3A_120 : vector<256x4096xi32>
    %convert_element_type3A_122 = arith.extui %ge3A_121 : vector<256x4096xi1> to vector<256x4096xi32>
    %reduce_sum3A_123 = arith.constant dense<0> : vector<256xi32>
    %reduce_sum3A_124 = vector.multi_reduction <add>, %convert_element_type3A_122, %reduce_sum3A_123 [1] : vector<256x4096xi32> to vector<256xi32>
    %broadcast_in_dim3A_125 = vector.shape_cast %reduce_sum3A_124 : vector<256xi32> to vector<256x1xi32>
    %ge3A_126 = arith.constant 205 : i32
    %ge3A_127 = vector.broadcast %ge3A_126 : i32 to vector<256x1xi32>
    %ge3A_128 = arith.cmpi sge, %broadcast_in_dim3A_125, %ge3A_127 : vector<256x1xi32>
    %select_n3A_129 = arith.select %ge3A_128, %or3A_116, %select_n3A_113 : vector<256x1xi1>, vector<256x1xi32>
    %or3A_130 = arith.constant 8388608 : i32
    %or3A_131 = vector.broadcast %or3A_130 : i32 to vector<256x1xi32>
    %or3A_132 = arith.ori %select_n3A_129, %or3A_131 : vector<256x1xi32>
    %xor3A_133 = arith.constant -2147483648 : i32
    %xor3A_134 = vector.broadcast %xor3A_133 : i32 to vector<256x1xi32>
    %xor3A_135 = arith.xori %or3A_132, %xor3A_134 : vector<256x1xi32>
    %ge3A_136 = vector.broadcast %xor3A_135 : vector<256x1xi32> to vector<256x4096xi32>
    %ge3A_137 = arith.cmpi sge, %xor3A, %ge3A_136 : vector<256x4096xi32>
    %convert_element_type3A_138 = arith.extui %ge3A_137 : vector<256x4096xi1> to vector<256x4096xi32>
    %reduce_sum3A_139 = arith.constant dense<0> : vector<256xi32>
    %reduce_sum3A_140 = vector.multi_reduction <add>, %convert_element_type3A_138, %reduce_sum3A_139 [1] : vector<256x4096xi32> to vector<256xi32>
    %broadcast_in_dim3A_141 = vector.shape_cast %reduce_sum3A_140 : vector<256xi32> to vector<256x1xi32>
    %ge3A_142 = arith.constant 205 : i32
    %ge3A_143 = vector.broadcast %ge3A_142 : i32 to vector<256x1xi32>
    %ge3A_144 = arith.cmpi sge, %broadcast_in_dim3A_141, %ge3A_143 : vector<256x1xi32>
    %select_n3A_145 = arith.select %ge3A_144, %or3A_132, %select_n3A_129 : vector<256x1xi1>, vector<256x1xi32>
    %or3A_146 = arith.constant 4194304 : i32
    %or3A_147 = vector.broadcast %or3A_146 : i32 to vector<256x1xi32>
    %or3A_148 = arith.ori %select_n3A_145, %or3A_147 : vector<256x1xi32>
    %xor3A_149 = arith.constant -2147483648 : i32
    %xor3A_150 = vector.broadcast %xor3A_149 : i32 to vector<256x1xi32>
    %xor3A_151 = arith.xori %or3A_148, %xor3A_150 : vector<256x1xi32>
    %ge3A_152 = vector.broadcast %xor3A_151 : vector<256x1xi32> to vector<256x4096xi32>
    %ge3A_153 = arith.cmpi sge, %xor3A, %ge3A_152 : vector<256x4096xi32>
    %convert_element_type3A_154 = arith.extui %ge3A_153 : vector<256x4096xi1> to vector<256x4096xi32>
    %reduce_sum3A_155 = arith.constant dense<0> : vector<256xi32>
    %reduce_sum3A_156 = vector.multi_reduction <add>, %convert_element_type3A_154, %reduce_sum3A_155 [1] : vector<256x4096xi32> to vector<256xi32>
    %broadcast_in_dim3A_157 = vector.shape_cast %reduce_sum3A_156 : vector<256xi32> to vector<256x1xi32>
    %ge3A_158 = arith.constant 205 : i32
    %ge3A_159 = vector.broadcast %ge3A_158 : i32 to vector<256x1xi32>
    %ge3A_160 = arith.cmpi sge, %broadcast_in_dim3A_157, %ge3A_159 : vector<256x1xi32>
    %select_n3A_161 = arith.select %ge3A_160, %or3A_148, %select_n3A_145 : vector<256x1xi1>, vector<256x1xi32>
    %or3A_162 = arith.constant 2097152 : i32
    %or3A_163 = vector.broadcast %or3A_162 : i32 to vector<256x1xi32>
    %or3A_164 = arith.ori %select_n3A_161, %or3A_163 : vector<256x1xi32>
    %xor3A_165 = arith.constant -2147483648 : i32
    %xor3A_166 = vector.broadcast %xor3A_165 : i32 to vector<256x1xi32>
    %xor3A_167 = arith.xori %or3A_164, %xor3A_166 : vector<256x1xi32>
    %ge3A_168 = vector.broadcast %xor3A_167 : vector<256x1xi32> to vector<256x4096xi32>
    %ge3A_169 = arith.cmpi sge, %xor3A, %ge3A_168 : vector<256x4096xi32>
    %convert_element_type3A_170 = arith.extui %ge3A_169 : vector<256x4096xi1> to vector<256x4096xi32>
    %reduce_sum3A_171 = arith.constant dense<0> : vector<256xi32>
    %reduce_sum3A_172 = vector.multi_reduction <add>, %convert_element_type3A_170, %reduce_sum3A_171 [1] : vector<256x4096xi32> to vector<256xi32>
    %broadcast_in_dim3A_173 = vector.shape_cast %reduce_sum3A_172 : vector<256xi32> to vector<256x1xi32>
    %ge3A_174 = arith.constant 205 : i32
    %ge3A_175 = vector.broadcast %ge3A_174 : i32 to vector<256x1xi32>
    %ge3A_176 = arith.cmpi sge, %broadcast_in_dim3A_173, %ge3A_175 : vector<256x1xi32>
    %select_n3A_177 = arith.select %ge3A_176, %or3A_164, %select_n3A_161 : vector<256x1xi1>, vector<256x1xi32>
    %or3A_178 = arith.constant 1048576 : i32
    %or3A_179 = vector.broadcast %or3A_178 : i32 to vector<256x1xi32>
    %or3A_180 = arith.ori %select_n3A_177, %or3A_179 : vector<256x1xi32>
    %xor3A_181 = arith.constant -2147483648 : i32
    %xor3A_182 = vector.broadcast %xor3A_181 : i32 to vector<256x1xi32>
    %xor3A_183 = arith.xori %or3A_180, %xor3A_182 : vector<256x1xi32>
    %ge3A_184 = vector.broadcast %xor3A_183 : vector<256x1xi32> to vector<256x4096xi32>
    %ge3A_185 = arith.cmpi sge, %xor3A, %ge3A_184 : vector<256x4096xi32>
    %convert_element_type3A_186 = arith.extui %ge3A_185 : vector<256x4096xi1> to vector<256x4096xi32>
    %reduce_sum3A_187 = arith.constant dense<0> : vector<256xi32>
    %reduce_sum3A_188 = vector.multi_reduction <add>, %convert_element_type3A_186, %reduce_sum3A_187 [1] : vector<256x4096xi32> to vector<256xi32>
    %broadcast_in_dim3A_189 = vector.shape_cast %reduce_sum3A_188 : vector<256xi32> to vector<256x1xi32>
    %ge3A_190 = arith.constant 205 : i32
    %ge3A_191 = vector.broadcast %ge3A_190 : i32 to vector<256x1xi32>
    %ge3A_192 = arith.cmpi sge, %broadcast_in_dim3A_189, %ge3A_191 : vector<256x1xi32>
    %select_n3A_193 = arith.select %ge3A_192, %or3A_180, %select_n3A_177 : vector<256x1xi1>, vector<256x1xi32>
    %or3A_194 = arith.constant 524288 : i32
    %or3A_195 = vector.broadcast %or3A_194 : i32 to vector<256x1xi32>
    %or3A_196 = arith.ori %select_n3A_193, %or3A_195 : vector<256x1xi32>
    %xor3A_197 = arith.constant -2147483648 : i32
    %xor3A_198 = vector.broadcast %xor3A_197 : i32 to vector<256x1xi32>
    %xor3A_199 = arith.xori %or3A_196, %xor3A_198 : vector<256x1xi32>
    %ge3A_200 = vector.broadcast %xor3A_199 : vector<256x1xi32> to vector<256x4096xi32>
    %ge3A_201 = arith.cmpi sge, %xor3A, %ge3A_200 : vector<256x4096xi32>
    %convert_element_type3A_202 = arith.extui %ge3A_201 : vector<256x4096xi1> to vector<256x4096xi32>
    %reduce_sum3A_203 = arith.constant dense<0> : vector<256xi32>
    %reduce_sum3A_204 = vector.multi_reduction <add>, %convert_element_type3A_202, %reduce_sum3A_203 [1] : vector<256x4096xi32> to vector<256xi32>
    %broadcast_in_dim3A_205 = vector.shape_cast %reduce_sum3A_204 : vector<256xi32> to vector<256x1xi32>
    %ge3A_206 = arith.constant 205 : i32
    %ge3A_207 = vector.broadcast %ge3A_206 : i32 to vector<256x1xi32>
    %ge3A_208 = arith.cmpi sge, %broadcast_in_dim3A_205, %ge3A_207 : vector<256x1xi32>
    %select_n3A_209 = arith.select %ge3A_208, %or3A_196, %select_n3A_193 : vector<256x1xi1>, vector<256x1xi32>
    %or3A_210 = arith.constant 262144 : i32
    %or3A_211 = vector.broadcast %or3A_210 : i32 to vector<256x1xi32>
    %or3A_212 = arith.ori %select_n3A_209, %or3A_211 : vector<256x1xi32>
    %xor3A_213 = arith.constant -2147483648 : i32
    %xor3A_214 = vector.broadcast %xor3A_213 : i32 to vector<256x1xi32>
    %xor3A_215 = arith.xori %or3A_212, %xor3A_214 : vector<256x1xi32>
    %ge3A_216 = vector.broadcast %xor3A_215 : vector<256x1xi32> to vector<256x4096xi32>
    %ge3A_217 = arith.cmpi sge, %xor3A, %ge3A_216 : vector<256x4096xi32>
    %convert_element_type3A_218 = arith.extui %ge3A_217 : vector<256x4096xi1> to vector<256x4096xi32>
    %reduce_sum3A_219 = arith.constant dense<0> : vector<256xi32>
    %reduce_sum3A_220 = vector.multi_reduction <add>, %convert_element_type3A_218, %reduce_sum3A_219 [1] : vector<256x4096xi32> to vector<256xi32>
    %broadcast_in_dim3A_221 = vector.shape_cast %reduce_sum3A_220 : vector<256xi32> to vector<256x1xi32>
    %ge3A_222 = arith.constant 205 : i32
    %ge3A_223 = vector.broadcast %ge3A_222 : i32 to vector<256x1xi32>
    %ge3A_224 = arith.cmpi sge, %broadcast_in_dim3A_221, %ge3A_223 : vector<256x1xi32>
    %select_n3A_225 = arith.select %ge3A_224, %or3A_212, %select_n3A_209 : vector<256x1xi1>, vector<256x1xi32>
    %or3A_226 = arith.constant 131072 : i32
    %or3A_227 = vector.broadcast %or3A_226 : i32 to vector<256x1xi32>
    %or3A_228 = arith.ori %select_n3A_225, %or3A_227 : vector<256x1xi32>
    %xor3A_229 = arith.constant -2147483648 : i32
    %xor3A_230 = vector.broadcast %xor3A_229 : i32 to vector<256x1xi32>
    %xor3A_231 = arith.xori %or3A_228, %xor3A_230 : vector<256x1xi32>
    %ge3A_232 = vector.broadcast %xor3A_231 : vector<256x1xi32> to vector<256x4096xi32>
    %ge3A_233 = arith.cmpi sge, %xor3A, %ge3A_232 : vector<256x4096xi32>
    %convert_element_type3A_234 = arith.extui %ge3A_233 : vector<256x4096xi1> to vector<256x4096xi32>
    %reduce_sum3A_235 = arith.constant dense<0> : vector<256xi32>
    %reduce_sum3A_236 = vector.multi_reduction <add>, %convert_element_type3A_234, %reduce_sum3A_235 [1] : vector<256x4096xi32> to vector<256xi32>
    %broadcast_in_dim3A_237 = vector.shape_cast %reduce_sum3A_236 : vector<256xi32> to vector<256x1xi32>
    %ge3A_238 = arith.constant 205 : i32
    %ge3A_239 = vector.broadcast %ge3A_238 : i32 to vector<256x1xi32>
    %ge3A_240 = arith.cmpi sge, %broadcast_in_dim3A_237, %ge3A_239 : vector<256x1xi32>
    %select_n3A_241 = arith.select %ge3A_240, %or3A_228, %select_n3A_225 : vector<256x1xi1>, vector<256x1xi32>
    %or3A_242 = arith.constant 65536 : i32
    %or3A_243 = vector.broadcast %or3A_242 : i32 to vector<256x1xi32>
    %or3A_244 = arith.ori %select_n3A_241, %or3A_243 : vector<256x1xi32>
    %xor3A_245 = arith.constant -2147483648 : i32
    %xor3A_246 = vector.broadcast %xor3A_245 : i32 to vector<256x1xi32>
    %xor3A_247 = arith.xori %or3A_244, %xor3A_246 : vector<256x1xi32>
    %ge3A_248 = vector.broadcast %xor3A_247 : vector<256x1xi32> to vector<256x4096xi32>
    %ge3A_249 = arith.cmpi sge, %xor3A, %ge3A_248 : vector<256x4096xi32>
    %convert_element_type3A_250 = arith.extui %ge3A_249 : vector<256x4096xi1> to vector<256x4096xi32>
    %reduce_sum3A_251 = arith.constant dense<0> : vector<256xi32>
    %reduce_sum3A_252 = vector.multi_reduction <add>, %convert_element_type3A_250, %reduce_sum3A_251 [1] : vector<256x4096xi32> to vector<256xi32>
    %broadcast_in_dim3A_253 = vector.shape_cast %reduce_sum3A_252 : vector<256xi32> to vector<256x1xi32>
    %ge3A_254 = arith.constant 205 : i32
    %ge3A_255 = vector.broadcast %ge3A_254 : i32 to vector<256x1xi32>
    %ge3A_256 = arith.cmpi sge, %broadcast_in_dim3A_253, %ge3A_255 : vector<256x1xi32>
    %select_n3A_257 = arith.select %ge3A_256, %or3A_244, %select_n3A_241 : vector<256x1xi1>, vector<256x1xi32>
    %or3A_258 = arith.constant 32768 : i32
    %or3A_259 = vector.broadcast %or3A_258 : i32 to vector<256x1xi32>
    %or3A_260 = arith.ori %select_n3A_257, %or3A_259 : vector<256x1xi32>
    %xor3A_261 = arith.constant -2147483648 : i32
    %xor3A_262 = vector.broadcast %xor3A_261 : i32 to vector<256x1xi32>
    %xor3A_263 = arith.xori %or3A_260, %xor3A_262 : vector<256x1xi32>
    %ge3A_264 = vector.broadcast %xor3A_263 : vector<256x1xi32> to vector<256x4096xi32>
    %ge3A_265 = arith.cmpi sge, %xor3A, %ge3A_264 : vector<256x4096xi32>
    %convert_element_type3A_266 = arith.extui %ge3A_265 : vector<256x4096xi1> to vector<256x4096xi32>
    %reduce_sum3A_267 = arith.constant dense<0> : vector<256xi32>
    %reduce_sum3A_268 = vector.multi_reduction <add>, %convert_element_type3A_266, %reduce_sum3A_267 [1] : vector<256x4096xi32> to vector<256xi32>
    %broadcast_in_dim3A_269 = vector.shape_cast %reduce_sum3A_268 : vector<256xi32> to vector<256x1xi32>
    %ge3A_270 = arith.constant 205 : i32
    %ge3A_271 = vector.broadcast %ge3A_270 : i32 to vector<256x1xi32>
    %ge3A_272 = arith.cmpi sge, %broadcast_in_dim3A_269, %ge3A_271 : vector<256x1xi32>
    %select_n3A_273 = arith.select %ge3A_272, %or3A_260, %select_n3A_257 : vector<256x1xi1>, vector<256x1xi32>
    %or3A_274 = arith.constant 16384 : i32
    %or3A_275 = vector.broadcast %or3A_274 : i32 to vector<256x1xi32>
    %or3A_276 = arith.ori %select_n3A_273, %or3A_275 : vector<256x1xi32>
    %xor3A_277 = arith.constant -2147483648 : i32
    %xor3A_278 = vector.broadcast %xor3A_277 : i32 to vector<256x1xi32>
    %xor3A_279 = arith.xori %or3A_276, %xor3A_278 : vector<256x1xi32>
    %ge3A_280 = vector.broadcast %xor3A_279 : vector<256x1xi32> to vector<256x4096xi32>
    %ge3A_281 = arith.cmpi sge, %xor3A, %ge3A_280 : vector<256x4096xi32>
    %convert_element_type3A_282 = arith.extui %ge3A_281 : vector<256x4096xi1> to vector<256x4096xi32>
    %reduce_sum3A_283 = arith.constant dense<0> : vector<256xi32>
    %reduce_sum3A_284 = vector.multi_reduction <add>, %convert_element_type3A_282, %reduce_sum3A_283 [1] : vector<256x4096xi32> to vector<256xi32>
    %broadcast_in_dim3A_285 = vector.shape_cast %reduce_sum3A_284 : vector<256xi32> to vector<256x1xi32>
    %ge3A_286 = arith.constant 205 : i32
    %ge3A_287 = vector.broadcast %ge3A_286 : i32 to vector<256x1xi32>
    %ge3A_288 = arith.cmpi sge, %broadcast_in_dim3A_285, %ge3A_287 : vector<256x1xi32>
    %select_n3A_289 = arith.select %ge3A_288, %or3A_276, %select_n3A_273 : vector<256x1xi1>, vector<256x1xi32>
    %or3A_290 = arith.constant 8192 : i32
    %or3A_291 = vector.broadcast %or3A_290 : i32 to vector<256x1xi32>
    %or3A_292 = arith.ori %select_n3A_289, %or3A_291 : vector<256x1xi32>
    %xor3A_293 = arith.constant -2147483648 : i32
    %xor3A_294 = vector.broadcast %xor3A_293 : i32 to vector<256x1xi32>
    %xor3A_295 = arith.xori %or3A_292, %xor3A_294 : vector<256x1xi32>
    %ge3A_296 = vector.broadcast %xor3A_295 : vector<256x1xi32> to vector<256x4096xi32>
    %ge3A_297 = arith.cmpi sge, %xor3A, %ge3A_296 : vector<256x4096xi32>
    %convert_element_type3A_298 = arith.extui %ge3A_297 : vector<256x4096xi1> to vector<256x4096xi32>
    %reduce_sum3A_299 = arith.constant dense<0> : vector<256xi32>
    %reduce_sum3A_300 = vector.multi_reduction <add>, %convert_element_type3A_298, %reduce_sum3A_299 [1] : vector<256x4096xi32> to vector<256xi32>
    %broadcast_in_dim3A_301 = vector.shape_cast %reduce_sum3A_300 : vector<256xi32> to vector<256x1xi32>
    %ge3A_302 = arith.constant 205 : i32
    %ge3A_303 = vector.broadcast %ge3A_302 : i32 to vector<256x1xi32>
    %ge3A_304 = arith.cmpi sge, %broadcast_in_dim3A_301, %ge3A_303 : vector<256x1xi32>
    %select_n3A_305 = arith.select %ge3A_304, %or3A_292, %select_n3A_289 : vector<256x1xi1>, vector<256x1xi32>
    %or3A_306 = arith.constant 4096 : i32
    %or3A_307 = vector.broadcast %or3A_306 : i32 to vector<256x1xi32>
    %or3A_308 = arith.ori %select_n3A_305, %or3A_307 : vector<256x1xi32>
    %xor3A_309 = arith.constant -2147483648 : i32
    %xor3A_310 = vector.broadcast %xor3A_309 : i32 to vector<256x1xi32>
    %xor3A_311 = arith.xori %or3A_308, %xor3A_310 : vector<256x1xi32>
    %ge3A_312 = vector.broadcast %xor3A_311 : vector<256x1xi32> to vector<256x4096xi32>
    %ge3A_313 = arith.cmpi sge, %xor3A, %ge3A_312 : vector<256x4096xi32>
    %convert_element_type3A_314 = arith.extui %ge3A_313 : vector<256x4096xi1> to vector<256x4096xi32>
    %reduce_sum3A_315 = arith.constant dense<0> : vector<256xi32>
    %reduce_sum3A_316 = vector.multi_reduction <add>, %convert_element_type3A_314, %reduce_sum3A_315 [1] : vector<256x4096xi32> to vector<256xi32>
    %broadcast_in_dim3A_317 = vector.shape_cast %reduce_sum3A_316 : vector<256xi32> to vector<256x1xi32>
    %ge3A_318 = arith.constant 205 : i32
    %ge3A_319 = vector.broadcast %ge3A_318 : i32 to vector<256x1xi32>
    %ge3A_320 = arith.cmpi sge, %broadcast_in_dim3A_317, %ge3A_319 : vector<256x1xi32>
    %select_n3A_321 = arith.select %ge3A_320, %or3A_308, %select_n3A_305 : vector<256x1xi1>, vector<256x1xi32>
    %or3A_322 = arith.constant 2048 : i32
    %or3A_323 = vector.broadcast %or3A_322 : i32 to vector<256x1xi32>
    %or3A_324 = arith.ori %select_n3A_321, %or3A_323 : vector<256x1xi32>
    %xor3A_325 = arith.constant -2147483648 : i32
    %xor3A_326 = vector.broadcast %xor3A_325 : i32 to vector<256x1xi32>
    %xor3A_327 = arith.xori %or3A_324, %xor3A_326 : vector<256x1xi32>
    %ge3A_328 = vector.broadcast %xor3A_327 : vector<256x1xi32> to vector<256x4096xi32>
    %ge3A_329 = arith.cmpi sge, %xor3A, %ge3A_328 : vector<256x4096xi32>
    %convert_element_type3A_330 = arith.extui %ge3A_329 : vector<256x4096xi1> to vector<256x4096xi32>
    %reduce_sum3A_331 = arith.constant dense<0> : vector<256xi32>
    %reduce_sum3A_332 = vector.multi_reduction <add>, %convert_element_type3A_330, %reduce_sum3A_331 [1] : vector<256x4096xi32> to vector<256xi32>
    %broadcast_in_dim3A_333 = vector.shape_cast %reduce_sum3A_332 : vector<256xi32> to vector<256x1xi32>
    %ge3A_334 = arith.constant 205 : i32
    %ge3A_335 = vector.broadcast %ge3A_334 : i32 to vector<256x1xi32>
    %ge3A_336 = arith.cmpi sge, %broadcast_in_dim3A_333, %ge3A_335 : vector<256x1xi32>
    %select_n3A_337 = arith.select %ge3A_336, %or3A_324, %select_n3A_321 : vector<256x1xi1>, vector<256x1xi32>
    %or3A_338 = arith.constant 1024 : i32
    %or3A_339 = vector.broadcast %or3A_338 : i32 to vector<256x1xi32>
    %or3A_340 = arith.ori %select_n3A_337, %or3A_339 : vector<256x1xi32>
    %xor3A_341 = arith.constant -2147483648 : i32
    %xor3A_342 = vector.broadcast %xor3A_341 : i32 to vector<256x1xi32>
    %xor3A_343 = arith.xori %or3A_340, %xor3A_342 : vector<256x1xi32>
    %ge3A_344 = vector.broadcast %xor3A_343 : vector<256x1xi32> to vector<256x4096xi32>
    %ge3A_345 = arith.cmpi sge, %xor3A, %ge3A_344 : vector<256x4096xi32>
    %convert_element_type3A_346 = arith.extui %ge3A_345 : vector<256x4096xi1> to vector<256x4096xi32>
    %reduce_sum3A_347 = arith.constant dense<0> : vector<256xi32>
    %reduce_sum3A_348 = vector.multi_reduction <add>, %convert_element_type3A_346, %reduce_sum3A_347 [1] : vector<256x4096xi32> to vector<256xi32>
    %broadcast_in_dim3A_349 = vector.shape_cast %reduce_sum3A_348 : vector<256xi32> to vector<256x1xi32>
    %ge3A_350 = arith.constant 205 : i32
    %ge3A_351 = vector.broadcast %ge3A_350 : i32 to vector<256x1xi32>
    %ge3A_352 = arith.cmpi sge, %broadcast_in_dim3A_349, %ge3A_351 : vector<256x1xi32>
    %select_n3A_353 = arith.select %ge3A_352, %or3A_340, %select_n3A_337 : vector<256x1xi1>, vector<256x1xi32>
    %or3A_354 = arith.constant 512 : i32
    %or3A_355 = vector.broadcast %or3A_354 : i32 to vector<256x1xi32>
    %or3A_356 = arith.ori %select_n3A_353, %or3A_355 : vector<256x1xi32>
    %xor3A_357 = arith.constant -2147483648 : i32
    %xor3A_358 = vector.broadcast %xor3A_357 : i32 to vector<256x1xi32>
    %xor3A_359 = arith.xori %or3A_356, %xor3A_358 : vector<256x1xi32>
    %ge3A_360 = vector.broadcast %xor3A_359 : vector<256x1xi32> to vector<256x4096xi32>
    %ge3A_361 = arith.cmpi sge, %xor3A, %ge3A_360 : vector<256x4096xi32>
    %convert_element_type3A_362 = arith.extui %ge3A_361 : vector<256x4096xi1> to vector<256x4096xi32>
    %reduce_sum3A_363 = arith.constant dense<0> : vector<256xi32>
    %reduce_sum3A_364 = vector.multi_reduction <add>, %convert_element_type3A_362, %reduce_sum3A_363 [1] : vector<256x4096xi32> to vector<256xi32>
    %broadcast_in_dim3A_365 = vector.shape_cast %reduce_sum3A_364 : vector<256xi32> to vector<256x1xi32>
    %ge3A_366 = arith.constant 205 : i32
    %ge3A_367 = vector.broadcast %ge3A_366 : i32 to vector<256x1xi32>
    %ge3A_368 = arith.cmpi sge, %broadcast_in_dim3A_365, %ge3A_367 : vector<256x1xi32>
    %select_n3A_369 = arith.select %ge3A_368, %or3A_356, %select_n3A_353 : vector<256x1xi1>, vector<256x1xi32>
    %or3A_370 = arith.constant 256 : i32
    %or3A_371 = vector.broadcast %or3A_370 : i32 to vector<256x1xi32>
    %or3A_372 = arith.ori %select_n3A_369, %or3A_371 : vector<256x1xi32>
    %xor3A_373 = arith.constant -2147483648 : i32
    %xor3A_374 = vector.broadcast %xor3A_373 : i32 to vector<256x1xi32>
    %xor3A_375 = arith.xori %or3A_372, %xor3A_374 : vector<256x1xi32>
    %ge3A_376 = vector.broadcast %xor3A_375 : vector<256x1xi32> to vector<256x4096xi32>
    %ge3A_377 = arith.cmpi sge, %xor3A, %ge3A_376 : vector<256x4096xi32>
    %convert_element_type3A_378 = arith.extui %ge3A_377 : vector<256x4096xi1> to vector<256x4096xi32>
    %reduce_sum3A_379 = arith.constant dense<0> : vector<256xi32>
    %reduce_sum3A_380 = vector.multi_reduction <add>, %convert_element_type3A_378, %reduce_sum3A_379 [1] : vector<256x4096xi32> to vector<256xi32>
    %broadcast_in_dim3A_381 = vector.shape_cast %reduce_sum3A_380 : vector<256xi32> to vector<256x1xi32>
    %ge3A_382 = arith.constant 205 : i32
    %ge3A_383 = vector.broadcast %ge3A_382 : i32 to vector<256x1xi32>
    %ge3A_384 = arith.cmpi sge, %broadcast_in_dim3A_381, %ge3A_383 : vector<256x1xi32>
    %select_n3A_385 = arith.select %ge3A_384, %or3A_372, %select_n3A_369 : vector<256x1xi1>, vector<256x1xi32>
    %or3A_386 = arith.constant 128 : i32
    %or3A_387 = vector.broadcast %or3A_386 : i32 to vector<256x1xi32>
    %or3A_388 = arith.ori %select_n3A_385, %or3A_387 : vector<256x1xi32>
    %xor3A_389 = arith.constant -2147483648 : i32
    %xor3A_390 = vector.broadcast %xor3A_389 : i32 to vector<256x1xi32>
    %xor3A_391 = arith.xori %or3A_388, %xor3A_390 : vector<256x1xi32>
    %ge3A_392 = vector.broadcast %xor3A_391 : vector<256x1xi32> to vector<256x4096xi32>
    %ge3A_393 = arith.cmpi sge, %xor3A, %ge3A_392 : vector<256x4096xi32>
    %convert_element_type3A_394 = arith.extui %ge3A_393 : vector<256x4096xi1> to vector<256x4096xi32>
    %reduce_sum3A_395 = arith.constant dense<0> : vector<256xi32>
    %reduce_sum3A_396 = vector.multi_reduction <add>, %convert_element_type3A_394, %reduce_sum3A_395 [1] : vector<256x4096xi32> to vector<256xi32>
    %broadcast_in_dim3A_397 = vector.shape_cast %reduce_sum3A_396 : vector<256xi32> to vector<256x1xi32>
    %ge3A_398 = arith.constant 205 : i32
    %ge3A_399 = vector.broadcast %ge3A_398 : i32 to vector<256x1xi32>
    %ge3A_400 = arith.cmpi sge, %broadcast_in_dim3A_397, %ge3A_399 : vector<256x1xi32>
    %select_n3A_401 = arith.select %ge3A_400, %or3A_388, %select_n3A_385 : vector<256x1xi1>, vector<256x1xi32>
    %or3A_402 = arith.constant 64 : i32
    %or3A_403 = vector.broadcast %or3A_402 : i32 to vector<256x1xi32>
    %or3A_404 = arith.ori %select_n3A_401, %or3A_403 : vector<256x1xi32>
    %xor3A_405 = arith.constant -2147483648 : i32
    %xor3A_406 = vector.broadcast %xor3A_405 : i32 to vector<256x1xi32>
    %xor3A_407 = arith.xori %or3A_404, %xor3A_406 : vector<256x1xi32>
    %ge3A_408 = vector.broadcast %xor3A_407 : vector<256x1xi32> to vector<256x4096xi32>
    %ge3A_409 = arith.cmpi sge, %xor3A, %ge3A_408 : vector<256x4096xi32>
    %convert_element_type3A_410 = arith.extui %ge3A_409 : vector<256x4096xi1> to vector<256x4096xi32>
    %reduce_sum3A_411 = arith.constant dense<0> : vector<256xi32>
    %reduce_sum3A_412 = vector.multi_reduction <add>, %convert_element_type3A_410, %reduce_sum3A_411 [1] : vector<256x4096xi32> to vector<256xi32>
    %broadcast_in_dim3A_413 = vector.shape_cast %reduce_sum3A_412 : vector<256xi32> to vector<256x1xi32>
    %ge3A_414 = arith.constant 205 : i32
    %ge3A_415 = vector.broadcast %ge3A_414 : i32 to vector<256x1xi32>
    %ge3A_416 = arith.cmpi sge, %broadcast_in_dim3A_413, %ge3A_415 : vector<256x1xi32>
    %select_n3A_417 = arith.select %ge3A_416, %or3A_404, %select_n3A_401 : vector<256x1xi1>, vector<256x1xi32>
    %or3A_418 = arith.constant 32 : i32
    %or3A_419 = vector.broadcast %or3A_418 : i32 to vector<256x1xi32>
    %or3A_420 = arith.ori %select_n3A_417, %or3A_419 : vector<256x1xi32>
    %xor3A_421 = arith.constant -2147483648 : i32
    %xor3A_422 = vector.broadcast %xor3A_421 : i32 to vector<256x1xi32>
    %xor3A_423 = arith.xori %or3A_420, %xor3A_422 : vector<256x1xi32>
    %ge3A_424 = vector.broadcast %xor3A_423 : vector<256x1xi32> to vector<256x4096xi32>
    %ge3A_425 = arith.cmpi sge, %xor3A, %ge3A_424 : vector<256x4096xi32>
    %convert_element_type3A_426 = arith.extui %ge3A_425 : vector<256x4096xi1> to vector<256x4096xi32>
    %reduce_sum3A_427 = arith.constant dense<0> : vector<256xi32>
    %reduce_sum3A_428 = vector.multi_reduction <add>, %convert_element_type3A_426, %reduce_sum3A_427 [1] : vector<256x4096xi32> to vector<256xi32>
    %broadcast_in_dim3A_429 = vector.shape_cast %reduce_sum3A_428 : vector<256xi32> to vector<256x1xi32>
    %ge3A_430 = arith.constant 205 : i32
    %ge3A_431 = vector.broadcast %ge3A_430 : i32 to vector<256x1xi32>
    %ge3A_432 = arith.cmpi sge, %broadcast_in_dim3A_429, %ge3A_431 : vector<256x1xi32>
    %select_n3A_433 = arith.select %ge3A_432, %or3A_420, %select_n3A_417 : vector<256x1xi1>, vector<256x1xi32>
    %or3A_434 = arith.constant 16 : i32
    %or3A_435 = vector.broadcast %or3A_434 : i32 to vector<256x1xi32>
    %or3A_436 = arith.ori %select_n3A_433, %or3A_435 : vector<256x1xi32>
    %xor3A_437 = arith.constant -2147483648 : i32
    %xor3A_438 = vector.broadcast %xor3A_437 : i32 to vector<256x1xi32>
    %xor3A_439 = arith.xori %or3A_436, %xor3A_438 : vector<256x1xi32>
    %ge3A_440 = vector.broadcast %xor3A_439 : vector<256x1xi32> to vector<256x4096xi32>
    %ge3A_441 = arith.cmpi sge, %xor3A, %ge3A_440 : vector<256x4096xi32>
    %convert_element_type3A_442 = arith.extui %ge3A_441 : vector<256x4096xi1> to vector<256x4096xi32>
    %reduce_sum3A_443 = arith.constant dense<0> : vector<256xi32>
    %reduce_sum3A_444 = vector.multi_reduction <add>, %convert_element_type3A_442, %reduce_sum3A_443 [1] : vector<256x4096xi32> to vector<256xi32>
    %broadcast_in_dim3A_445 = vector.shape_cast %reduce_sum3A_444 : vector<256xi32> to vector<256x1xi32>
    %ge3A_446 = arith.constant 205 : i32
    %ge3A_447 = vector.broadcast %ge3A_446 : i32 to vector<256x1xi32>
    %ge3A_448 = arith.cmpi sge, %broadcast_in_dim3A_445, %ge3A_447 : vector<256x1xi32>
    %select_n3A_449 = arith.select %ge3A_448, %or3A_436, %select_n3A_433 : vector<256x1xi1>, vector<256x1xi32>
    %or3A_450 = arith.constant 8 : i32
    %or3A_451 = vector.broadcast %or3A_450 : i32 to vector<256x1xi32>
    %or3A_452 = arith.ori %select_n3A_449, %or3A_451 : vector<256x1xi32>
    %xor3A_453 = arith.constant -2147483648 : i32
    %xor3A_454 = vector.broadcast %xor3A_453 : i32 to vector<256x1xi32>
    %xor3A_455 = arith.xori %or3A_452, %xor3A_454 : vector<256x1xi32>
    %ge3A_456 = vector.broadcast %xor3A_455 : vector<256x1xi32> to vector<256x4096xi32>
    %ge3A_457 = arith.cmpi sge, %xor3A, %ge3A_456 : vector<256x4096xi32>
    %convert_element_type3A_458 = arith.extui %ge3A_457 : vector<256x4096xi1> to vector<256x4096xi32>
    %reduce_sum3A_459 = arith.constant dense<0> : vector<256xi32>
    %reduce_sum3A_460 = vector.multi_reduction <add>, %convert_element_type3A_458, %reduce_sum3A_459 [1] : vector<256x4096xi32> to vector<256xi32>
    %broadcast_in_dim3A_461 = vector.shape_cast %reduce_sum3A_460 : vector<256xi32> to vector<256x1xi32>
    %ge3A_462 = arith.constant 205 : i32
    %ge3A_463 = vector.broadcast %ge3A_462 : i32 to vector<256x1xi32>
    %ge3A_464 = arith.cmpi sge, %broadcast_in_dim3A_461, %ge3A_463 : vector<256x1xi32>
    %select_n3A_465 = arith.select %ge3A_464, %or3A_452, %select_n3A_449 : vector<256x1xi1>, vector<256x1xi32>
    %or3A_466 = arith.constant 4 : i32
    %or3A_467 = vector.broadcast %or3A_466 : i32 to vector<256x1xi32>
    %or3A_468 = arith.ori %select_n3A_465, %or3A_467 : vector<256x1xi32>
    %xor3A_469 = arith.constant -2147483648 : i32
    %xor3A_470 = vector.broadcast %xor3A_469 : i32 to vector<256x1xi32>
    %xor3A_471 = arith.xori %or3A_468, %xor3A_470 : vector<256x1xi32>
    %ge3A_472 = vector.broadcast %xor3A_471 : vector<256x1xi32> to vector<256x4096xi32>
    %ge3A_473 = arith.cmpi sge, %xor3A, %ge3A_472 : vector<256x4096xi32>
    %convert_element_type3A_474 = arith.extui %ge3A_473 : vector<256x4096xi1> to vector<256x4096xi32>
    %reduce_sum3A_475 = arith.constant dense<0> : vector<256xi32>
    %reduce_sum3A_476 = vector.multi_reduction <add>, %convert_element_type3A_474, %reduce_sum3A_475 [1] : vector<256x4096xi32> to vector<256xi32>
    %broadcast_in_dim3A_477 = vector.shape_cast %reduce_sum3A_476 : vector<256xi32> to vector<256x1xi32>
    %ge3A_478 = arith.constant 205 : i32
    %ge3A_479 = vector.broadcast %ge3A_478 : i32 to vector<256x1xi32>
    %ge3A_480 = arith.cmpi sge, %broadcast_in_dim3A_477, %ge3A_479 : vector<256x1xi32>
    %select_n3A_481 = arith.select %ge3A_480, %or3A_468, %select_n3A_465 : vector<256x1xi1>, vector<256x1xi32>
    %or3A_482 = arith.constant 2 : i32
    %or3A_483 = vector.broadcast %or3A_482 : i32 to vector<256x1xi32>
    %or3A_484 = arith.ori %select_n3A_481, %or3A_483 : vector<256x1xi32>
    %xor3A_485 = arith.constant -2147483648 : i32
    %xor3A_486 = vector.broadcast %xor3A_485 : i32 to vector<256x1xi32>
    %xor3A_487 = arith.xori %or3A_484, %xor3A_486 : vector<256x1xi32>
    %ge3A_488 = vector.broadcast %xor3A_487 : vector<256x1xi32> to vector<256x4096xi32>
    %ge3A_489 = arith.cmpi sge, %xor3A, %ge3A_488 : vector<256x4096xi32>
    %convert_element_type3A_490 = arith.extui %ge3A_489 : vector<256x4096xi1> to vector<256x4096xi32>
    %reduce_sum3A_491 = arith.constant dense<0> : vector<256xi32>
    %reduce_sum3A_492 = vector.multi_reduction <add>, %convert_element_type3A_490, %reduce_sum3A_491 [1] : vector<256x4096xi32> to vector<256xi32>
    %broadcast_in_dim3A_493 = vector.shape_cast %reduce_sum3A_492 : vector<256xi32> to vector<256x1xi32>
    %ge3A_494 = arith.constant 205 : i32
    %ge3A_495 = vector.broadcast %ge3A_494 : i32 to vector<256x1xi32>
    %ge3A_496 = arith.cmpi sge, %broadcast_in_dim3A_493, %ge3A_495 : vector<256x1xi32>
    %select_n3A_497 = arith.select %ge3A_496, %or3A_484, %select_n3A_481 : vector<256x1xi1>, vector<256x1xi32>
    %or3A_498 = arith.constant 1 : i32
    %or3A_499 = vector.broadcast %or3A_498 : i32 to vector<256x1xi32>
    %or3A_500 = arith.ori %select_n3A_497, %or3A_499 : vector<256x1xi32>
    %xor3A_501 = arith.constant -2147483648 : i32
    %xor3A_502 = vector.broadcast %xor3A_501 : i32 to vector<256x1xi32>
    %xor3A_503 = arith.xori %or3A_500, %xor3A_502 : vector<256x1xi32>
    %ge3A_504 = vector.broadcast %xor3A_503 : vector<256x1xi32> to vector<256x4096xi32>
    %ge3A_505 = arith.cmpi sge, %xor3A, %ge3A_504 : vector<256x4096xi32>
    %convert_element_type3A_506 = arith.extui %ge3A_505 : vector<256x4096xi1> to vector<256x4096xi32>
    %reduce_sum3A_507 = arith.constant dense<0> : vector<256xi32>
    %reduce_sum3A_508 = vector.multi_reduction <add>, %convert_element_type3A_506, %reduce_sum3A_507 [1] : vector<256x4096xi32> to vector<256xi32>
    %broadcast_in_dim3A_509 = vector.shape_cast %reduce_sum3A_508 : vector<256xi32> to vector<256x1xi32>
    %ge3A_510 = arith.constant 205 : i32
    %ge3A_511 = vector.broadcast %ge3A_510 : i32 to vector<256x1xi32>
    %ge3A_512 = arith.cmpi sge, %broadcast_in_dim3A_509, %ge3A_511 : vector<256x1xi32>
    %select_n3A_513 = arith.select %ge3A_512, %or3A_500, %select_n3A_497 : vector<256x1xi1>, vector<256x1xi32>
    %xor3A_514 = arith.constant -2147483648 : i32
    %xor3A_515 = vector.broadcast %xor3A_514 : i32 to vector<256x1xi32>
    %xor3A_516 = arith.xori %select_n3A_513, %xor3A_515 : vector<256x1xi32>
    %ge3A_517 = vector.broadcast %xor3A_516 : vector<256x1xi32> to vector<256x4096xi32>
    %ge3A_518 = arith.cmpi sge, %xor3A, %ge3A_517 : vector<256x4096xi32>
    %jit3A = arith.constant 0.000000e+00 : f32
    %broadcast_in_dim3A_519 = vector.broadcast %jit3A : f32 to vector<256x4096xf32>
    %select_n3A_520 = arith.select %ge3A_518, %get3A_1, %broadcast_in_dim3A_519 : vector<256x4096xi1>, vector<256x4096xf32>
    %swap3A = arith.constant 0 : index
    %swap3A_521 = arith.constant 0 : index
    %swap3A_522 = vector.load %arg2[%swap3A, %swap3A_521] : memref<256x4096xf32, #tpu.memory_space<vmem>>, vector<256x4096xf32>
    tpu.vector_store %arg2[%swap3A, %swap3A_521], %select_n3A_520 {strides = array<i32>} : memref<256x4096xf32, #tpu.memory_space<vmem>>, vector<256x4096xf32>,
    return
  }
  func.func @transform_0(%arg0: i32) -> (i32, i32) {
    %c0_i32 = arith.constant 0 : i32
    %c0_i32_0 = arith.constant 0 : i32
    return %arg0, %c0_i32 : i32, i32
  }
  func.func @transform_1(%arg0: i32) -> (i32, i32) {
    %c0_i32 = arith.constant 0 : i32
    %c0_i32_0 = arith.constant 0 : i32
    return %arg0, %c0_i32 : i32, i32
  }
}

</mosaic_0001>

<sc_bundles>
// kernel: kernel.4.cloned.1.call-start
scs
__scs_entry_jumppad:
0x0: {  	(pc) =	sbr.rel $0x88, $3  }
0x1: {  	(tag) =	ssettag $0x0;
	lr =	simm.s32 $0x1  }
0x2: {  	[smem:$0x3FA0] =	sst lr;
	_ =	strace $0xD0000000  }
0x3: {  	_ = 	snop  }
0x4: {  	_ = 	snop  }
0x5: {  	_ = 	snop  }
0x6: {  	_ = 	snop  }
0x7: {  	_ = 	snop  }
__scs_overlays_trampoline_lowered:
0x8: {  	[smem:$0x3FAF] =	sst s0  }
0x9: {  	[smem:$0x3FB0] =	sst s1  }
0xa: {  	[smem:$0x3FB1] =	sst s2  }
0xb: {  	[smem:$0x3FB2] =	sst s3  }
0xc: {  	[smem:$0x3FB3] =	sst s4  }
0xd: {  	[smem:$0x3FB4] =	sst s5  }
0xe: {  	[smem:$0x3FB5] =	sst s6  }
0xf: {  	[smem:$0x3FB6] =	sst s7  }
0x10: {  	[smem:$0x3FB7] =	sst s8  }
0x11: {  	[smem:$0x3FB8] =	sst s9;
	s0 =	simm.s32 @!p0 $0x0  }
0x12: {  	s1 =	sld [smem:$0x3F9E];
	s0 =	simm.s32 @p0 $0x1  }
0x13: {  	[smem:$0x3FB9] =	sst s0;
	s0 =	simm.s32 @!p1 $0x0  }
0x14: {  	s2 =	sld [smem:$0x3F9D];
	s0 =	simm.s32 @p1 $0x1  }
0x15: {  	[smem:$0x3FBA] =	sst s0;
	s0 =	simm.s32 @!p2 $0x0  }
0x16: {  	s3 =	sld [smem:$0x3FDB];
	s0 =	simm.s32 @p2 $0x1  }
0x17: {  	s4 =	simm.s32 $0x1BF5;
	[smem:$0x3FBC] =	sst s0  }
0x18: {  	s0 =	sld [smem:$0x3F9F];
	_ =	swait.ge [sflag:s4], $0x0  }
0x19: {  	s7 =	sld [smem:$0x3FA0]  }
0x1a: {  	s8 =	sadd.s32 $0xFFFFE003, lr  }
0x1b: {  	s9 =	sadd.s32 $0xFFFFFEF7, lr;
	s5 =	simm.s32 $0xFFFFFFFF;
	p2 =	slt.u32 s8, $0xFFFFF086  }
0x1c: {  	p1 =	slt.u32 s9, $0xF7A;
	s5 =	simm.s32 @!p2 $0x0  }
0x1d: {  	s5 =	simm.s32 @p1 $0x1;
	p0 =	seq.s32 s7, s2  }
0x1e: {  	s7 =	smul.u32 @!p0 $0xF7A, s2;
	p2 =	seq.s32 @!p0 s5, $0x0  }
0x1f: {  	s9 =	smul.u32 $0xF7A, s1;
	s8 =	simm.s32 @!p0 $0x1BF5;
	p2 =	por !p2, p0  }
0x20: {  	[sflag:s8] =	ssyncset.s32 @!p0 $0xFFFFF086;
	s6 =	sadd.s32 @!p0 s3, s7;
	s7 =	simm.s32 @!p0 $0x108  }
0x21: {  	s3 =	sadd.s32 s3, s9;
	s6 =	sadd.s32 @!p0 $0x88, s6;
	s7 =	simm.s32 @p2 $0x1082  }
0x22: {  	[simem:s7], [sflag:s8] =	dma.local @!p0 [hbm:s6], $0xF7A  }
0x23: {  	s9 =	sor.u32 $0xD0000000, s2;
	s6 =	simm.s32 $0x108;
	_ =	swait.ge @!p0 [sflag:s8], $0x0  }
0x24: {  	s3 =	sadd.s32 $0x88, s3;
	s6 =	simm.s32 @!p1 $0x1082;
	[sflag:s4] =	ssyncset.s32 $0xFFFFF086  }
0x25: {  	[simem:s6], [sflag:s4] =	dma.local [hbm:s3], $0xF7A  }
0x26: {  	[smem:$0x3FA0] =	sst s1;
	(tag) =	ssettag s2;
	_ =	strace s9  }
0x27: {  	s1 =	sld [smem:$0x3FB0]  }
0x28: {  	s2 =	sld [smem:$0x3FB1]  }
0x29: {  	s4 =	sld [smem:$0x3FB3]  }
0x2a: {  	p0 =	seq.s32 s5, $0x0;
	s5 =	sld [smem:$0x3FB4]  }
0x2b: {  	s6 =	sld [smem:$0x3FB5]  }
0x2c: {  	s7 =	sld [smem:$0x3FB6]  }
0x2d: {  	s3 =	simm.s32 $0x108;
	s8 =	sld [smem:$0x3FB7]  }
0x2e: {  	s3 =	simm.s32 @!p0 $0x1082;
	s9 =	sld [smem:$0x3FB8]  }
0x2f: {  	lr =	sadd.s32 s0, s3;
	s0 =	sld [smem:$0x3FAF]  }
0x30: {  	s3 =	sld [smem:$0x3FB2]  }
0x31: {  	[smem:$0x3FBB] =	sst s10  }
0x32: {  	s10 =	sld [smem:$0x3FB9];
	_ =	sdelay $0x3  }
0x33: {  	p0 =	seq.s32 s10, $0x1;
	s10 =	sld [smem:$0x3FBB];
	_ =	sdelay $0x3  }
0x34: {  	[smem:$0x3FBB] =	sst s10  }
0x35: {  	s10 =	sld [smem:$0x3FBA];
	_ =	sdelay $0x3  }
0x36: {  	p1 =	seq.s32 s10, $0x1;
	s10 =	sld [smem:$0x3FBB];
	_ =	sdelay $0x3  }
0x37: {  	[smem:$0x3FBB] =	sst s10  }
0x38: {  	s10 =	sld [smem:$0x3FBC]  }
0x39: {  	_ = 	snop;
	(pc) =	sbr.ind lr, $3  }
0x3a: {  	_ = 	snop  }
0x3b: {  	_ = 	snop  }
0x3c: {  	p2 =	seq.s32 s10, $0x1;
	s10 =	sld [smem:$0x3FBB]  }
0x3d: {  	_ =	shalt  }
0x3e: {  	_ =	shalt  }
0x3f: {  	_ =	shalt  }
0x40: {  	_ =	shalt  }
0x41: {  	_ =	shalt  }
0x42: {  	_ =	shalt  }
0x43: {  	_ =	shalt  }
0x44: {  	_ =	shalt  }
0x45: {  	_ =	shalt  }
0x46: {  	_ =	shalt  }
0x47: {  	_ =	shalt  }
0x48: {  	_ =	shalt  }
0x49: {  	_ =	shalt  }
0x4a: {  	_ =	shalt  }
0x4b: {  	_ =	shalt  }
0x4c: {  	_ =	shalt  }
0x4d: {  	_ =	shalt  }
0x4e: {  	_ =	shalt  }
0x4f: {  	_ =	shalt  }
0x50: {  	_ =	shalt  }
0x51: {  	_ =	shalt  }
0x52: {  	_ =	shalt  }
0x53: {  	_ =	shalt  }
0x54: {  	_ =	shalt  }
0x55: {  	_ =	shalt  }
0x56: {  	_ =	shalt  }
0x57: {  	_ =	shalt  }
0x58: {  	_ =	shalt  }
0x59: {  	_ =	shalt  }
0x5a: {  	_ =	shalt  }
0x5b: {  	_ =	shalt  }
0x5c: {  	_ =	shalt  }
0x5d: {  	_ =	shalt  }
0x5e: {  	_ =	shalt  }
0x5f: {  	_ =	shalt  }
0x60: {  	_ =	shalt  }
0x61: {  	_ =	shalt  }
0x62: {  	_ =	shalt  }
0x63: {  	_ =	shalt  }
0x64: {  	_ =	shalt  }
0x65: {  	_ =	shalt  }
0x66: {  	_ =	shalt  }
0x67: {  	_ =	shalt  }
0x68: {  	_ =	shalt  }
0x69: {  	_ =	shalt  }
0x6a: {  	_ =	shalt  }
0x6b: {  	_ =	shalt  }
0x6c: {  	_ =	shalt  }
0x6d: {  	_ =	shalt  }
0x6e: {  	_ =	shalt  }
0x6f: {  	_ =	shalt  }
0x70: {  	_ =	shalt  }
0x71: {  	_ =	shalt  }
0x72: {  	_ =	shalt  }
0x73: {  	_ =	shalt  }
0x74: {  	_ =	shalt  }
0x75: {  	_ =	shalt  }
0x76: {  	_ =	shalt  }
0x77: {  	_ =	shalt  }
0x78: {  	_ =	shalt  }
0x79: {  	_ =	shalt  }
0x7a: {  	_ =	shalt  }
0x7b: {  	_ =	shalt  }
0x7c: {  	_ =	shalt  }
0x7d: {  	_ =	shalt  }
0x7e: {  	_ =	shalt  }
0x7f: {  	_ =	shalt  }
0x80: {  	_ =	shalt  }
0x81: {  	_ =	shalt  }
0x82: {  	_ =	shalt  }
0x83: {  	_ =	shalt  }
0x84: {  	_ =	shalt  }
0x85: {  	_ =	shalt  }
0x86: {  	_ =	shalt  }
0x87: {  	_ =	shalt  }
.Lfunc_end0:
.L_simem_size_0:
called_computation.1_lowered:
.L_overlay_start_0:
0x88: {  	s2 =	sld [smem:$0x3FD9]  }
0x89: {  	s3 =	sld [smem:$0x3FFE];
	_ =	sdelay $0x1  }
0x8a: {  	s1 =	srdreg.scid  }
0x8b: {  	s0 =	sand.u32 $0x1, s1  }
0x8c: {  	s16 =	sshll.u32 s0, $0xA;
	s2 =	sadd.s32 s3, s2  }
0x8d: {  	s2 =	sadd.s32 s2, s16  }
0x8e: {  	[smem:$0x3FC7] =	sst s2  }
0x8f: {  	_ = 	snop  }
0x90: {  	(tm) =	ssettm $0x1  }
0x91: {  	s17 =	sld [smem:$0x3FFB];
	_ =	sdelay $0x3  }
0x92: {  	_ =	strace s17  }
0x93: {  	s2 =	sld [smem:$0x3FFC];
	_ =	sdelay $0x3  }
0x94: {  	_ =	strace s2  }
0x95: {  	s2 =	sld [smem:$0x3FFD];
	_ =	sdelay $0x3  }
0x96: {  	_ =	strace s2  }
0x97: {  	_ =	strace $0x8FFFFFFF  }
0x98: {  	s18 =	sld [smem:$0x3FDB];
	_ =	sdelay $0x1  }
0x99: {  	s19 =	simm.s32 $_scs_section_size  }
0x9a: {  	s4 =	simm.s32 $_size__tile_overlayer_lowered;
	s5 =	simm.s32 $_tile_overlayer_lowered  }
0x9b: {  	s22 =	simm.s32 $0x1BFF;
	s21 =	sshll.u32 s5, $0x1;
	s2 =	sadd.s32 s19, s18  }
0x9c: {  	s6 =	simm.s32 $0x0;
	s20 =	sshll.u32 s4, $0x1;
	s4 =	sadd.s32 s21, s2  }
0x9d: {  	[timem:s6], [sflag:s22] =	dma.local [hbm:s4], s20  }
0x9e: {  	_ =	swait.ge [sflag:s22], s20  }
0x9f: {  	s3 =	ssub.s32 $0x0, s20;
	[sflag:s22] =	ssyncset.done $0x0  }
0xa0: {  	[sflag:s22] =	ssyncadd.s32 s3;
	_ =	sdelay $0x1  }
0xa1: {  	s23 =	simm.s32 $0x1B8B  }
0xa2: {  	_ =	swait.ge [sflag:s23], $0x1  }
0xa3: {  	[sflag:s23] =	ssyncset.done $0x0  }
0xa4: {  	s25 =	simm.s32 $0x1B8E;
	s24 =	sld [smem:$0x3FFE];
	[sflag:s23] =	ssyncadd.s32 $0xFFFFFFFF  }
0xa5: {  	s26 =	simm.s32 $execute0_lowered;
	[smem:$0x3FD2] =	sst s25  }
0xa6: {  	s4 =	sshll.u32 s26, $0x1;
	_ =	strace $0x80000049;
	[dreg:$0x1] =	wrdreg $0xFFFFFFFF  }
0xa7: {  	s28 =	simm.s32 $_size_execute0_lowered;
	s2 =	sadd.s32 s2, s4;
	[dreg:$0x0] =	wrdreg $0x0  }
0xa8: {  	s4 =	sshll.u32 s28, $0x1;
	[dreg:$0x2] =	wrdreg s2  }
0xa9: {  	[dreg:$0x3] =	wrdreg s4  }
0xaa: {  	[dreg:$0x4] =	wrdreg $0xC0  }
0xab: {  	_ =	task [dreg:s6], $0x5FFFF  }
0xac: {  	[dreg:$0x1] =	wrdreg $0xFFFFFFFF  }
0xad: {  	[dreg:$0x0] =	wrdreg $0x60  }
0xae: {  	[dreg:$0x2] =	wrdreg s24  }
0xaf: {  	[dreg:$0x3] =	wrdreg $0x9  }
0xb0: {  	_ =	task.clear_ibuf [dreg:s6], $0x4FFFF;
	_ =	strace $0x90000049  }
0xb1: {  	s29 =	simm.s32 $0x9;
	_ =	strace $0x8000004B  }
0xb2: {  	_ =	swait.ge [sflag:s29], $0x1  }
0xb3: {  	[sflag:s29] =	ssyncadd.s32 $0xFFFFFFFF  }
0xb4: {  	_ =	strace $0x9000004B  }
0xb5: {  	_ =	sfence  }
0xb6: {  	s30 =	sld [smem:$0x0];
	_ =	sdelay $0x2  }
0xb7: {  	s31 =	sshll.u32 s1, $0xD;
	s1 =	sshrl.u32 s1, $0x2  }
0xb8: {  	s3 =	sand.u32 $0x4000, s31;
	s1 =	sadd.s32 s1, s30  }
0xb9: {  	s0 =	sor.u32 s3, s0;
	s1 =	sshll.u32 s1, $0x11  }
0xba: {  	s0 =	sor.u32 s1, s0  }
0xbb: {  	s0 =	sadd.s32 $0x8F2B, s0  }
0xbc: {  	[sflag:s0] =	ssyncadd.remote.s32 $0x1  }
0xbd: {  	_ =	sfence.sel $0xFFFF  }
0xbe: {  	[dreg:$0x0] =	wrdreg $0xFFFFFFFF;
	(pc) =	sbr.abs _section_cstart, $3  }
0xbf: {  	[dreg:$0x1] =	wrdreg $0xFFFFFFFF  }
0xc0: {  	_ =	task.clear_ibuf [dreg:s6], $0x2FFFF;
	_ =	strace $0x9FFFFFFF  }
0xc1: {  	(tm) =	ssettm $0x7FFFFFFF  }
tec
execute0_lowered:
.L_overlay_start_1:
0x0: {  	(tag) =	ssettag $0x1  }
0x1: {  	v0 =	vimm.s32 $0xF007;
	vm0 =	vcmask $0x300  }
0x2: {  	v0 =	vsel vm0, $0x0, v0;
	vm0 =	vcmask $0x704  }
0x3: {  	v0 =	vsel vm0, $0x1001, v0;
	vm0 =	vcmask $0xB08  }
0x4: {  	v0 =	vsel vm0, $0x2002, v0;
	vm0 =	vcmask $0xF0C  }
0x5: {  	v0 =	vsel vm0, $0x3003, v0;
	vm0 =	vcmask $0x1310  }
0x6: {  	v0 =	vsel vm0, $0x4004, v0;
	vm0 =	vcmask $0x1714  }
0x7: {  	v0 =	vsel vm0, $0x5005, v0;
	vm0 =	vcmask $0x1B18  }
0x8: {  	v0 =	vsel vm0, $0x6006, v0;
	vm0 =	vcmask $0x1F1C  }
0x9: {  	v0 =	vsel vm0, $0x7007, v0;
	vm0 =	vcmask $0x2320  }
0xa: {  	s4 =	rddreg [dreg:$0x0];
	s2 =	srdreg.scid;
	v0 =	vsel vm0, $0x8000, v0;
	vm0 =	vcmask $0x2724  }
0xb: {  	s0 =	rddreg [dreg:$0x1];
	s1 =	simm.s32 $0x0;
	s9 =	simm.s32 $0x0;
	v1 =	vsel vm0, $0x9001, v0;
	vm0 =	vcmask $0x2B28  }
0xc: {  	s5 =	sand.u32 $0x1, s2;
	[smem:$0x7FF] =	sst s1;
	s2 =	stileid.u32;
	v0 =	vimm.s32 $0x0;
	v2 =	vsel vm0, $0xA002, v1;
	vm0 =	vcmask $0x2F2C  }
0xd: {  	s3 =	sadd.s32 $0x800, s4;
	s4 =	sadd.s32 $0x140800, s4;
	s6 =	ssub.s32 $0x2, s5;
	v1 =	vlaneseq.u32;
	v3 =	vsel vm0, $0xB003, v2;
	vm0 =	vcmask $0x3330  }
0xe: {  	_ =	strace $0x8000004A;
	s8 =	sshll.u32 s2, $0x1;
	s7 =	sshrl.u32 s6, $0x1;
	v2 =	vmul.u32 $0x1001, v1;
	v4 =	vsel vm0, $0xC004, v3;
	vm0 =	vcmask $0x3734  }
0xf: {  	s5 =	sor.u32 s5, s8;
	s8 =	simm.s32 $0x10000;
	s6 =	ssub.s32 s6, s7;
	v3 =	vimm.s32 $0x1;
	v5 =	vsel vm0, $0xD005, v4;
	vm0 =	vcmask $0x3B38  }
0x10: {  	s5 =	smul.u32 $0x50000, s5;
	s7 =	simm.s32 $0x1;
	s6 =	smax.u32 s6, $0x1;
	v4 =	vmul.u32 $0x1000, v1;
	v5 =	vsel vm0, $0xE006, v5;
	vm0 =	vmxor vm0, vm0  }
.LBB2_1:
0x11: {  	s10 =	simm.s32 $0x0  }
.LBB2_2:
0x12: {  	s11 =	sshll.u32 s10, $0x10  }
0x13: {  	s11 =	sadd.s32 s5, s11  }
0x14: {  	s11 =	sshrl.u32 s11, $0x3  }
0x15: {  	s12 =	sadd.s32 s3, s11  }
0x16: {  	[tilespmem:s1], [sflag:$0x1] =	stream.linear.gather [hbm4b:s12+s1], $0x10000, $0x38;
	[tilespmem:$0x11000] =	vst v63  }
0x17: {  	_ =	swait.ge [sflag:s7], $0x10000  }
0x18: {  	[sflag:s7] =	ssyncset.done $0x0  }
0x19: {  	s12 =	simm.s32 $0x10040;
	[sflag:s7] =	ssyncadd.s32 $0xFFFF0000  }
0x1a: {  	[tilespmem:s12+$0xFFFFFFC0] =	vst v0  }
0x1b: {  	[tilespmem:s12+$0x30] =	vst v0  }
0x1c: {  	[tilespmem:s12+$0x20] =	vst v0  }
0x1d: {  	[tilespmem:s12+$0x10] =	vst v0  }
0x1e: {  	[tilespmem:s12+$0x0] =	vst v0  }
0x1f: {  	[tilespmem:s12+$0xFFFFFFF0] =	vst v0  }
0x20: {  	s13 =	simm.s32 $0x0;
	[tilespmem:s12+$0xFFFFFFE0] =	vst v0  }
.LBB2_3:
0x21: {  	s13 =	sadd.s32 $0x80, s13;
	[tilespmem:s12+$0xFFFFFFD0] =	vst v0;
	s12 =	sadd.s32 $0x80, s12  }
0x22: {  	[tilespmem:s12+$0xFFFFFFC0] =	vst v0;
	p0 =	slt.u32 s13, $0xF80  }
0x23: {  	[tilespmem:s12+$0x30] =	vst v0  }
.Ltmp0:
0x24: {  	[tilespmem:s12+$0x20] =	vst v0;
	(pc) =	sbr.rel @p0 .LBB2_3-.Ltmp0, $4  }
0x25: {  	[tilespmem:s12+$0x10] =	vst v0  }
0x26: {  	[tilespmem:s12+$0x0] =	vst v0  }
0x27: {  	[tilespmem:s12+$0xFFFFFFF0] =	vst v0  }
0x28: {  	[tilespmem:s12+$0xFFFFFFE0] =	vst v0  }
0x29: {  	s13 =	simm.s32 $0x4;
	s14 =	simm.s32 $0x1;
	s18 =	simm.s32 $0x2  }
0x2a: {  	s19 =	simm.s32 $0x5;
	s20 =	simm.s32 $0x7;
	s21 =	simm.s32 $0x8;
	v6 =	vadd.s32 s13, v1;
	v7 =	vadd.s32 s14, v1;
	v8 =	vadd.s32 s18, v1  }
0x2b: {  	s15 =	simm.s32 $0xC;
	s22 =	simm.s32 $0xB;
	v9 =	vadd.s32 s19, v1;
	v10 =	vadd.s32 s20, v1;
	v11 =	vadd.s32 s21, v1  }
0x2c: {  	s23 =	simm.s32 $0x3;
	s24 =	simm.s32 $0x9;
	v12 =	vadd.s32 s15, v1;
	v13 =	vadd.s32 s22, v1;
	v6 =	vand.u32 $0xFFF, v6  }
0x2d: {  	s25 =	simm.s32 $0xA;
	s31 =	simm.s32 $0x0;
	v14 =	vadd.s32 s23, v1;
	v15 =	vadd.s32 s24, v1;
	v6 =	vor.u32 v4, v6  }
0x2e: {  	s26 =	simm.s32 $0xF;
	v16 =	vadd.s32 s25, v1;
	v23 =	vor.u32 s31, v2;
	v12 =	vand.u32 $0xFFF, v12  }
0x2f: {  	s29 =	simm.s32 $0xE;
	v17 =	vadd.s32 s26, v1;
	v13 =	vand.u32 $0xFFF, v13;
	v12 =	vor.u32 v4, v12  }
0x30: {  	s28 =	simm.s32 $0xD;
	v18 =	vadd.s32 s29, v1;
	v9 =	vand.u32 $0xFFF, v9;
	v13 =	vor.u32 v4, v13  }
0x31: {  	[tilespmem:s12+$0xFFFFFFD0] =	vst v0;
	s30 =	simm.s32 $0x6;
	v19 =	vadd.s32 s28, v1;
	v8 =	vand.u32 $0xFFF, v8;
	v9 =	vor.u32 v4, v9  }
0x32: {  	v21 =	vadd.s32 s30, v1;
	v17 =	vand.u32 $0xFFF, v17;
	v20 =	vor.u32 v4, v8;
	v6 =	vld.idx.msk [tilespmem:v6+s1+$0x0], $0xffff  }
0x33: {  	v11 =	vand.u32 $0xFF8, v11;
	v15 =	vand.u32 $0xFFF, v15;
	v17 =	vor.u32 v4, v17;
	v23 =	vld.idx.msk [tilespmem:v23+s1+$0x0], $0xffff  }
0x34: {  	v7 =	vand.u32 $0xFFF, v7;
	v10 =	vand.u32 $0xFFF, v10;
	v8 =	vor.u32 v4, v15;
	v12 =	vld.idx.msk [tilespmem:v12+s1+$0x0], $0xffff  }
0x35: {  	v11 =	vor.u32 v5, v11;
	v15 =	vor.u32 v4, v7;
	v7 =	vand.u32 $0xFFF, v14;
	v13 =	vld.idx.msk [tilespmem:v13+s1+$0x0], $0xffff  }
0x36: {  	v19 =	vand.u32 $0xFFF, v19;
	v18 =	vand.u32 $0xFFF, v18;
	v14 =	vor.u32 v4, v7;
	v7 =	vld.idx.msk [tilespmem:v9+s1+$0x0], $0xffff  }
0x37: {  	v21 =	vand.u32 $0xFFF, v21;
	v10 =	vor.u32 v4, v10;
	v20 =	vld.idx.msk [tilespmem:v20+s1+$0x0], $0xffff;
	v22 =	vshra.s32 v6, $0x1F  }
0x38: {  	v19 =	vor.u32 v4, v19;
	v9 =	vand.u32 $0xFFF, v16;
	v25 =	vld.idx.msk [tilespmem:v17+s1+$0x0], $0xffff;
	v16 =	vor.u32 $0x80000000, v22  }
0x39: {  	v18 =	vor.u32 v4, v18;
	v22 =	vshra.s32 v12, $0x1F;
	v6 =	vxor.u32 v6, v16;
	v16 =	vld.idx.msk [tilespmem:v8+s1+$0x0], $0xffff  }
0x3a: {  	v21 =	vor.u32 v4, v21;
	v9 =	vor.u32 v4, v9;
	v8 =	vld.idx.msk [tilespmem:v11+s1+$0x0], $0xffff;
	v11 =	vor.u32 $0x80000000, v22  }
0x3b: {  	v14 =	vld.idx.msk [tilespmem:v14+s1+$0x0], $0xffff;
	v63 =	vshra.s32 v23, $0x1F;
	v22 =	vshrl.u32 v6, $0x14;
	v6 =	vxor.u32 v12, v11  }
0x3c: {  	v24 =	vshra.s32 v13, $0x1F;
	v17 =	vshra.s32 v20, $0x1F;
	v6 =	vshrl.u32 v6, $0x14  }
0x3d: {  	v27 =	vor.u32 $0x80000000, v17;
	v12 =	vor.u32 $0x80000000, v24;
	v6 =	vand.u32 $0xFF0, v6  }
0x3e: {  	v15 =	vld.idx.msk [tilespmem:v15+s1+$0x0], $0xffff;
	v17 =	vshra.s32 v25, $0x1F;
	v62 =	vor.u32 v1, v6;
	v6 =	vxor.u32 v13, v12  }
0x3f: {  	v9 =	vld.idx.msk [tilespmem:v9+s1+$0x0], $0xffff;
	v11 =	vshra.s32 v7, $0x1F;
	v6 =	vshrl.u32 v6, $0x14;
	v13 =	vshra.s32 v16, $0x1F  }
0x40: {  	v26 =	vand.u32 $0xFF0, v6;
	v6 =	vshra.s32 v14, $0x1F;
	v13 =	vor.u32 $0x80000000, v13  }
0x41: {  	v12 =	vshra.s32 v8, $0x1F;
	v6 =	vor.u32 $0x80000000, v6;
	v13 =	vxor.u32 v16, v13  }
0x42: {  	v19 =	vld.idx.msk [tilespmem:v19+s1+$0x0], $0xffff;
	v26 =	vor.u32 v1, v26;
	v6 =	vxor.u32 v14, v6;
	v16 =	vshrl.u32 v13, $0x14  }
0x43: {  	v14 =	vshra.s32 v15, $0x1F;
	v13 =	vshrl.u32 v6, $0x14;
	v6 =	vand.u32 $0xFF0, v16  }
0x44: {  	v14 =	vor.u32 $0x80000000, v14;
	v16 =	vshra.s32 v9, $0x1F;
	v28 =	vor.u32 v1, v6  }
0x45: {  	v21 =	vld.idx.msk [tilespmem:v21+s1+$0x0], $0xffff;
	v6 =	vor.u32 $0x80000000, v16;
	v16 =	vor.u32 $0x80000000, v17;
	v17 =	vor.u32 $0x80000000, v11  }
0x46: {  	v14 =	vxor.u32 v15, v14;
	v15 =	vld.idx.msk [tilespmem:v10+s1+$0x0], $0xffff;
	v10 =	vxor.u32 v20, v27;
	v11 =	vxor.u32 v25, v16  }
0x47: {  	v9 =	vxor.u32 v9, v6;
	v6 =	vld.idx.msk [tilespmem:v18+s1+$0x0], $0xffff;
	v18 =	vshra.s32 v19, $0x1F;
	v11 =	vshrl.u32 v11, $0x14  }
0x48: {  	v16 =	vor.u32 $0x80000000, v12;
	v25 =	vor.u32 $0x80000000, v63;
	v11 =	vand.u32 $0xFF0, v11  }
0x49: {  	v12 =	vor.u32 $0x80000000, v18;
	v18 =	vshrl.u32 v10, $0x14;
	v29 =	vor.u32 v1, v11  }
0x4a: {  	v9 =	vshrl.u32 v9, $0x14;
	v10 =	vshrl.u32 v14, $0x14;
	v12 =	vxor.u32 v19, v12  }
0x4b: {  	[tilespmem:v62+s8+$0x0] =	vst.idx.add.s32.msk $0xffff, v3;
	v14 =	vand.u32 $0xFF0, v22;
	v11 =	vshra.s32 v21, $0x1F;
	v19 =	vshrl.u32 v12, $0x14  }
0x4c: {  	[tilespmem:v26+s8+$0x0] =	vst.idx.add.s32.msk $0xffff, v3;
	v12 =	vand.u32 $0xFF0, v18;
	v18 =	vor.u32 v1, v14;
	v22 =	vor.u32 $0x80000000, v11  }
0x4d: {  	[tilespmem:v28+s8+$0x0] =	vst.idx.add.s32.msk $0xffff, v3;
	v20 =	vshra.s32 v6, $0x1F;
	v14 =	vxor.u32 v21, v22;
	v21 =	vxor.u32 v23, v25  }
0x4e: {  	s17 =	simm.s32 $0x10;
	s12 =	simm.s32 $0xFF;
	s13 =	simm.s32 $0x10FF0;
	v22 =	vshra.s32 v15, $0x1F;
	v11 =	vor.u32 $0x80000000, v20;
	v20 =	vshrl.u32 v14, $0x14;
	[tilespmem:v29+s8+$0x0] =	vst.idx.add.s32.msk $0xffff, v3  }
.LBB2_5:
0x4f: {  	s14 =	sadd.s32 $0x1, s17  }
0x50: {  	s16 =	sadd.s32 $0x2, s17;
	s18 =	sadd.s32 $0x3, s17;
	v14 =	vshrl.u32 v21, $0x14;
	v12 =	vor.u32 v1, v12;
	v17 =	vxor.u32 v7, v17;
	s15 =	smov.u32 s17  }
0x51: {  	s19 =	sadd.s32 $0x5, s17;
	v22 =	vor.u32 $0x80000000, v22;
	v7 =	vadd.s32 s14, v1;
	v21 =	vadd.s32 s16, v1;
	s14 =	sadd.s32 $0x4, s17;
	s16 =	sadd.s32 $0x6, s17  }
0x52: {  	v20 =	vand.u32 $0xFF0, v20;
	v24 =	vadd.s32 s19, v1;
	s19 =	sadd.s32 $0x7, s15;
	s20 =	sadd.s32 $0x8, s15;
	v23 =	vadd.s32 s14, v1;
	s14 =	sadd.s32 $0x10, s17  }
0x53: {  	p0 =	slt.u32 s17, $0xFF0;
	v19 =	vand.u32 $0xFF0, v19;
	v25 =	vadd.s32 s19, v1;
	v26 =	vadd.s32 s20, v1  }
0x54: {  	v23 =	vand.u32 $0xFFF, v23;
	v26 =	vand.u32 $0xFF8, v26;
	[tilespmem:v18+s8+$0x0] =	vst.idx.add.s32.msk $0xffff, v3;
	v18 =	vor.u32 v1, v19  }
0x55: {  	v8 =	vxor.u32 v8, v16;
	s17 =	sadd.s32 $0xB, s15;
	v19 =	vor.u32 v4, v23;
	v23 =	vand.u32 $0xFFF, v24  }
0x56: {  	v7 =	vand.u32 $0xFFF, v7;
	s19 =	sadd.s32 $0xD, s15;
	v16 =	vor.u32 v4, v23;
	v23 =	vadd.s32 s17, v1;
	s17 =	sadd.s32 $0xC, s15  }
0x57: {  	v24 =	vadd.s32 s18, v1;
	v23 =	vand.u32 $0xFFF, v23;
	v27 =	vadd.s32 s17, v1  }
0x58: {  	v13 =	vand.u32 $0xFF0, v13;
	v23 =	vor.u32 v4, v23;
	v27 =	vand.u32 $0xFFF, v27  }
0x59: {  	v13 =	vor.u32 v1, v13;
	s20 =	sadd.s32 $0xE, s15;
	v25 =	vand.u32 $0xFFF, v25;
	s18 =	sadd.s32 $0xA, s15;
	s17 =	sadd.s32 $0x9, s15;
	v27 =	vor.u32 v4, v27;
	[tilespmem:v18+s8+$0x0] =	vst.idx.add.s32.msk $0xffff, v3  }
0x5a: {  	v15 =	vxor.u32 v15, v22;
	v28 =	vadd.s32 s18, v1;
	v18 =	vadd.s32 s17, v1;
	s17 =	sadd.s32 $0xF, s15  }
0x5b: {  	v14 =	vand.u32 $0xFF0, v14;
	v18 =	vand.u32 $0xFFF, v18;
	v22 =	vadd.s32 s17, v1;
	v19 =	vld.idx.msk [tilespmem:v19+s1+$0x0], $0xffff  }
0x5c: {  	v21 =	vand.u32 $0xFFF, v21;
	v15 =	vshrl.u32 v15, $0x14;
	v29 =	vadd.s32 s20, v1  }
0x5d: {  	v30 =	vadd.s32 s19, v1;
	v15 =	vand.u32 $0xFF0, v15;
	v22 =	vand.u32 $0xFFF, v22;
	v23 =	vld.idx.msk [tilespmem:v23+s1+$0x0], $0xffff  }
0x5e: {  	v21 =	vor.u32 v4, v21;
	v26 =	vor.u32 v5, v26;
	v18 =	vor.u32 v4, v18;
	v27 =	vld.idx.msk [tilespmem:v27+s1+$0x0], $0xffff  }
0x5f: {  	v31 =	vor.u32 v4, v7;
	v7 =	vand.u32 $0xFFF, v24;
	[tilespmem:v13+s8+$0x0] =	vst.idx.add.s32.msk $0xffff, v3;
	v13 =	vor.u32 v1, v15  }
0x60: {  	v8 =	vshrl.u32 v8, $0x14;
	v24 =	vadd.s32 s16, v1;
	v15 =	vor.u32 v4, v7  }
0x61: {  	v32 =	vor.u32 s15, v2;
	v20 =	vor.u32 v1, v20;
	v7 =	vld.idx.msk [tilespmem:v16+s1+$0x0], $0xffff;
	v16 =	vand.u32 $0xFFF, v30  }
0x62: {  	v33 =	vand.u32 $0xFF0, v8;
	v28 =	vand.u32 $0xFFF, v28;
	v30 =	vshra.s32 v19, $0x1F  }
0x63: {  	v17 =	vshrl.u32 v17, $0x14;
	v28 =	vor.u32 v4, v28;
	v8 =	vor.u32 $0x80000000, v30;
	v18 =	vld.idx.msk [tilespmem:v18+s1+$0x0], $0xffff  }
0x64: {  	v8 =	vxor.u32 v19, v8;
	v19 =	vor.u32 v4, v25;
	v25 =	vand.u32 $0xFFF, v29;
	[tilespmem:v13+s8+$0x0] =	vst.idx.add.s32.msk $0xffff, v3  }
0x65: {  	v14 =	vor.u32 v1, v14;
	v16 =	vor.u32 v4, v16;
	v13 =	vld.idx.msk [tilespmem:v15+s1+$0x0], $0xffff;
	v15 =	vshra.s32 v23, $0x1F  }
0x66: {  	v17 =	vand.u32 $0xFF0, v17;
	v30 =	vshra.s32 v27, $0x1F;
	v29 =	vshrl.u32 v8, $0x14;
	[tilespmem:v20+s8+$0x0] =	vst.idx.add.s32.msk $0xffff, v3  }
0x67: {  	v20 =	vshra.s32 v7, $0x1F;
	v15 =	vor.u32 $0x80000000, v15;
	v8 =	vld.idx.msk [tilespmem:v26+s1+$0x0], $0xffff;
	v26 =	vor.u32 $0x80000000, v30  }
0x68: {  	v17 =	vor.u32 v1, v17;
	v22 =	vor.u32 v4, v22;
	v30 =	vld.idx.msk [tilespmem:v32+s1+$0x0], $0xffff;
	v26 =	vxor.u32 v27, v26  }
0x69: {  	v25 =	vor.u32 v4, v25;
	v27 =	vor.u32 v1, v33;
	v21 =	vld.idx.msk [tilespmem:v21+s1+$0x0], $0xffff;
	v26 =	vshrl.u32 v26, $0x14  }
0x6a: {  	v10 =	vand.u32 $0xFF0, v10;
	v24 =	vand.u32 $0xFFF, v24;
	v26 =	vand.u32 $0xFF0, v26;
	[tilespmem:v14+s8+$0x0] =	vst.idx.add.s32.msk $0xffff, v3  }
0x6b: {  	v10 =	vor.u32 v1, v10;
	v24 =	vor.u32 v4, v24;
	v26 =	vor.u32 v1, v26;
	v32 =	vld.idx.msk [tilespmem:v16+s1+$0x0], $0xffff  }
0x6c: {  	v9 =	vand.u32 $0xFF0, v9;
	v6 =	vxor.u32 v6, v11;
	v14 =	vxor.u32 v23, v15;
	v31 =	vld.idx.msk [tilespmem:v31+s1+$0x0], $0xffff  }
0x6d: {  	v9 =	vor.u32 v1, v9;
	v14 =	vshrl.u32 v14, $0x14;
	v11 =	vshra.s32 v8, $0x1F;
	v15 =	vld.idx.msk [tilespmem:v28+s1+$0x0], $0xffff  }
0x6e: {  	v6 =	vshrl.u32 v6, $0x14;
	v23 =	vand.u32 $0xFF0, v14;
	v14 =	vimm.s32 $0x0;
	v16 =	vld.idx.msk [tilespmem:v22+s1+$0x0], $0xffff  }
0x6f: {  	v28 =	vshra.s32 v18, $0x1F;
	v22 =	vshra.s32 v13, $0x1F;
	[tilespmem:v27+s8+$0x0] =	vst.idx.add.s32.msk $0xffff, v3;
	v27 =	vand.u32 $0xFF0, v6  }
0x70: {  	v33 =	vshra.s32 v21, $0x1F;
	v6 =	vor.u32 $0x80000000, v22;
	v22 =	vld.idx.msk [tilespmem:v24+s1+$0x0], $0xffff;
	v24 =	vor.u32 $0x80000000, v28  }
0x71: {  	v13 =	vxor.u32 v13, v6;
	v18 =	vxor.u32 v18, v24;
	v6 =	vld.idx.msk [tilespmem:v25+s1+$0x0], $0xffff;
	v24 =	vor.u32 v1, v27  }
0x72: {  	v25 =	vshra.s32 v31, $0x1F;
	v13 =	vshrl.u32 v13, $0x14;
	v18 =	vshrl.u32 v18, $0x14;
	[tilespmem:v12+s8+$0x0] =	vst.idx.add.s32.msk $0xffff, v3  }
0x73: {  	v12 =	vor.u32 $0x80000000, v25;
	v25 =	vshra.s32 v15, $0x1F;
	v18 =	vand.u32 $0xFF0, v18;
	[tilespmem:v17+s8+$0x0] =	vst.idx.add.s32.msk $0xffff, v3  }
0x74: {  	v27 =	vor.u32 $0x80000000, v33;
	v28 =	vshra.s32 v16, $0x1F;
	v18 =	vor.u32 v1, v18;
	[tilespmem:v9+s8+$0x0] =	vst.idx.add.s32.msk $0xffff, v3  }
0x75: {  	v17 =	vor.u32 $0x80000000, v20;
	v9 =	vor.u32 $0x80000000, v25;
	v20 =	vor.u32 $0x80000000, v28;
	[tilespmem:v10+s8+$0x0] =	vst.idx.add.s32.msk $0xffff, v3  }
0x76: {  	v9 =	vxor.u32 v15, v9;
	v10 =	vshra.s32 v32, $0x1F;
	v15 =	vxor.u32 v16, v20;
	[tilespmem:v24+s8+$0x0] =	vst.idx.add.s32.msk $0xffff, v3  }
0x77: {  	v20 =	vshra.s32 v30, $0x1F;
	v16 =	vor.u32 $0x80000000, v11;
	v11 =	vshrl.u32 v15, $0x14;
	[tilespmem:v26+s8+$0x0] =	vst.idx.add.s32.msk $0xffff, v3  }
0x78: {  	v20 =	vor.u32 $0x80000000, v20;
	v10 =	vor.u32 $0x80000000, v10;
	v11 =	vand.u32 $0xFF0, v11;
	v15 =	vld.idx.msk [tilespmem:v19+s1+$0x0], $0xffff  }
0x79: {  	v12 =	vxor.u32 v31, v12;
	v24 =	vor.u32 v1, v11;
	[tilespmem:v18+s8+$0x0] =	vst.idx.add.s32.msk $0xffff, v3  }
0x7a: {  	v23 =	vor.u32 v1, v23;
	v11 =	vxor.u32 v21, v27;
	v18 =	vshra.s32 v22, $0x1F  }
.Ltmp1:
0x7b: {  	v9 =	vshrl.u32 v9, $0x14;
	v21 =	vshrl.u32 v11, $0x14;
	v11 =	vxor.u32 v32, v10;
	(pc) =	sbr.rel @p0 .LBB2_5-.Ltmp1, $4  }
0x7c: {  	v25 =	vand.u32 $0xFF0, v29;
	v10 =	vshrl.u32 v12, $0x14;
	v12 =	vshra.s32 v6, $0x1F  }
0x7d: {  	v26 =	vor.u32 $0x80000000, v18;
	v19 =	vshrl.u32 v11, $0x14;
	v11 =	vor.u32 $0x80000000, v12  }
0x7e: {  	v12 =	vand.u32 $0xFF0, v21;
	v18 =	vor.u32 v1, v25;
	v22 =	vxor.u32 v22, v26;
	[tilespmem:v24+s8+$0x0] =	vst.idx.add.s32.msk $0xffff, v3  }
0x7f: {  	s17 =	smov.u32 s14;
	v21 =	vxor.u32 v30, v20;
	v20 =	vshrl.u32 v22, $0x14;
	v22 =	vshra.s32 v15, $0x1F;
	[tilespmem:v23+s8+$0x0] =	vst.idx.add.s32.msk $0xffff, v3  }
0x80: {  	v22 =	vor.u32 $0x80000000, v22  }
0x81: {  	v19 =	vand.u32 $0xFF0, v19;
	v13 =	vand.u32 $0xFF0, v13;
	v12 =	vor.u32 v1, v12  }
0x82: {  	v21 =	vshrl.u32 v21, $0x14;
	v20 =	vand.u32 $0xFF0, v20;
	v19 =	vor.u32 v1, v19  }
0x83: {  	v8 =	vxor.u32 v8, v16;
	v7 =	vxor.u32 v7, v17;
	v13 =	vor.u32 v1, v13  }
0x84: {  	v9 =	vand.u32 $0xFF0, v9;
	v6 =	vxor.u32 v6, v11;
	v20 =	vor.u32 v1, v20  }
0x85: {  	[tilespmem:v18+s8+$0x0] =	vst.idx.add.s32.msk $0xffff, v3;
	v10 =	vand.u32 $0xFF0, v10;
	v15 =	vxor.u32 v15, v22;
	v9 =	vor.u32 v1, v9  }
0x86: {  	v63 =	vand.u32 $0xFF0, v21;
	v8 =	vshrl.u32 v8, $0x14;
	v10 =	vor.u32 v1, v10;
	[tilespmem:v12+s8+$0x0] =	vst.idx.add.s32.msk $0xffff, v3  }
0x87: {  	v7 =	vshrl.u32 v7, $0x14;
	v8 =	vand.u32 $0xFF0, v8;
	v16 =	vor.u32 v1, v63;
	[tilespmem:v19+s8+$0x0] =	vst.idx.add.s32.msk $0xffff, v3  }
0x88: {  	v6 =	vshrl.u32 v6, $0x14;
	v7 =	vand.u32 $0xFF0, v7;
	v8 =	vor.u32 v1, v8;
	[tilespmem:v13+s8+$0x0] =	vst.idx.add.s32.msk $0xffff, v3  }
0x89: {  	v15 =	vshrl.u32 v15, $0x14;
	v6 =	vand.u32 $0xFF0, v6;
	v7 =	vor.u32 v1, v7;
	[tilespmem:v20+s8+$0x0] =	vst.idx.add.s32.msk $0xffff, v3  }
0x8a: {  	v15 =	vand.u32 $0xFF0, v15;
	v6 =	vor.u32 v1, v6;
	[tilespmem:v9+s8+$0x0] =	vst.idx.add.s32.msk $0xffff, v3  }
0x8b: {  	v15 =	vor.u32 v1, v15;
	[tilespmem:v10+s8+$0x0] =	vst.idx.add.s32.msk $0xffff, v3  }
0x8c: {  	[tilespmem:v16+s8+$0x0] =	vst.idx.add.s32.msk $0xffff, v3  }
0x8d: {  	[tilespmem:v8+s8+$0x0] =	vst.idx.add.s32.msk $0xffff, v3  }
0x8e: {  	[tilespmem:v7+s8+$0x0] =	vst.idx.add.s32.msk $0xffff, v3  }
0x8f: {  	[tilespmem:v6+s8+$0x0] =	vst.idx.add.s32.msk $0xffff, v3  }
0x90: {  	[tilespmem:v15+s8+$0x0] =	vst.idx.add.s32.msk $0xffff, v3  }
0x91: {  	v6 =	vld [tilespmem:s13+$0x0]  }
0x92: {  	v7 =	vld [tilespmem:s13+$0xFFFFFFF0]  }
0x93: {  	v8 =	vld [tilespmem:s13+$0xFFFFFFE0];
	_ =	sdelay $0x1  }
0x94: {  	v9 =	vld [tilespmem:s13+$0xFFFFFFD0]  }
0x95: {  	v10 =	vadd.s32 v14, v6  }
0x96: {  	vm1 =	vmneg vm0;
	v6 =	vld [tilespmem:s13+$0xFFFFFFC0];
	vm2 =	vgt.s32 v10, $0xCC;
	v11 =	vadd.s32 v7, v10  }
0x97: {  	vm3 =	vmor vm0, vm2;
	vm4 =	vgt.s32 v11, $0xCC;
	v12 =	vadd.s32 v8, v11  }
0x98: {  	vm2 =	vmand vm2, vm1;
	vm5 =	vmneg vm3;
	vm3 =	vmor vm3, vm4  }
0x99: {  	v13 =	vld [tilespmem:s13+$0xFFFFFFB0];
	vm6 =	vgt.s32 v12, $0xCC;
	v7 =	vadd.s32 v9, v12;
	v9 =	vsel vm2, s12, v14  }
0x9a: {  	v14 =	vsel vm2, v14, v14;
	vm4 =	vmand vm4, vm5;
	vm5 =	vmneg vm3  }
0x9b: {  	v15 =	vld [tilespmem:s13+$0xFFFFFFA0];
	vm3 =	vmor vm3, vm6;
	vm7 =	vgt.s32 v7, $0xCC;
	v8 =	vadd.s32 v6, v7  }
0x9c: {  	v16 =	vld [tilespmem:s13+$0xFFFFFF90];
	vm2 =	vmneg vm3;
	vm3 =	vmor vm3, vm7;
	v10 =	vsel vm4, v10, v14  }
0x9d: {  	vm6 =	vmand vm6, vm5;
	vm8 =	vgt.s32 v8, $0xCC;
	vm2 =	vmand vm7, vm2  }
0x9e: {  	s31 =	simm.s32 $0xFE;
	vm7 =	vmneg vm3;
	v6 =	vadd.s32 v13, v8;
	v10 =	vsel vm6, v11, v10  }
0x9f: {  	s15 =	simm.s32 $0xFD;
	v11 =	vsel vm4, s31, v9;
	vm9 =	vmor vm3, vm8;
	vm3 =	vmand vm8, vm7  }
0xa0: {  	vm7 =	vgt.s32 v6, $0xCC;
	v9 =	vadd.s32 v15, v6;
	v11 =	vsel vm6, s15, v11  }
0xa1: {  	s14 =	simm.s32 $0x0;
	s18 =	simm.s32 $0xFC;
	v12 =	vsel vm2, v12, v10;
	vm5 =	vmneg vm9;
	v10 =	vadd.s32 v16, v9  }
0xa2: {  	s16 =	simm.s32 $0x10F70;
	s13 =	simm.s32 $0xFB;
	s15 =	simm.s32 $0xF7;
	vm8 =	vmor vm9, vm7;
	vm6 =	vgt.s32 v9, $0xCC;
	vm4 =	vgt.s32 v10, $0xCC  }
.LBB2_7:
0xa3: {  	v13 =	vld [tilespmem:s16+$0x0];
	s17 =	sadd.s32 $0xFFFFFFFC, s15;
	s14 =	sadd.s32 $0x8, s14;
	v11 =	vsel vm2, s18, v11;
	v7 =	vsel vm3, v7, v12;
	vm2 =	vmand vm7, vm5  }
0xa4: {  	s18 =	sadd.s32 $0xFFFFFFFB, s12;
	vm5 =	vmneg vm8;
	vm7 =	vmor vm8, vm6;
	v12 =	vld [tilespmem:s16+$0xFFFFFFF0];
	p0 =	slt.u32 s14, $0xF8;
	v7 =	vsel vm2, v8, v7  }
0xa5: {  	s19 =	sadd.s32 $0xFFFFFFFA, s12;
	v11 =	vsel vm3, s13, v11;
	vm3 =	vmand vm6, vm5;
	vm5 =	vmneg vm7;
	s13 =	smov.u32 s17;
	v8 =	vld [tilespmem:s16+$0xFFFFFFE0]  }
0xa6: {  	s17 =	sadd.s32 $0xFFFFFFF9, s12;
	s12 =	smov.u32 s15;
	v11 =	vsel vm2, s18, v11;
	v6 =	vsel vm3, v6, v7;
	vm2 =	vmand vm4, vm5  }
0xa7: {  	v11 =	vsel vm3, s19, v11;
	v6 =	vsel vm2, v9, v6;
	vm3 =	vmor vm7, vm4;
	v7 =	vld [tilespmem:s16+$0xFFFFFFD0]  }
0xa8: {  	v11 =	vsel vm2, s17, v11;
	v9 =	vadd.s32 v10, v13  }
0xa9: {  	vm2 =	vmneg vm3;
	vm4 =	vgt.s32 v9, $0xCC;
	v12 =	vadd.s32 v12, v9;
	v13 =	vld [tilespmem:s16+$0xFFFFFFC0]  }
0xaa: {  	vm3 =	vmor vm3, vm4;
	vm5 =	vgt.s32 v12, $0xCC;
	v14 =	vadd.s32 v8, v12  }
0xab: {  	vm6 =	vmneg vm3;
	vm3 =	vmor vm3, vm5;
	vm7 =	vgt.s32 v14, $0xCC;
	v15 =	vld [tilespmem:s16+$0xFFFFFFB0]  }
0xac: {  	vm6 =	vmand vm5, vm6;
	vm5 =	vmneg vm3;
	v7 =	vadd.s32 v7, v14  }
0xad: {  	vm2 =	vmand vm4, vm2;
	vm3 =	vmor vm3, vm7;
	vm4 =	vgt.s32 v7, $0xCC  }
0xae: {  	v11 =	vsel vm2, s15, v11;
	v10 =	vsel vm2, v10, v6;
	v8 =	vadd.s32 v13, v7;
	v13 =	vld [tilespmem:s16+$0xFFFFFFA0]  }
0xaf: {  	vm2 =	vmneg vm3;
	vm3 =	vmor vm3, vm4;
	vm8 =	vgt.s32 v8, $0xCC;
	v16 =	vld [tilespmem:s16+$0xFFFFFF90]  }
0xb0: {  	vm2 =	vmand vm4, vm2;
	vm4 =	vmneg vm3;
	v6 =	vadd.s32 v15, v8  }
.Ltmp2:
0xb1: {  	v9 =	vsel vm6, v9, v10;
	vm9 =	vmand vm7, vm5;
	vm10 =	vmor vm3, vm8;
	(pc) =	sbr.rel @p0 .LBB2_7-.Ltmp2, $4  }
0xb2: {  	s17 =	sadd.s32 $0xFFFFFFFF, s15;
	v10 =	vsel vm9, v12, v9;
	vm3 =	vmand vm8, vm4;
	vm5 =	vmneg vm10  }
0xb3: {  	v11 =	vsel vm6, s17, v11;
	s17 =	sadd.s32 $0xFFFFFFFE, s15;
	vm7 =	vgt.s32 v6, $0xCC;
	v9 =	vadd.s32 v13, v6  }
0xb4: {  	v11 =	vsel vm9, s17, v11;
	s17 =	simm.s32 $0x10040;
	v12 =	vsel vm2, v14, v10;
	v10 =	vadd.s32 v16, v9  }
0xb5: {  	s18 =	sadd.s32 $0xFFFFFFFD, s12;
	s15 =	sadd.s32 $0xFFFFFFF8, s15;
	s16 =	sadd.s32 $0xFFFFFF80, s16;
	vm8 =	vmor vm10, vm7;
	vm6 =	vgt.s32 v9, $0xCC;
	vm4 =	vgt.s32 v10, $0xCC  }
0xb6: {  	[tilespmem:s17+$0xFFFFFFC0] =	vst v0  }
0xb7: {  	v7 =	vsel vm3, v7, v12;
	[tilespmem:s17+$0x30] =	vst v0  }
0xb8: {  	vm5 =	vmand vm7, vm5;
	v10 =	vsel vm2, s18, v11;
	[tilespmem:s17+$0x20] =	vst v0;
	vm2 =	vmneg vm8  }
0xb9: {  	s14 =	sadd.s32 $0xFFFFFFFB, s12;
	vm15 =	vmor vm8, vm6;
	[tilespmem:s17+$0x10] =	vst v0;
	v7 =	vsel vm5, v8, v7;
	v8 =	vsel vm3, s13, v10  }
0xba: {  	s30 =	sadd.s32 $0xFFFFFFFA, s12;
	[tilespmem:s17+$0x0] =	vst v0;
	vm2 =	vmand vm6, vm2;
	vm3 =	vmneg vm15;
	v8 =	vsel vm5, s14, v8  }
0xbb: {  	s31 =	sadd.s32 $0xFFFFFFF9, s12;
	[tilespmem:s17+$0xFFFFFFF0] =	vst v0;
	v6 =	vsel vm2, v6, v7;
	vm3 =	vmand vm4, vm3;
	v8 =	vsel vm2, s30, v8  }
0xbc: {  	s12 =	simm.s32 $0x0;
	[tilespmem:s17+$0xFFFFFFE0] =	vst v0;
	v7 =	vsel vm3, v9, v6;
	v6 =	vsel vm3, s31, v8  }
.LBB2_9:
0xbd: {  	s12 =	sadd.s32 $0x80, s12;
	[tilespmem:s17+$0xFFFFFFD0] =	vst v0;
	s17 =	sadd.s32 $0x80, s17  }
0xbe: {  	[tilespmem:s17+$0xFFFFFFC0] =	vst v0;
	p0 =	slt.u32 s12, $0xF80  }
0xbf: {  	[tilespmem:s17+$0x30] =	vst v0  }
.Ltmp3:
0xc0: {  	[tilespmem:s17+$0x20] =	vst v0;
	(pc) =	sbr.rel @p0 .LBB2_9-.Ltmp3, $4  }
0xc1: {  	[tilespmem:s17+$0x10] =	vst v0  }
0xc2: {  	[tilespmem:s17+$0x0] =	vst v0  }
0xc3: {  	[tilespmem:s17+$0xFFFFFFF0] =	vst v0  }
0xc4: {  	[tilespmem:s17+$0xFFFFFFE0] =	vst v0  }
0xc5: {  	s12 =	simm.s32 $0x4  }
0xc6: {  	s13 =	simm.s32 $0x5;
	s19 =	simm.s32 $0x1;
	s20 =	simm.s32 $0x2;
	v8 =	vadd.s32 s12, v1  }
0xc7: {  	s21 =	simm.s32 $0x7;
	s14 =	simm.s32 $0x8;
	s22 =	simm.s32 $0xB;
	v9 =	vadd.s32 s13, v1;
	v10 =	vadd.s32 s19, v1;
	v11 =	vadd.s32 s20, v1  }
0xc8: {  	s23 =	simm.s32 $0xC;
	s24 =	simm.s32 $0xD;
	v12 =	vadd.s32 s21, v1;
	v13 =	vadd.s32 s14, v1;
	v14 =	vadd.s32 s22, v1  }
0xc9: {  	s25 =	simm.s32 $0xE;
	v15 =	vadd.s32 s23, v1;
	v16 =	vadd.s32 s24, v1;
	v8 =	vand.u32 $0xFFF, v8  }
0xca: {  	s15 =	simm.s32 $0x0;
	s29 =	simm.s32 $0xF;
	v17 =	vadd.s32 s25, v1;
	v9 =	vand.u32 $0xFFF, v9;
	v8 =	vor.u32 v4, v8  }
0xcb: {  	s26 =	simm.s32 $0x6;
	s28 =	simm.s32 $0x9;
	v18 =	vor.u32 s15, v2;
	v21 =	vadd.s32 s29, v1;
	v9 =	vor.u32 v4, v9  }
0xcc: {  	s30 =	simm.s32 $0x3;
	s31 =	simm.s32 $0xA;
	v19 =	vadd.s32 s26, v1;
	v20 =	vadd.s32 s28, v1;
	v21 =	vand.u32 $0xFFF, v21  }
0xcd: {  	v22 =	vadd.s32 s30, v1;
	v25 =	vadd.s32 s31, v1;
	v21 =	vor.u32 v4, v21  }
0xce: {  	[tilespmem:s17+$0xFFFFFFD0] =	vst v0;
	v13 =	vand.u32 $0xFF8, v13;
	v12 =	vand.u32 $0xFFF, v12;
	v17 =	vand.u32 $0xFFF, v17  }
0xcf: {  	v16 =	vand.u32 $0xFFF, v16;
	v14 =	vand.u32 $0xFFF, v14;
	v17 =	vor.u32 v4, v17;
	v8 =	vld.idx.msk [tilespmem:v8+s1+$0x0], $0xffff  }
0xd0: {  	v19 =	vand.u32 $0xFFF, v19;
	v20 =	vand.u32 $0xFFF, v20;
	v13 =	vor.u32 v5, v13;
	v9 =	vld.idx.msk [tilespmem:v9+s1+$0x0], $0xffff  }
0xd1: {  	v11 =	vand.u32 $0xFFF, v11;
	v15 =	vand.u32 $0xFFF, v15;
	v16 =	vor.u32 v4, v16  }
0xd2: {  	v25 =	vand.u32 $0xFFF, v25;
	v22 =	vand.u32 $0xFFF, v22;
	v10 =	vand.u32 $0xFFF, v10;
	v21 =	vld.idx.msk [tilespmem:v21+s1+$0x0], $0xffff  }
0xd3: {  	v20 =	vor.u32 v4, v20;
	v14 =	vor.u32 v4, v14;
	v11 =	vor.u32 v4, v11  }
0xd4: {  	v15 =	vor.u32 v4, v15;
	v22 =	vor.u32 v4, v22;
	v17 =	vld.idx.msk [tilespmem:v17+s1+$0x0], $0xffff;
	v23 =	vshra.s32 v8, $0x1F  }
0xd5: {  	v25 =	vor.u32 v4, v25;
	v13 =	vld.idx.msk [tilespmem:v13+s1+$0x0], $0xffff;
	v24 =	vshra.s32 v9, $0x1F;
	v23 =	vor.u32 $0x80000000, v23  }
0xd6: {  	v10 =	vor.u32 v4, v10;
	v16 =	vld.idx.msk [tilespmem:v16+s1+$0x0], $0xffff;
	v8 =	vxor.u32 v8, v23;
	v23 =	vor.u32 $0x80000000, v24  }
0xd7: {  	v27 =	vshra.s32 v21, $0x1F;
	v24 =	vshrl.u32 v8, $0xC;
	v9 =	vxor.u32 v9, v23  }
0xd8: {  	v14 =	vld.idx.msk [tilespmem:v14+s1+$0x0], $0xffff;
	v23 =	vshrl.u32 v8, $0x18;
	v8 =	vshrl.u32 v9, $0xC;
	v9 =	vshrl.u32 v9, $0x18  }
0xd9: {  	vm6 =	veq.s32 v23, v6;
	v8 =	vand.u32 $0xFF0, v8;
	vm4 =	veq.s32 v9, v6;
	v9 =	vld.idx.msk [tilespmem:v18+s1+$0x0], $0xffff  }
0xda: {  	v30 =	vld.idx.msk [tilespmem:v15+s1+$0x0], $0xffff;
	v23 =	vshra.s32 v13, $0x1F;
	v29 =	vor.u32 v1, v8;
	v8 =	vshra.s32 v17, $0x1F  }
0xdb: {  	v35 =	vld.idx.msk [tilespmem:v25+s1+$0x0], $0xffff;
	v18 =	vand.u32 $0xFF0, v24;
	v24 =	vshra.s32 v16, $0x1F;
	v8 =	vor.u32 $0x80000000, v8  }
0xdc: {  	v18 =	vor.u32 v1, v18;
	v17 =	vxor.u32 v17, v8;
	v8 =	vld.idx.msk [tilespmem:v11+s1+$0x0], $0xffff;
	v11 =	vor.u32 v4, v12  }
0xdd: {  	v15 =	vld.idx.msk [tilespmem:v22+s1+$0x0], $0xffff;
	v12 =	vor.u32 v4, v19;
	v19 =	vshra.s32 v14, $0x1F;
	v26 =	vshrl.u32 v17, $0xC  }
0xde: {  	v19 =	vor.u32 $0x80000000, v19;
	v17 =	vshrl.u32 v17, $0x18;
	v28 =	vshra.s32 v9, $0x1F  }
0xdf: {  	v14 =	vxor.u32 v14, v19;
	v36 =	vand.u32 $0xFF0, v26;
	vm5 =	veq.s32 v17, v6  }
0xe0: {  	v17 =	vshra.s32 v35, $0x1F;
	v19 =	vor.u32 $0x80000000, v28;
	v22 =	vshrl.u32 v14, $0xC  }
0xe1: {  	v20 =	vld.idx.msk [tilespmem:v20+s1+$0x0], $0xffff;
	v17 =	vor.u32 $0x80000000, v17;
	v22 =	vand.u32 $0xFF0, v22;
	v9 =	vxor.u32 v9, v19  }
0xe2: {  	v19 =	vshra.s32 v15, $0x1F;
	v17 =	vxor.u32 v35, v17;
	v31 =	vld.idx.msk [tilespmem:v11+s1+$0x0], $0xffff;
	v11 =	vshrl.u32 v14, $0x18  }
0xe3: {  	v14 =	vor.u32 $0x80000000, v24;
	v24 =	vld.idx.msk [tilespmem:v12+s1+$0x0], $0xffff;
	v12 =	vshra.s32 v8, $0x1F;
	v25 =	vshrl.u32 v9, $0xC  }
0xe4: {  	[tilespmem:v18+s8+$0x0] =	vst.idx.add.s32.msk vm6, v3;
	v18 =	vor.u32 $0x80000000, v19;
	v16 =	vxor.u32 v16, v14;
	v12 =	vor.u32 $0x80000000, v12  }
0xe5: {  	v14 =	vor.u32 $0x80000000, v23;
	v23 =	vor.u32 $0x80000000, v27;
	vm3 =	veq.s32 v11, v6  }
0xe6: {  	v32 =	vxor.u32 v13, v14;
	v14 =	vor.u32 v1, v22;
	v13 =	vshra.s32 v30, $0x1F  }
0xe7: {  	v21 =	vxor.u32 v21, v23;
	v23 =	vshra.s32 v20, $0x1F;
	v26 =	vshrl.u32 v16, $0xC  }
0xe8: {  	v13 =	vor.u32 $0x80000000, v13;
	v33 =	vshrl.u32 v32, $0xC;
	v28 =	vshrl.u32 v21, $0x18  }
0xe9: {  	v21 =	vshrl.u32 v21, $0xC;
	v13 =	vxor.u32 v30, v13;
	vm7 =	veq.s32 v28, v6  }
0xea: {  	v30 =	vor.u32 $0x80000000, v23;
	v21 =	vand.u32 $0xFF0, v21;
	v22 =	vshra.s32 v31, $0x1F  }
0xeb: {  	v27 =	vshra.s32 v24, $0x1F;
	v28 =	vshrl.u32 v13, $0xC;
	v34 =	vor.u32 v1, v21  }
0xec: {  	v23 =	vld.idx.msk [tilespmem:v10+s1+$0x0], $0xffff;
	v30 =	vxor.u32 v20, v30;
	v13 =	vshrl.u32 v13, $0x18;
	v20 =	vand.u32 $0xFF0, v33  }
0xed: {  	[tilespmem:v29+s8+$0x0] =	vst.idx.add.s32.msk vm4, v3;
	v27 =	vor.u32 $0x80000000, v27;
	v10 =	vand.u32 $0xFF0, v28;
	v29 =	vshrl.u32 v30, $0x18  }
0xee: {  	v24 =	vxor.u32 v24, v27;
	v27 =	vshrl.u32 v9, $0x18;
	v10 =	vor.u32 v1, v10  }
0xef: {  	vm2 =	veq.s32 v27, v6;
	v21 =	vshrl.u32 v24, $0xC;
	v11 =	vshrl.u32 v24, $0x18  }
0xf0: {  	v27 =	vshrl.u32 v16, $0x18;
	v24 =	vor.u32 v1, v36;
	v9 =	vand.u32 $0xFF0, v21  }
0xf1: {  	v21 =	vor.u32 $0x80000000, v22;
	v22 =	vand.u32 $0xFF0, v25;
	v28 =	vshra.s32 v23, $0x1F  }
0xf2: {  	s12 =	simm.s32 $0x10;
	v25 =	vshrl.u32 v30, $0xC;
	v16 =	vxor.u32 v31, v21;
	v21 =	vshrl.u32 v32, $0x18;
	[tilespmem:v34+s8+$0x0] =	vst.idx.add.s32.msk vm7, v3  }
.LBB2_11:
0xf3: {  	s14 =	sadd.s32 $0x1, s12;
	s15 =	sadd.s32 $0x2, s12;
	s13 =	sadd.s32 $0x3, s12;
	v19 =	vxor.u32 v15, v18;
	v18 =	vor.u32 v1, v20;
	vm4 =	veq.s32 v29, v6  }
0xf4: {  	s16 =	sadd.s32 $0x5, s12;
	v28 =	vor.u32 $0x80000000, v28;
	v20 =	vadd.s32 s14, v1;
	v15 =	vadd.s32 s15, v1;
	s15 =	sadd.s32 $0x4, s12;
	s14 =	sadd.s32 $0xA, s12  }
0xf5: {  	s17 =	sadd.s32 $0x8, s12;
	v30 =	vadd.s32 s16, v1;
	s16 =	sadd.s32 $0x7, s12;
	v28 =	vxor.u32 v23, v28;
	v29 =	vadd.s32 s15, v1;
	s15 =	sadd.s32 $0x6, s12  }
0xf6: {  	p0 =	slt.u32 s12, $0xFF0;
	v23 =	vadd.s32 s17, v1;
	v31 =	vadd.s32 s16, v1;
	v32 =	vshrl.u32 v28, $0xC;
	s16 =	smov.u32 s12;
	s12 =	sadd.s32 $0x10, s12;
	[tilespmem:v24+s8+$0x0] =	vst.idx.add.s32.msk vm5, v3  }
0xf7: {  	v24 =	vand.u32 $0xFFF, v29;
	v29 =	vand.u32 $0xFF8, v23;
	s17 =	sadd.s32 $0xB, s16;
	v23 =	vand.u32 $0xFF0, v32  }
0xf8: {  	v30 =	vand.u32 $0xFFF, v30;
	v32 =	vor.u32 v4, v24;
	v24 =	vshrl.u32 v28, $0x18  }
0xf9: {  	v33 =	vshrl.u32 v19, $0xC;
	v28 =	vor.u32 v4, v30;
	v30 =	vadd.s32 s17, v1;
	s17 =	sadd.s32 $0xC, s16  }
0xfa: {  	v33 =	vand.u32 $0xFF0, v33;
	v31 =	vand.u32 $0xFFF, v31;
	s18 =	sadd.s32 $0xE, s16;
	v34 =	vadd.s32 s17, v1;
	s17 =	sadd.s32 $0xD, s16  }
0xfb: {  	vm5 =	veq.s32 v27, v6;
	v36 =	vadd.s32 s18, v1;
	v35 =	vadd.s32 s17, v1  }
0xfc: {  	v26 =	vand.u32 $0xFF0, v26;
	v27 =	vand.u32 $0xFFF, v35;
	v35 =	vand.u32 $0xFFF, v36  }
0xfd: {  	v36 =	vor.u32 s16, v2;
	v27 =	vor.u32 v4, v27;
	v35 =	vor.u32 v4, v35;
	v32 =	vld.idx.msk [tilespmem:v32+s1+$0x0], $0xffff  }
0xfe: {  	v25 =	vand.u32 $0xFF0, v25;
	v37 =	vadd.s32 s15, v1;
	s15 =	sadd.s32 $0x9, s16;
	v30 =	vand.u32 $0xFFF, v30;
	s16 =	sadd.s32 $0xF, s16;
	v28 =	vld.idx.msk [tilespmem:v28+s1+$0x0], $0xffff  }
0xff: {  	v40 =	vshrl.u32 v17, $0x18;
	v38 =	vadd.s32 s15, v1;
	v39 =	vadd.s32 s16, v1  }
0x100: {  	v37 =	vand.u32 $0xFFF, v37;
	v38 =	vand.u32 $0xFFF, v38;
	v39 =	vand.u32 $0xFFF, v39  }
0x101: {  	v38 =	vor.u32 v4, v38;
	v30 =	vor.u32 v4, v30;
	v39 =	vor.u32 v4, v39  }
0x102: {  	v22 =	vor.u32 v1, v22;
	v41 =	vadd.s32 s13, v1;
	v15 =	vand.u32 $0xFFF, v15;
	v35 =	vld.idx.msk [tilespmem:v35+s1+$0x0], $0xffff  }
0x103: {  	v43 =	vadd.s32 s14, v1;
	v15 =	vor.u32 v4, v15;
	v42 =	vshra.s32 v32, $0x1F;
	[tilespmem:v14+s8+$0x0] =	vst.idx.add.s32.msk vm3, v3  }
0x104: {  	v12 =	vxor.u32 v8, v12;
	v14 =	vor.u32 $0x80000000, v42;
	v42 =	vshra.s32 v28, $0x1F;
	v27 =	vld.idx.msk [tilespmem:v27+s1+$0x0], $0xffff  }
0x105: {  	v8 =	vxor.u32 v32, v14;
	v14 =	vor.u32 $0x80000000, v42;
	v32 =	vand.u32 $0xFFF, v34  }
0x106: {  	v43 =	vand.u32 $0xFFF, v43;
	v34 =	vshrl.u32 v8, $0xC;
	v42 =	vshrl.u32 v8, $0x18;
	v39 =	vld.idx.msk [tilespmem:v39+s1+$0x0], $0xffff  }
0x107: {  	v8 =	vand.u32 $0xFFF, v41;
	v14 =	vxor.u32 v28, v14;
	v28 =	vor.u32 v5, v29  }
0x108: {  	v25 =	vor.u32 v1, v25;
	v29 =	vshrl.u32 v14, $0xC;
	v14 =	vshrl.u32 v14, $0x18  }
0x109: {  	v29 =	vand.u32 $0xFF0, v29;
	vm6 =	veq.s32 v14, v6;
	v14 =	vshrl.u32 v12, $0x18;
	[tilespmem:v22+s8+$0x0] =	vst.idx.add.s32.msk vm2, v3  }
0x10a: {  	vm3 =	veq.s32 v21, v6;
	v29 =	vor.u32 v1, v29;
	v22 =	vld.idx.msk [tilespmem:v36+s1+$0x0], $0xffff;
	v36 =	vshra.s32 v35, $0x1F  }
0x10b: {  	v21 =	vand.u32 $0xFF0, v34;
	v34 =	vshra.s32 v27, $0x1F;
	vm2 =	veq.s32 v40, v6  }
0x10c: {  	v21 =	vor.u32 v1, v21;
	v40 =	vshrl.u32 v16, $0xC;
	v36 =	vor.u32 $0x80000000, v36;
	v30 =	vld.idx.msk [tilespmem:v30+s1+$0x0], $0xffff  }
0x10d: {  	v26 =	vor.u32 v1, v26;
	v41 =	vor.u32 v4, v8;
	v35 =	vxor.u32 v35, v36  }
0x10e: {  	v12 =	vshrl.u32 v12, $0xC;
	v36 =	vor.u32 v4, v43;
	v43 =	vshrl.u32 v35, $0xC;
	v8 =	vld.idx.msk [tilespmem:v15+s1+$0x0], $0xffff  }
0x10f: {  	v32 =	vor.u32 v4, v32;
	v44 =	vshra.s32 v39, $0x1F;
	v15 =	vshrl.u32 v17, $0xC;
	v28 =	vld.idx.msk [tilespmem:v28+s1+$0x0], $0xffff  }
0x110: {  	v12 =	vand.u32 $0xFF0, v12;
	v17 =	vor.u32 v4, v31;
	v31 =	vld.idx.msk [tilespmem:v38+s1+$0x0], $0xffff;
	v38 =	vand.u32 $0xFF0, v15  }
0x111: {  	v37 =	vor.u32 v4, v37;
	vm7 =	veq.s32 v14, v6;
	v45 =	vshra.s32 v22, $0x1F;
	[tilespmem:v25+s8+$0x0] =	vst.idx.add.s32.msk vm4, v3  }
0x112: {  	v14 =	vor.u32 v1, v12;
	v16 =	vshrl.u32 v16, $0x18;
	v12 =	vand.u32 $0xFF0, v40;
	v15 =	vld.idx.msk [tilespmem:v41+s1+$0x0], $0xffff  }
0x113: {  	vm8 =	veq.s32 v16, v6;
	v12 =	vor.u32 v1, v12;
	v25 =	vor.u32 $0x80000000, v45;
	[tilespmem:v26+s8+$0x0] =	vst.idx.add.s32.msk vm5, v3  }
0x114: {  	v16 =	vand.u32 $0xFFF, v20;
	v20 =	vor.u32 v1, v33;
	[tilespmem:v29+s8+$0x0] =	vst.idx.add.s32.msk vm6, v3;
	vm6 =	veq.s32 v13, v6  }
0x115: {  	v19 =	vshrl.u32 v19, $0x18;
	v13 =	vor.u32 v4, v16;
	v16 =	vshra.s32 v30, $0x1F;
	v26 =	vld.idx.msk [tilespmem:v32+s1+$0x0], $0xffff  }
0x116: {  	v23 =	vor.u32 v1, v23;
	vm5 =	veq.s32 v24, v6;
	v16 =	vor.u32 $0x80000000, v16;
	[tilespmem:v18+s8+$0x0] =	vst.idx.add.s32.msk vm3, v3  }
0x117: {  	vm4 =	veq.s32 v19, v6;
	v16 =	vxor.u32 v30, v16;
	v18 =	vor.u32 v1, v38;
	v17 =	vld.idx.msk [tilespmem:v17+s1+$0x0], $0xffff  }
0x118: {  	vm9 =	veq.s32 v11, v6;
	v24 =	vshrl.u32 v16, $0xC;
	v16 =	vshrl.u32 v16, $0x18;
	v19 =	vld.idx.msk [tilespmem:v37+s1+$0x0], $0xffff  }
0x119: {  	v9 =	vor.u32 v1, v9;
	v11 =	vor.u32 $0x80000000, v34;
	vm3 =	veq.s32 v42, v6;
	[tilespmem:v12+s8+$0x0] =	vst.idx.add.s32.msk vm8, v3  }
0x11a: {  	v27 =	vxor.u32 v27, v11;
	v29 =	vshra.s32 v28, $0x1F;
	v12 =	vshra.s32 v8, $0x1F;
	[tilespmem:v10+s8+$0x0] =	vst.idx.add.s32.msk vm6, v3  }
0x11b: {  	v11 =	vand.u32 $0xFF0, v24;
	v12 =	vor.u32 $0x80000000, v12;
	v10 =	vor.u32 $0x80000000, v29;
	[tilespmem:v14+s8+$0x0] =	vst.idx.add.s32.msk vm7, v3  }
0x11c: {  	v29 =	vxor.u32 v28, v10;
	v14 =	vor.u32 v1, v11;
	v10 =	vshra.s32 v26, $0x1F;
	[tilespmem:v18+s8+$0x0] =	vst.idx.add.s32.msk vm2, v3  }
0x11d: {  	v11 =	vxor.u32 v22, v25;
	v18 =	vshra.s32 v15, $0x1F;
	v10 =	vor.u32 $0x80000000, v10;
	[tilespmem:v23+s8+$0x0] =	vst.idx.add.s32.msk vm5, v3  }
0x11e: {  	v22 =	vshra.s32 v17, $0x1F;
	v30 =	vshrl.u32 v29, $0xC;
	v10 =	vxor.u32 v26, v10;
	[tilespmem:v9+s8+$0x0] =	vst.idx.add.s32.msk vm9, v3  }
0x11f: {  	v24 =	vor.u32 $0x80000000, v44;
	v23 =	vshra.s32 v31, $0x1F;
	v9 =	vshra.s32 v19, $0x1F;
	[tilespmem:v20+s8+$0x0] =	vst.idx.add.s32.msk vm4, v3  }
0x120: {  	v24 =	vxor.u32 v39, v24;
	v9 =	vor.u32 $0x80000000, v9;
	v20 =	vor.u32 $0x80000000, v23  }
0x121: {  	v25 =	vshrl.u32 v24, $0xC;
	v24 =	vshrl.u32 v24, $0x18;
	v23 =	vld.idx.msk [tilespmem:v13+s1+$0x0], $0xffff;
	v13 =	vshrl.u32 v10, $0xC  }
0x122: {  	vm4 =	veq.s32 v24, v6;
	[tilespmem:v21+s8+$0x0] =	vst.idx.add.s32.msk vm3, v3;
	v21 =	vand.u32 $0xFF0, v13;
	v13 =	vand.u32 $0xFF0, v25  }
0x123: {  	v24 =	vshrl.u32 v35, $0x18;
	v19 =	vxor.u32 v19, v9;
	v32 =	vld.idx.msk [tilespmem:v36+s1+$0x0], $0xffff;
	v33 =	vor.u32 v1, v13  }
0x124: {  	v9 =	vshrl.u32 v19, $0xC;
	v25 =	vshrl.u32 v11, $0xC;
	v11 =	vshrl.u32 v11, $0x18  }
0x125: {  	v34 =	vor.u32 $0x80000000, v22;
	v35 =	vand.u32 $0xFF0, v43;
	v9 =	vand.u32 $0xFF0, v9  }
0x126: {  	v31 =	vxor.u32 v31, v20;
	vm2 =	veq.s32 v11, v6;
	v13 =	vshrl.u32 v10, $0x18  }
0x127: {  	vm3 =	veq.s32 v16, v6;
	v22 =	vand.u32 $0xFF0, v25;
	v28 =	vshra.s32 v23, $0x1F  }
.Ltmp4:
0x128: {  	v26 =	vshrl.u32 v27, $0xC;
	v25 =	vshrl.u32 v31, $0xC;
	v10 =	vor.u32 v1, v21;
	(pc) =	sbr.rel @p0 .LBB2_11-.Ltmp4, $4  }
0x129: {  	v27 =	vshrl.u32 v27, $0x18;
	vm5 =	veq.s32 v24, v6;
	v11 =	vshrl.u32 v19, $0x18;
	[tilespmem:v33+s8+$0x0] =	vst.idx.add.s32.msk vm4, v3  }
0x12a: {  	v24 =	vor.u32 v1, v35;
	v16 =	vxor.u32 v17, v34;
	v17 =	vshra.s32 v32, $0x1F  }
0x12b: {  	v18 =	vor.u32 $0x80000000, v18;
	v21 =	vshrl.u32 v29, $0x18;
	v17 =	vor.u32 $0x80000000, v17  }
0x12c: {  	v20 =	vand.u32 $0xFF0, v30;
	v29 =	vshrl.u32 v31, $0x18;
	v17 =	vxor.u32 v32, v17  }
0x12d: {  	_ = 	snop  }
0x12e: {  	v19 =	vor.u32 $0x80000000, v28;
	v15 =	vxor.u32 v15, v18  }
0x12f: {  	v20 =	vor.u32 v1, v20;
	vm4 =	veq.s32 v29, v6;
	vm6 =	veq.s32 v27, v6  }
0x130: {  	v56 =	vand.u32 $0xFF0, v26;
	v25 =	vand.u32 $0xFF0, v25;
	v57 =	vshrl.u32 v17, $0x18  }
0x131: {  	v22 =	vor.u32 v1, v22;
	v8 =	vxor.u32 v8, v12;
	vm7 =	veq.s32 v21, v6  }
0x132: {  	v58 =	vshrl.u32 v16, $0xC;
	v59 =	vshrl.u32 v16, $0x18;
	[tilespmem:v14+s8+$0x0] =	vst.idx.add.s32.msk vm3, v3;
	vm3 =	veq.s32 v13, v6  }
0x133: {  	v13 =	vshrl.u32 v17, $0xC;
	v19 =	vxor.u32 v23, v19;
	v12 =	vor.u32 v1, v25  }
0x134: {  	v23 =	vor.u32 v1, v56;
	v60 =	vshrl.u32 v8, $0x18;
	v21 =	vand.u32 $0xFF0, v58  }
0x135: {  	[tilespmem:v24+s8+$0x0] =	vst.idx.add.s32.msk vm5, v3;
	vm5 =	veq.s32 v59, v6;
	v8 =	vshrl.u32 v8, $0xC;
	vm8 =	veq.s32 v57, v6  }
0x136: {  	v13 =	vand.u32 $0xFF0, v13;
	v55 =	vshrl.u32 v19, $0xC;
	v19 =	vshrl.u32 v19, $0x18  }
0x137: {  	v14 =	vor.u32 v1, v21;
	v8 =	vand.u32 $0xFF0, v8;
	v13 =	vor.u32 v1, v13;
	[tilespmem:v22+s8+$0x0] =	vst.idx.add.s32.msk vm2, v3  }
0x138: {  	v18 =	vand.u32 $0xFF0, v55;
	v8 =	vor.u32 v1, v8;
	vm2 =	veq.s32 v60, v6;
	[tilespmem:v12+s8+$0x0] =	vst.idx.add.s32.msk vm4, v3  }
0x139: {  	v61 =	vor.u32 v1, v18;
	[tilespmem:v23+s8+$0x0] =	vst.idx.add.s32.msk vm6, v3;
	vm4 =	veq.s32 v19, v6  }
0x13a: {  	v12 =	vshrl.u32 v15, $0xC;
	v15 =	vshrl.u32 v15, $0x18;
	[tilespmem:v20+s8+$0x0] =	vst.idx.add.s32.msk vm7, v3;
	vm6 =	veq.s32 v11, v6  }
0x13b: {  	v9 =	vor.u32 v1, v9;
	[tilespmem:v10+s8+$0x0] =	vst.idx.add.s32.msk vm3, v3;
	v11 =	vand.u32 $0xFF0, v12;
	vm7 =	veq.s32 v15, v6  }
0x13c: {  	[tilespmem:v14+s8+$0x0] =	vst.idx.add.s32.msk vm5, v3;
	v11 =	vor.u32 v1, v11  }
0x13d: {  	[tilespmem:v13+s8+$0x0] =	vst.idx.add.s32.msk vm8, v3  }
0x13e: {  	[tilespmem:v8+s8+$0x0] =	vst.idx.add.s32.msk vm2, v3  }
0x13f: {  	[tilespmem:v61+s8+$0x0] =	vst.idx.add.s32.msk vm4, v3  }
0x140: {  	[tilespmem:v9+s8+$0x0] =	vst.idx.add.s32.msk vm6, v3  }
0x141: {  	s13 =	simm.s32 $0x10FF0;
	[tilespmem:v11+s8+$0x0] =	vst.idx.add.s32.msk vm7, v3  }
0x142: {  	v8 =	vld [tilespmem:s13+$0x0]  }
0x143: {  	v9 =	vld [tilespmem:s13+$0xFFFFFFF0]  }
0x144: {  	v10 =	vld [tilespmem:s13+$0xFFFFFFE0];
	_ =	sdelay $0x1  }
0x145: {  	v11 =	vimm.s32 $0x0;
	v12 =	vld [tilespmem:s13+$0xFFFFFFD0]  }
0x146: {  	v7 =	vsub.s32 $0xCD, v7;
	v13 =	vadd.s32 v11, v8  }
0x147: {  	v8 =	vld [tilespmem:s13+$0xFFFFFFC0];
	vm2 =	vge.s32 v13, v7;
	v14 =	vadd.s32 v9, v13  }
0x148: {  	vm3 =	vmor vm0, vm2;
	vm4 =	vge.s32 v14, v7;
	v15 =	vadd.s32 v10, v14  }
0x149: {  	s12 =	simm.s32 $0xFF;
	vm2 =	vmand vm2, vm1;
	vm5 =	vmneg vm3;
	vm3 =	vmor vm3, vm4  }
0x14a: {  	v16 =	vld [tilespmem:s13+$0xFFFFFFB0];
	vm6 =	vge.s32 v15, v7;
	v9 =	vadd.s32 v12, v15;
	v12 =	vsel vm2, s12, v11  }
0x14b: {  	v11 =	vsel vm2, v11, v11;
	vm4 =	vmand vm4, vm5;
	vm5 =	vmneg vm3  }
0x14c: {  	v62 =	vld [tilespmem:s13+$0xFFFFFFA0];
	vm3 =	vmor vm3, vm6;
	vm7 =	vge.s32 v9, v7;
	v10 =	vadd.s32 v8, v9  }
0x14d: {  	s31 =	simm.s32 $0xFE;
	v63 =	vld [tilespmem:s13+$0xFFFFFF90];
	vm2 =	vmneg vm3;
	vm3 =	vmor vm3, vm7;
	v11 =	vsel vm4, v13, v11  }
0x14e: {  	vm6 =	vmand vm6, vm5;
	v12 =	vsel vm4, s31, v12;
	vm8 =	vge.s32 v10, v7  }
0x14f: {  	s15 =	simm.s32 $0xFD;
	vm2 =	vmand vm7, vm2;
	vm7 =	vmneg vm3;
	v8 =	vadd.s32 v16, v10  }
0x150: {  	v14 =	vsel vm6, v14, v11;
	v13 =	vsel vm6, s15, v12;
	vm9 =	vmor vm3, vm8  }
0x151: {  	vm3 =	vmand vm8, vm7;
	vm7 =	vge.s32 v8, v7;
	v11 =	vadd.s32 v62, v8  }
0x152: {  	s14 =	simm.s32 $0x0;
	s18 =	simm.s32 $0xFC;
	v14 =	vsel vm2, v15, v14;
	vm5 =	vmneg vm9;
	v12 =	vadd.s32 v63, v11  }
0x153: {  	s16 =	simm.s32 $0x10F70;
	s13 =	simm.s32 $0xFB;
	s15 =	simm.s32 $0xF7;
	vm8 =	vmor vm9, vm7;
	vm6 =	vge.s32 v11, v7;
	vm4 =	vge.s32 v12, v7  }
.LBB2_13:
0x154: {  	v15 =	vld [tilespmem:s16+$0x0];
	s17 =	sadd.s32 $0xFFFFFFFC, s15;
	s14 =	sadd.s32 $0x8, s14;
	v13 =	vsel vm2, s18, v13;
	v9 =	vsel vm3, v9, v14;
	vm2 =	vmand vm7, vm5  }
0x155: {  	s18 =	sadd.s32 $0xFFFFFFFB, s12;
	vm5 =	vmneg vm8;
	vm7 =	vmor vm8, vm6;
	v14 =	vld [tilespmem:s16+$0xFFFFFFF0];
	p0 =	slt.u32 s14, $0xF8;
	v9 =	vsel vm2, v10, v9  }
0x156: {  	s19 =	sadd.s32 $0xFFFFFFFA, s12;
	v13 =	vsel vm3, s13, v13;
	vm3 =	vmand vm6, vm5;
	vm5 =	vmneg vm7;
	s13 =	smov.u32 s17;
	v10 =	vld [tilespmem:s16+$0xFFFFFFE0]  }
0x157: {  	s17 =	sadd.s32 $0xFFFFFFF9, s12;
	s12 =	smov.u32 s15;
	v13 =	vsel vm2, s18, v13;
	v8 =	vsel vm3, v8, v9;
	vm2 =	vmand vm4, vm5  }
0x158: {  	v13 =	vsel vm3, s19, v13;
	v8 =	vsel vm2, v11, v8;
	vm3 =	vmor vm7, vm4;
	v9 =	vld [tilespmem:s16+$0xFFFFFFD0]  }
0x159: {  	v13 =	vsel vm2, s17, v13;
	v11 =	vadd.s32 v12, v15  }
0x15a: {  	vm2 =	vmneg vm3;
	vm4 =	vge.s32 v11, v7;
	v14 =	vadd.s32 v14, v11;
	v15 =	vld [tilespmem:s16+$0xFFFFFFC0]  }
0x15b: {  	vm3 =	vmor vm3, vm4;
	vm5 =	vge.s32 v14, v7;
	v16 =	vadd.s32 v10, v14  }
0x15c: {  	vm6 =	vmneg vm3;
	vm3 =	vmor vm3, vm5;
	vm7 =	vge.s32 v16, v7;
	v17 =	vld [tilespmem:s16+$0xFFFFFFB0]  }
0x15d: {  	vm6 =	vmand vm5, vm6;
	vm5 =	vmneg vm3;
	v9 =	vadd.s32 v9, v16  }
0x15e: {  	vm2 =	vmand vm4, vm2;
	vm3 =	vmor vm3, vm7;
	vm4 =	vge.s32 v9, v7  }
0x15f: {  	v13 =	vsel vm2, s15, v13;
	v12 =	vsel vm2, v12, v8;
	v10 =	vadd.s32 v15, v9;
	v15 =	vld [tilespmem:s16+$0xFFFFFFA0]  }
0x160: {  	vm2 =	vmneg vm3;
	vm3 =	vmor vm3, vm4;
	vm8 =	vge.s32 v10, v7;
	v18 =	vld [tilespmem:s16+$0xFFFFFF90]  }
0x161: {  	vm2 =	vmand vm4, vm2;
	vm4 =	vmneg vm3;
	v8 =	vadd.s32 v17, v10  }
.Ltmp5:
0x162: {  	v11 =	vsel vm6, v11, v12;
	vm9 =	vmand vm7, vm5;
	vm10 =	vmor vm3, vm8;
	(pc) =	sbr.rel @p0 .LBB2_13-.Ltmp5, $4  }
0x163: {  	s17 =	sadd.s32 $0xFFFFFFFF, s15;
	v12 =	vsel vm9, v14, v11;
	vm3 =	vmand vm8, vm4;
	vm5 =	vmneg vm10  }
0x164: {  	v13 =	vsel vm6, s17, v13;
	s17 =	sadd.s32 $0xFFFFFFFE, s15;
	vm7 =	vge.s32 v8, v7;
	v11 =	vadd.s32 v15, v8  }
0x165: {  	v13 =	vsel vm9, s17, v13;
	s17 =	simm.s32 $0x10040;
	v14 =	vsel vm2, v16, v12;
	v12 =	vadd.s32 v18, v11  }
0x166: {  	s18 =	sadd.s32 $0xFFFFFFFD, s12;
	s15 =	sadd.s32 $0xFFFFFFF8, s15;
	s16 =	sadd.s32 $0xFFFFFF80, s16;
	vm8 =	vmor vm10, vm7;
	vm6 =	vge.s32 v11, v7;
	vm4 =	vge.s32 v12, v7  }
0x167: {  	[tilespmem:s17+$0xFFFFFFC0] =	vst v0  }
0x168: {  	v9 =	vsel vm3, v9, v14;
	[tilespmem:s17+$0x30] =	vst v0  }
0x169: {  	vm5 =	vmand vm7, vm5;
	v12 =	vsel vm2, s18, v13;
	[tilespmem:s17+$0x20] =	vst v0;
	vm2 =	vmneg vm8  }
0x16a: {  	s14 =	sadd.s32 $0xFFFFFFFB, s12;
	vm15 =	vmor vm8, vm6;
	[tilespmem:s17+$0x10] =	vst v0;
	v9 =	vsel vm5, v10, v9;
	v10 =	vsel vm3, s13, v12  }
0x16b: {  	s30 =	sadd.s32 $0xFFFFFFFA, s12;
	[tilespmem:s17+$0x0] =	vst v0;
	vm2 =	vmand vm6, vm2;
	vm3 =	vmneg vm15;
	v10 =	vsel vm5, s14, v10  }
0x16c: {  	s31 =	sadd.s32 $0xFFFFFFF9, s12;
	[tilespmem:s17+$0xFFFFFFF0] =	vst v0;
	v8 =	vsel vm2, v8, v9;
	vm3 =	vmand vm4, vm3;
	v9 =	vsel vm2, s30, v10  }
0x16d: {  	s12 =	simm.s32 $0x0;
	[tilespmem:s17+$0xFFFFFFE0] =	vst v0;
	v8 =	vsel vm3, v11, v8;
	v9 =	vsel vm3, s31, v9  }
.LBB2_15:
0x16e: {  	s12 =	sadd.s32 $0x80, s12;
	[tilespmem:s17+$0xFFFFFFD0] =	vst v0;
	s17 =	sadd.s32 $0x80, s17  }
0x16f: {  	[tilespmem:s17+$0xFFFFFFC0] =	vst v0;
	p0 =	slt.u32 s12, $0xF80  }
0x170: {  	[tilespmem:s17+$0x30] =	vst v0  }
.Ltmp6:
0x171: {  	[tilespmem:s17+$0x20] =	vst v0;
	(pc) =	sbr.rel @p0 .LBB2_15-.Ltmp6, $4  }
0x172: {  	[tilespmem:s17+$0x10] =	vst v0  }
0x173: {  	[tilespmem:s17+$0x0] =	vst v0  }
0x174: {  	[tilespmem:s17+$0xFFFFFFF0] =	vst v0  }
0x175: {  	[tilespmem:s17+$0xFFFFFFE0] =	vst v0  }
0x176: {  	s12 =	simm.s32 $0x4;
	s13 =	simm.s32 $0x5  }
0x177: {  	v6 =	vshll.u32 v6, $0x8;
	s19 =	simm.s32 $0x1;
	s21 =	simm.s32 $0x7;
	v10 =	vadd.s32 s12, v1;
	v11 =	vadd.s32 s13, v1  }
0x178: {  	s14 =	simm.s32 $0x8;
	s22 =	simm.s32 $0xB;
	v6 =	vor.u32 v6, v9;
	v12 =	vadd.s32 s19, v1;
	v13 =	vadd.s32 s21, v1  }
0x179: {  	s23 =	simm.s32 $0xC;
	s24 =	simm.s32 $0xD;
	v14 =	vadd.s32 s14, v1;
	v15 =	vadd.s32 s22, v1;
	v10 =	vand.u32 $0xFFF, v10  }
0x17a: {  	s25 =	simm.s32 $0xE;
	s15 =	simm.s32 $0x0;
	v16 =	vadd.s32 s23, v1;
	v17 =	vadd.s32 s24, v1;
	v10 =	vor.u32 v4, v10  }
0x17b: {  	s26 =	simm.s32 $0x6;
	s28 =	simm.s32 $0x9;
	v18 =	vadd.s32 s25, v1;
	v19 =	vor.u32 s15, v2;
	v11 =	vand.u32 $0xFFF, v11  }
0x17c: {  	s29 =	simm.s32 $0xF;
	s30 =	simm.s32 $0x3;
	s31 =	simm.s32 $0xA;
	v20 =	vadd.s32 s26, v1;
	v21 =	vadd.s32 s28, v1;
	v9 =	vor.u32 v4, v11  }
0x17d: {  	v22 =	vadd.s32 s29, v1;
	v23 =	vadd.s32 s30, v1;
	v26 =	vadd.s32 s31, v1  }
0x17e: {  	[tilespmem:s17+$0xFFFFFFD0] =	vst v0;
	v14 =	vand.u32 $0xFF8, v14;
	v13 =	vand.u32 $0xFFF, v13;
	v17 =	vand.u32 $0xFFF, v17  }
0x17f: {  	v18 =	vand.u32 $0xFFF, v18;
	v15 =	vand.u32 $0xFFF, v15;
	v20 =	vand.u32 $0xFFF, v20;
	v10 =	vld.idx.msk [tilespmem:v10+s1+$0x0], $0xffff  }
0x180: {  	v21 =	vand.u32 $0xFFF, v21;
	v22 =	vand.u32 $0xFFF, v22;
	v16 =	vand.u32 $0xFFF, v16  }
0x181: {  	s20 =	simm.s32 $0x2;
	v23 =	vand.u32 $0xFFF, v23;
	v12 =	vand.u32 $0xFFF, v12;
	v18 =	vor.u32 v4, v18;
	v9 =	vld.idx.msk [tilespmem:v9+s1+$0x0], $0xffff  }
0x182: {  	v11 =	vadd.s32 s20, v1;
	v17 =	vor.u32 v4, v17;
	v21 =	vor.u32 v4, v21;
	v19 =	vld.idx.msk [tilespmem:v19+s1+$0x0], $0xffff  }
0x183: {  	v15 =	vor.u32 v4, v15;
	v22 =	vor.u32 v4, v22;
	v14 =	vor.u32 v5, v14  }
0x184: {  	v16 =	vor.u32 v4, v16;
	v23 =	vor.u32 v4, v23;
	v24 =	vshra.s32 v10, $0x1F  }
0x185: {  	v12 =	vor.u32 v4, v12;
	v11 =	vand.u32 $0xFFF, v11;
	v24 =	vor.u32 $0x80000000, v24  }
0x186: {  	v11 =	vor.u32 v4, v11;
	v18 =	vld.idx.msk [tilespmem:v18+s1+$0x0], $0xffff;
	v25 =	vshra.s32 v9, $0x1F;
	v10 =	vxor.u32 v10, v24  }
0x187: {  	v17 =	vld.idx.msk [tilespmem:v17+s1+$0x0], $0xffff;
	v28 =	vshra.s32 v19, $0x1F;
	v24 =	vor.u32 $0x80000000, v25;
	v25 =	vshrl.u32 v10, $0x4  }
0x188: {  	v15 =	vld.idx.msk [tilespmem:v15+s1+$0x0], $0xffff;
	v9 =	vxor.u32 v9, v24;
	v10 =	vshrl.u32 v10, $0x10;
	v24 =	vand.u32 $0xFFF, v26  }
0x189: {  	v22 =	vld.idx.msk [tilespmem:v22+s1+$0x0], $0xffff;
	v26 =	vshrl.u32 v9, $0x4;
	v9 =	vshrl.u32 v9, $0x10;
	v25 =	vand.u32 $0xFF0, v25  }
0x18a: {  	vm6 =	veq.s32 v10, v6;
	v26 =	vand.u32 $0xFF0, v26;
	vm4 =	veq.s32 v9, v6  }
0x18b: {  	v9 =	vshra.s32 v18, $0x1F;
	v31 =	vor.u32 v1, v25;
	v25 =	vor.u32 v4, v24  }
0x18c: {  	v14 =	vld.idx.msk [tilespmem:v14+s1+$0x0], $0xffff;
	v30 =	vor.u32 v1, v26;
	v26 =	vshra.s32 v17, $0x1F;
	v9 =	vor.u32 $0x80000000, v9  }
0x18d: {  	v18 =	vxor.u32 v18, v9;
	v9 =	vld.idx.msk [tilespmem:v11+s1+$0x0], $0xffff;
	v11 =	vor.u32 v4, v13;
	v13 =	vor.u32 v4, v20  }
0x18e: {  	v29 =	vld.idx.msk [tilespmem:v16+s1+$0x0], $0xffff;
	v24 =	vshra.s32 v22, $0x1F;
	v20 =	vshra.s32 v15, $0x1F;
	v10 =	vor.u32 $0x80000000, v26  }
0x18f: {  	v16 =	vld.idx.msk [tilespmem:v23+s1+$0x0], $0xffff;
	v27 =	vshrl.u32 v18, $0x4;
	v20 =	vor.u32 $0x80000000, v20;
	v17 =	vxor.u32 v17, v10  }
0x190: {  	v21 =	vld.idx.msk [tilespmem:v21+s1+$0x0], $0xffff;
	v18 =	vshrl.u32 v18, $0x10;
	v15 =	vxor.u32 v15, v20;
	v20 =	vor.u32 $0x80000000, v28  }
0x191: {  	vm5 =	veq.s32 v18, v6;
	v23 =	vshrl.u32 v15, $0x4;
	v37 =	vld.idx.msk [tilespmem:v25+s1+$0x0], $0xffff;
	v25 =	vand.u32 $0xFF0, v27  }
0x192: {  	v27 =	vshrl.u32 v17, $0x4;
	v25 =	vor.u32 v1, v25;
	v26 =	vld.idx.msk [tilespmem:v13+s1+$0x0], $0xffff;
	v13 =	vshra.s32 v9, $0x1F  }
0x193: {  	v32 =	vld.idx.msk [tilespmem:v11+s1+$0x0], $0xffff;
	v11 =	vshrl.u32 v15, $0x10;
	v15 =	vshra.s32 v14, $0x1F;
	v13 =	vor.u32 $0x80000000, v13  }
0x194: {  	v10 =	vor.u32 $0x80000000, v15;
	v15 =	vand.u32 $0xFF0, v23;
	v23 =	vor.u32 $0x80000000, v24  }
0x195: {  	vm3 =	veq.s32 v11, v6;
	v33 =	vxor.u32 v14, v10;
	v15 =	vor.u32 v1, v15  }
0x196: {  	v10 =	vshra.s32 v29, $0x1F;
	v14 =	vxor.u32 v19, v20;
	v19 =	vshra.s32 v16, $0x1F  }
0x197: {  	v22 =	vxor.u32 v22, v23;
	v23 =	vshra.s32 v21, $0x1F;
	v10 =	vor.u32 $0x80000000, v10  }
0x198: {  	v34 =	vshrl.u32 v33, $0x4;
	v24 =	vshrl.u32 v22, $0x10;
	v22 =	vshrl.u32 v22, $0x4  }
0x199: {  	v23 =	vor.u32 $0x80000000, v23;
	v18 =	vshra.s32 v37, $0x1F;
	v19 =	vor.u32 $0x80000000, v19  }
0x19a: {  	v28 =	vxor.u32 v29, v10;
	vm7 =	veq.s32 v24, v6;
	v22 =	vand.u32 $0xFF0, v22  }
0x19b: {  	v38 =	vxor.u32 v21, v23;
	v18 =	vor.u32 $0x80000000, v18;
	v21 =	vand.u32 $0xFF0, v34  }
0x19c: {  	v20 =	vshra.s32 v32, $0x1F;
	v10 =	vshra.s32 v26, $0x1F;
	v29 =	vshrl.u32 v28, $0x4  }
0x19d: {  	[tilespmem:v30+s8+$0x0] =	vst.idx.add.s32.msk vm4, v3;
	v36 =	vor.u32 v1, v22;
	v22 =	vshrl.u32 v14, $0x4;
	v30 =	vshrl.u32 v38, $0x10  }
0x19e: {  	v24 =	vld.idx.msk [tilespmem:v12+s1+$0x0], $0xffff;
	v18 =	vxor.u32 v37, v18;
	v10 =	vor.u32 $0x80000000, v10;
	v12 =	vand.u32 $0xFF0, v29  }
0x19f: {  	v20 =	vor.u32 $0x80000000, v20;
	v23 =	vand.u32 $0xFF0, v22;
	v22 =	vshrl.u32 v33, $0x10  }
0x1a0: {  	v35 =	vxor.u32 v26, v10;
	v10 =	vshrl.u32 v14, $0x10;
	v14 =	vshrl.u32 v28, $0x10  }
0x1a1: {  	v26 =	vshrl.u32 v38, $0x4;
	v11 =	vor.u32 v1, v12;
	v28 =	vshrl.u32 v17, $0x10  }
0x1a2: {  	[tilespmem:v31+s8+$0x0] =	vst.idx.add.s32.msk vm6, v3;
	v17 =	vxor.u32 v32, v20;
	vm2 =	veq.s32 v10, v6;
	v10 =	vshrl.u32 v35, $0x4  }
0x1a3: {  	s12 =	simm.s32 $0x10;
	v12 =	vshrl.u32 v35, $0x10;
	v10 =	vand.u32 $0xFF0, v10;
	v29 =	vshra.s32 v24, $0x1F;
	[tilespmem:v36+s8+$0x0] =	vst.idx.add.s32.msk vm7, v3  }
.LBB2_17:
0x1a4: {  	s14 =	sadd.s32 $0x1, s12;
	s15 =	sadd.s32 $0x2, s12;
	s13 =	sadd.s32 $0x3, s12;
	v20 =	vxor.u32 v16, v19;
	v19 =	vor.u32 v1, v21;
	vm4 =	veq.s32 v30, v6  }
0x1a5: {  	s16 =	sadd.s32 $0x5, s12;
	v29 =	vor.u32 $0x80000000, v29;
	v21 =	vadd.s32 s14, v1;
	v16 =	vadd.s32 s15, v1;
	s15 =	sadd.s32 $0x4, s12;
	s14 =	sadd.s32 $0xA, s12  }
0x1a6: {  	s17 =	sadd.s32 $0x8, s12;
	v31 =	vadd.s32 s16, v1;
	s16 =	sadd.s32 $0x7, s12;
	v29 =	vxor.u32 v24, v29;
	v30 =	vadd.s32 s15, v1;
	s15 =	sadd.s32 $0x6, s12  }
0x1a7: {  	p0 =	slt.u32 s12, $0xFF0;
	v24 =	vadd.s32 s17, v1;
	v32 =	vadd.s32 s16, v1;
	v33 =	vshrl.u32 v29, $0x4;
	s16 =	smov.u32 s12;
	s12 =	sadd.s32 $0x10, s12;
	[tilespmem:v25+s8+$0x0] =	vst.idx.add.s32.msk vm5, v3  }
0x1a8: {  	v25 =	vand.u32 $0xFFF, v30;
	v30 =	vand.u32 $0xFF8, v24;
	s17 =	sadd.s32 $0xB, s16;
	v24 =	vand.u32 $0xFF0, v33  }
0x1a9: {  	v31 =	vand.u32 $0xFFF, v31;
	v33 =	vor.u32 v4, v25;
	v25 =	vshrl.u32 v29, $0x10  }
0x1aa: {  	v34 =	vshrl.u32 v20, $0x4;
	v29 =	vor.u32 v4, v31;
	v31 =	vadd.s32 s17, v1;
	s17 =	sadd.s32 $0xC, s16  }
0x1ab: {  	v34 =	vand.u32 $0xFF0, v34;
	v32 =	vand.u32 $0xFFF, v32;
	s18 =	sadd.s32 $0xE, s16;
	v35 =	vadd.s32 s17, v1;
	s17 =	sadd.s32 $0xD, s16  }
0x1ac: {  	vm5 =	veq.s32 v28, v6;
	v37 =	vadd.s32 s18, v1;
	v36 =	vadd.s32 s17, v1  }
0x1ad: {  	v27 =	vand.u32 $0xFF0, v27;
	v28 =	vand.u32 $0xFFF, v36;
	v36 =	vand.u32 $0xFFF, v37  }
0x1ae: {  	v37 =	vor.u32 s16, v2;
	v28 =	vor.u32 v4, v28;
	v36 =	vor.u32 v4, v36;
	v33 =	vld.idx.msk [tilespmem:v33+s1+$0x0], $0xffff  }
0x1af: {  	v26 =	vand.u32 $0xFF0, v26;
	v38 =	vadd.s32 s15, v1;
	s15 =	sadd.s32 $0x9, s16;
	v31 =	vand.u32 $0xFFF, v31;
	s16 =	sadd.s32 $0xF, s16;
	v29 =	vld.idx.msk [tilespmem:v29+s1+$0x0], $0xffff  }
0x1b0: {  	v41 =	vshrl.u32 v18, $0x10;
	v39 =	vadd.s32 s15, v1;
	v40 =	vadd.s32 s16, v1  }
0x1b1: {  	v38 =	vand.u32 $0xFFF, v38;
	v39 =	vand.u32 $0xFFF, v39;
	v40 =	vand.u32 $0xFFF, v40  }
0x1b2: {  	v39 =	vor.u32 v4, v39;
	v31 =	vor.u32 v4, v31;
	v40 =	vor.u32 v4, v40  }
0x1b3: {  	v23 =	vor.u32 v1, v23;
	v42 =	vadd.s32 s13, v1;
	v16 =	vand.u32 $0xFFF, v16;
	v36 =	vld.idx.msk [tilespmem:v36+s1+$0x0], $0xffff  }
0x1b4: {  	v44 =	vadd.s32 s14, v1;
	v16 =	vor.u32 v4, v16;
	v43 =	vshra.s32 v33, $0x1F;
	[tilespmem:v15+s8+$0x0] =	vst.idx.add.s32.msk vm3, v3  }
0x1b5: {  	v13 =	vxor.u32 v9, v13;
	v15 =	vor.u32 $0x80000000, v43;
	v43 =	vshra.s32 v29, $0x1F;
	v28 =	vld.idx.msk [tilespmem:v28+s1+$0x0], $0xffff  }
0x1b6: {  	v9 =	vxor.u32 v33, v15;
	v15 =	vor.u32 $0x80000000, v43;
	v33 =	vand.u32 $0xFFF, v35  }
0x1b7: {  	v44 =	vand.u32 $0xFFF, v44;
	v35 =	vshrl.u32 v9, $0x4;
	v43 =	vshrl.u32 v9, $0x10;
	v40 =	vld.idx.msk [tilespmem:v40+s1+$0x0], $0xffff  }
0x1b8: {  	v9 =	vand.u32 $0xFFF, v42;
	v15 =	vxor.u32 v29, v15;
	v29 =	vor.u32 v5, v30  }
0x1b9: {  	v26 =	vor.u32 v1, v26;
	v30 =	vshrl.u32 v15, $0x4;
	v15 =	vshrl.u32 v15, $0x10  }
0x1ba: {  	v30 =	vand.u32 $0xFF0, v30;
	vm6 =	veq.s32 v15, v6;
	v15 =	vshrl.u32 v13, $0x10;
	[tilespmem:v23+s8+$0x0] =	vst.idx.add.s32.msk vm2, v3  }
0x1bb: {  	vm3 =	veq.s32 v22, v6;
	v30 =	vor.u32 v1, v30;
	v23 =	vld.idx.msk [tilespmem:v37+s1+$0x0], $0xffff;
	v37 =	vshra.s32 v36, $0x1F  }
0x1bc: {  	v22 =	vand.u32 $0xFF0, v35;
	v35 =	vshra.s32 v28, $0x1F;
	vm2 =	veq.s32 v41, v6  }
0x1bd: {  	v22 =	vor.u32 v1, v22;
	v41 =	vshrl.u32 v17, $0x4;
	v37 =	vor.u32 $0x80000000, v37;
	v31 =	vld.idx.msk [tilespmem:v31+s1+$0x0], $0xffff  }
0x1be: {  	v27 =	vor.u32 v1, v27;
	v42 =	vor.u32 v4, v9;
	v36 =	vxor.u32 v36, v37  }
0x1bf: {  	v13 =	vshrl.u32 v13, $0x4;
	v37 =	vor.u32 v4, v44;
	v44 =	vshrl.u32 v36, $0x4;
	v9 =	vld.idx.msk [tilespmem:v16+s1+$0x0], $0xffff  }
0x1c0: {  	v33 =	vor.u32 v4, v33;
	v45 =	vshra.s32 v40, $0x1F;
	v16 =	vshrl.u32 v18, $0x4;
	v29 =	vld.idx.msk [tilespmem:v29+s1+$0x0], $0xffff  }
0x1c1: {  	v13 =	vand.u32 $0xFF0, v13;
	v18 =	vor.u32 v4, v32;
	v32 =	vld.idx.msk [tilespmem:v39+s1+$0x0], $0xffff;
	v39 =	vand.u32 $0xFF0, v16  }
0x1c2: {  	v38 =	vor.u32 v4, v38;
	vm7 =	veq.s32 v15, v6;
	v46 =	vshra.s32 v23, $0x1F;
	[tilespmem:v26+s8+$0x0] =	vst.idx.add.s32.msk vm4, v3  }
0x1c3: {  	v15 =	vor.u32 v1, v13;
	v17 =	vshrl.u32 v17, $0x10;
	v13 =	vand.u32 $0xFF0, v41;
	v16 =	vld.idx.msk [tilespmem:v42+s1+$0x0], $0xffff  }
0x1c4: {  	vm8 =	veq.s32 v17, v6;
	v13 =	vor.u32 v1, v13;
	v26 =	vor.u32 $0x80000000, v46;
	[tilespmem:v27+s8+$0x0] =	vst.idx.add.s32.msk vm5, v3  }
0x1c5: {  	v17 =	vand.u32 $0xFFF, v21;
	v21 =	vor.u32 v1, v34;
	[tilespmem:v30+s8+$0x0] =	vst.idx.add.s32.msk vm6, v3;
	vm6 =	veq.s32 v14, v6  }
0x1c6: {  	v20 =	vshrl.u32 v20, $0x10;
	v14 =	vor.u32 v4, v17;
	v17 =	vshra.s32 v31, $0x1F;
	v27 =	vld.idx.msk [tilespmem:v33+s1+$0x0], $0xffff  }
0x1c7: {  	v24 =	vor.u32 v1, v24;
	vm5 =	veq.s32 v25, v6;
	v17 =	vor.u32 $0x80000000, v17;
	[tilespmem:v19+s8+$0x0] =	vst.idx.add.s32.msk vm3, v3  }
0x1c8: {  	vm4 =	veq.s32 v20, v6;
	v17 =	vxor.u32 v31, v17;
	v19 =	vor.u32 v1, v39;
	v18 =	vld.idx.msk [tilespmem:v18+s1+$0x0], $0xffff  }
0x1c9: {  	vm9 =	veq.s32 v12, v6;
	v25 =	vshrl.u32 v17, $0x4;
	v17 =	vshrl.u32 v17, $0x10;
	v20 =	vld.idx.msk [tilespmem:v38+s1+$0x0], $0xffff  }
0x1ca: {  	v10 =	vor.u32 v1, v10;
	v12 =	vor.u32 $0x80000000, v35;
	vm3 =	veq.s32 v43, v6;
	[tilespmem:v13+s8+$0x0] =	vst.idx.add.s32.msk vm8, v3  }
0x1cb: {  	v28 =	vxor.u32 v28, v12;
	v30 =	vshra.s32 v29, $0x1F;
	v13 =	vshra.s32 v9, $0x1F;
	[tilespmem:v11+s8+$0x0] =	vst.idx.add.s32.msk vm6, v3  }
0x1cc: {  	v12 =	vand.u32 $0xFF0, v25;
	v13 =	vor.u32 $0x80000000, v13;
	v11 =	vor.u32 $0x80000000, v30;
	[tilespmem:v15+s8+$0x0] =	vst.idx.add.s32.msk vm7, v3  }
0x1cd: {  	v30 =	vxor.u32 v29, v11;
	v15 =	vor.u32 v1, v12;
	v11 =	vshra.s32 v27, $0x1F;
	[tilespmem:v19+s8+$0x0] =	vst.idx.add.s32.msk vm2, v3  }
0x1ce: {  	v12 =	vxor.u32 v23, v26;
	v19 =	vshra.s32 v16, $0x1F;
	v11 =	vor.u32 $0x80000000, v11;
	[tilespmem:v24+s8+$0x0] =	vst.idx.add.s32.msk vm5, v3  }
0x1cf: {  	v23 =	vshra.s32 v18, $0x1F;
	v31 =	vshrl.u32 v30, $0x4;
	v11 =	vxor.u32 v27, v11;
	[tilespmem:v10+s8+$0x0] =	vst.idx.add.s32.msk vm9, v3  }
0x1d0: {  	v25 =	vor.u32 $0x80000000, v45;
	v24 =	vshra.s32 v32, $0x1F;
	v10 =	vshra.s32 v20, $0x1F;
	[tilespmem:v21+s8+$0x0] =	vst.idx.add.s32.msk vm4, v3  }
0x1d1: {  	v25 =	vxor.u32 v40, v25;
	v10 =	vor.u32 $0x80000000, v10;
	v21 =	vor.u32 $0x80000000, v24  }
0x1d2: {  	v26 =	vshrl.u32 v25, $0x4;
	v25 =	vshrl.u32 v25, $0x10;
	v24 =	vld.idx.msk [tilespmem:v14+s1+$0x0], $0xffff;
	v14 =	vshrl.u32 v11, $0x4  }
0x1d3: {  	vm4 =	veq.s32 v25, v6;
	[tilespmem:v22+s8+$0x0] =	vst.idx.add.s32.msk vm3, v3;
	v22 =	vand.u32 $0xFF0, v14;
	v14 =	vand.u32 $0xFF0, v26  }
0x1d4: {  	v25 =	vshrl.u32 v36, $0x10;
	v20 =	vxor.u32 v20, v10;
	v33 =	vld.idx.msk [tilespmem:v37+s1+$0x0], $0xffff;
	v34 =	vor.u32 v1, v14  }
0x1d5: {  	v10 =	vshrl.u32 v20, $0x4;
	v26 =	vshrl.u32 v12, $0x4;
	v12 =	vshrl.u32 v12, $0x10  }
0x1d6: {  	v35 =	vor.u32 $0x80000000, v23;
	v36 =	vand.u32 $0xFF0, v44;
	v10 =	vand.u32 $0xFF0, v10  }
0x1d7: {  	v32 =	vxor.u32 v32, v21;
	vm2 =	veq.s32 v12, v6;
	v14 =	vshrl.u32 v11, $0x10  }
0x1d8: {  	vm3 =	veq.s32 v17, v6;
	v23 =	vand.u32 $0xFF0, v26;
	v29 =	vshra.s32 v24, $0x1F  }
.Ltmp7:
0x1d9: {  	v27 =	vshrl.u32 v28, $0x4;
	v26 =	vshrl.u32 v32, $0x4;
	v11 =	vor.u32 v1, v22;
	(pc) =	sbr.rel @p0 .LBB2_17-.Ltmp7, $4  }
0x1da: {  	v28 =	vshrl.u32 v28, $0x10;
	vm5 =	veq.s32 v25, v6;
	v12 =	vshrl.u32 v20, $0x10;
	[tilespmem:v34+s8+$0x0] =	vst.idx.add.s32.msk vm4, v3  }
0x1db: {  	v25 =	vor.u32 v1, v36;
	v17 =	vxor.u32 v18, v35;
	v18 =	vshra.s32 v33, $0x1F  }
0x1dc: {  	v19 =	vor.u32 $0x80000000, v19;
	v22 =	vshrl.u32 v30, $0x10;
	v18 =	vor.u32 $0x80000000, v18  }
0x1dd: {  	v21 =	vand.u32 $0xFF0, v31;
	v30 =	vshrl.u32 v32, $0x10;
	v18 =	vxor.u32 v33, v18  }
0x1de: {  	_ = 	snop  }
0x1df: {  	v20 =	vor.u32 $0x80000000, v29;
	v16 =	vxor.u32 v16, v19  }
0x1e0: {  	v21 =	vor.u32 v1, v21;
	vm4 =	veq.s32 v30, v6;
	vm6 =	veq.s32 v28, v6  }
0x1e1: {  	v56 =	vand.u32 $0xFF0, v27;
	v26 =	vand.u32 $0xFF0, v26;
	v57 =	vshrl.u32 v18, $0x10  }
0x1e2: {  	v23 =	vor.u32 v1, v23;
	v9 =	vxor.u32 v9, v13;
	vm7 =	veq.s32 v22, v6  }
0x1e3: {  	v58 =	vshrl.u32 v17, $0x4;
	v59 =	vshrl.u32 v17, $0x10;
	[tilespmem:v15+s8+$0x0] =	vst.idx.add.s32.msk vm3, v3;
	vm3 =	veq.s32 v14, v6  }
0x1e4: {  	v14 =	vshrl.u32 v18, $0x4;
	v20 =	vxor.u32 v24, v20;
	v13 =	vor.u32 v1, v26  }
0x1e5: {  	v24 =	vor.u32 v1, v56;
	v60 =	vshrl.u32 v9, $0x10;
	v22 =	vand.u32 $0xFF0, v58  }
0x1e6: {  	[tilespmem:v25+s8+$0x0] =	vst.idx.add.s32.msk vm5, v3;
	vm5 =	veq.s32 v59, v6;
	v9 =	vshrl.u32 v9, $0x4;
	vm8 =	veq.s32 v57, v6  }
0x1e7: {  	v14 =	vand.u32 $0xFF0, v14;
	v55 =	vshrl.u32 v20, $0x4;
	v20 =	vshrl.u32 v20, $0x10  }
0x1e8: {  	v15 =	vor.u32 v1, v22;
	v9 =	vand.u32 $0xFF0, v9;
	v14 =	vor.u32 v1, v14;
	[tilespmem:v23+s8+$0x0] =	vst.idx.add.s32.msk vm2, v3  }
0x1e9: {  	v19 =	vand.u32 $0xFF0, v55;
	v9 =	vor.u32 v1, v9;
	vm2 =	veq.s32 v60, v6;
	[tilespmem:v13+s8+$0x0] =	vst.idx.add.s32.msk vm4, v3  }
0x1ea: {  	v61 =	vor.u32 v1, v19;
	[tilespmem:v24+s8+$0x0] =	vst.idx.add.s32.msk vm6, v3;
	vm4 =	veq.s32 v20, v6  }
0x1eb: {  	v13 =	vshrl.u32 v16, $0x4;
	v16 =	vshrl.u32 v16, $0x10;
	[tilespmem:v21+s8+$0x0] =	vst.idx.add.s32.msk vm7, v3;
	vm6 =	veq.s32 v12, v6  }
0x1ec: {  	v10 =	vor.u32 v1, v10;
	[tilespmem:v11+s8+$0x0] =	vst.idx.add.s32.msk vm3, v3;
	v12 =	vand.u32 $0xFF0, v13;
	vm7 =	veq.s32 v16, v6  }
0x1ed: {  	[tilespmem:v15+s8+$0x0] =	vst.idx.add.s32.msk vm5, v3;
	v12 =	vor.u32 v1, v12  }
0x1ee: {  	[tilespmem:v14+s8+$0x0] =	vst.idx.add.s32.msk vm8, v3  }
0x1ef: {  	[tilespmem:v9+s8+$0x0] =	vst.idx.add.s32.msk vm2, v3  }
0x1f0: {  	[tilespmem:v61+s8+$0x0] =	vst.idx.add.s32.msk vm4, v3  }
0x1f1: {  	[tilespmem:v10+s8+$0x0] =	vst.idx.add.s32.msk vm6, v3  }
0x1f2: {  	s13 =	simm.s32 $0x10FF0;
	[tilespmem:v12+s8+$0x0] =	vst.idx.add.s32.msk vm7, v3  }
0x1f3: {  	v9 =	vld [tilespmem:s13+$0x0]  }
0x1f4: {  	v10 =	vld [tilespmem:s13+$0xFFFFFFF0]  }
0x1f5: {  	v11 =	vld [tilespmem:s13+$0xFFFFFFE0];
	_ =	sdelay $0x1  }
0x1f6: {  	v12 =	vimm.s32 $0x0;
	v13 =	vld [tilespmem:s13+$0xFFFFFFD0]  }
0x1f7: {  	v7 =	vsub.s32 v7, v8;
	v14 =	vadd.s32 v12, v9  }
0x1f8: {  	v8 =	vld [tilespmem:s13+$0xFFFFFFC0];
	vm2 =	vge.s32 v14, v7;
	v15 =	vadd.s32 v10, v14  }
0x1f9: {  	vm3 =	vmor vm0, vm2;
	vm4 =	vge.s32 v15, v7;
	v62 =	vadd.s32 v11, v15  }
0x1fa: {  	s12 =	simm.s32 $0xFF;
	vm2 =	vmand vm2, vm1;
	vm5 =	vmneg vm3;
	vm3 =	vmor vm3, vm4  }
0x1fb: {  	vm6 =	vge.s32 v62, v7;
	v9 =	vadd.s32 v13, v62;
	v13 =	vsel vm2, s12, v12  }
0x1fc: {  	v11 =	vld [tilespmem:s13+$0xFFFFFFB0];
	v12 =	vsel vm2, v12, v12;
	vm4 =	vmand vm4, vm5;
	vm5 =	vmneg vm3  }
0x1fd: {  	v17 =	vld [tilespmem:s13+$0xFFFFFFA0];
	vm3 =	vmor vm3, vm6;
	vm7 =	vge.s32 v9, v7;
	v10 =	vadd.s32 v8, v9  }
0x1fe: {  	s31 =	simm.s32 $0xFE;
	v63 =	vld [tilespmem:s13+$0xFFFFFF90];
	vm2 =	vmneg vm3;
	vm3 =	vmor vm3, vm7;
	vm8 =	vge.s32 v10, v7  }
0x1ff: {  	s15 =	simm.s32 $0xFD;
	vm6 =	vmand vm6, vm5;
	v13 =	vsel vm4, s31, v13;
	vm2 =	vmand vm7, vm2  }
0x200: {  	vm7 =	vmneg vm3;
	vm9 =	vmor vm3, vm8;
	v13 =	vsel vm6, s15, v13  }
0x201: {  	v8 =	vadd.s32 v11, v10;
	v11 =	vsel vm4, v14, v12;
	vm3 =	vmand vm8, vm7  }
0x202: {  	vm5 =	vmneg vm9;
	v12 =	vsel vm6, v15, v11;
	v11 =	vadd.s32 v17, v8  }
0x203: {  	s14 =	simm.s32 $0x0;
	s18 =	simm.s32 $0xFC;
	vm7 =	vge.s32 v8, v7;
	v14 =	vsel vm2, v62, v12;
	v12 =	vadd.s32 v63, v11  }
0x204: {  	s16 =	simm.s32 $0x10F70;
	s13 =	simm.s32 $0xFB;
	s15 =	simm.s32 $0xF7;
	vm8 =	vmor vm9, vm7;
	vm6 =	vge.s32 v11, v7;
	vm4 =	vge.s32 v12, v7  }
.LBB2_19:
0x205: {  	v15 =	vld [tilespmem:s16+$0x0];
	s17 =	sadd.s32 $0xFFFFFFFC, s15;
	s14 =	sadd.s32 $0x8, s14;
	v13 =	vsel vm2, s18, v13;
	v9 =	vsel vm3, v9, v14;
	vm2 =	vmand vm7, vm5  }
0x206: {  	s18 =	sadd.s32 $0xFFFFFFFB, s12;
	vm5 =	vmneg vm8;
	vm7 =	vmor vm8, vm6;
	v14 =	vld [tilespmem:s16+$0xFFFFFFF0];
	p0 =	slt.u32 s14, $0xF8;
	v9 =	vsel vm2, v10, v9  }
0x207: {  	s19 =	sadd.s32 $0xFFFFFFFA, s12;
	v13 =	vsel vm3, s13, v13;
	vm3 =	vmand vm6, vm5;
	vm5 =	vmneg vm7;
	s13 =	smov.u32 s17;
	v10 =	vld [tilespmem:s16+$0xFFFFFFE0]  }
0x208: {  	s17 =	sadd.s32 $0xFFFFFFF9, s12;
	s12 =	smov.u32 s15;
	v13 =	vsel vm2, s18, v13;
	v8 =	vsel vm3, v8, v9;
	vm2 =	vmand vm4, vm5  }
0x209: {  	v13 =	vsel vm3, s19, v13;
	v8 =	vsel vm2, v11, v8;
	vm3 =	vmor vm7, vm4;
	v9 =	vld [tilespmem:s16+$0xFFFFFFD0]  }
0x20a: {  	v13 =	vsel vm2, s17, v13;
	v11 =	vadd.s32 v12, v15  }
0x20b: {  	vm2 =	vmneg vm3;
	vm4 =	vge.s32 v11, v7;
	v14 =	vadd.s32 v14, v11;
	v15 =	vld [tilespmem:s16+$0xFFFFFFC0]  }
0x20c: {  	vm3 =	vmor vm3, vm4;
	vm5 =	vge.s32 v14, v7;
	v16 =	vadd.s32 v10, v14  }
0x20d: {  	vm6 =	vmneg vm3;
	vm3 =	vmor vm3, vm5;
	vm7 =	vge.s32 v16, v7;
	v17 =	vld [tilespmem:s16+$0xFFFFFFB0]  }
0x20e: {  	vm6 =	vmand vm5, vm6;
	vm5 =	vmneg vm3;
	v9 =	vadd.s32 v9, v16  }
0x20f: {  	vm2 =	vmand vm4, vm2;
	vm3 =	vmor vm3, vm7;
	vm4 =	vge.s32 v9, v7  }
0x210: {  	v13 =	vsel vm2, s15, v13;
	v12 =	vsel vm2, v12, v8;
	v10 =	vadd.s32 v15, v9;
	v15 =	vld [tilespmem:s16+$0xFFFFFFA0]  }
0x211: {  	vm2 =	vmneg vm3;
	vm3 =	vmor vm3, vm4;
	vm8 =	vge.s32 v10, v7;
	v18 =	vld [tilespmem:s16+$0xFFFFFF90]  }
0x212: {  	vm2 =	vmand vm4, vm2;
	vm4 =	vmneg vm3;
	v8 =	vadd.s32 v17, v10  }
.Ltmp8:
0x213: {  	v11 =	vsel vm6, v11, v12;
	vm9 =	vmand vm7, vm5;
	vm10 =	vmor vm3, vm8;
	(pc) =	sbr.rel @p0 .LBB2_19-.Ltmp8, $4  }
0x214: {  	s17 =	sadd.s32 $0xFFFFFFFF, s15;
	v12 =	vsel vm9, v14, v11;
	vm3 =	vmand vm8, vm4;
	vm5 =	vmneg vm10  }
0x215: {  	v13 =	vsel vm6, s17, v13;
	s17 =	sadd.s32 $0xFFFFFFFE, s15;
	vm7 =	vge.s32 v8, v7;
	v11 =	vadd.s32 v15, v8  }
0x216: {  	v13 =	vsel vm9, s17, v13;
	s17 =	simm.s32 $0x10040;
	v14 =	vsel vm2, v16, v12;
	v12 =	vadd.s32 v18, v11  }
0x217: {  	s18 =	sadd.s32 $0xFFFFFFFD, s12;
	s15 =	sadd.s32 $0xFFFFFFF8, s15;
	s16 =	sadd.s32 $0xFFFFFF80, s16;
	vm8 =	vmor vm10, vm7;
	vm6 =	vge.s32 v11, v7;
	vm4 =	vge.s32 v12, v7  }
0x218: {  	[tilespmem:s17+$0xFFFFFFC0] =	vst v0  }
0x219: {  	v9 =	vsel vm3, v9, v14;
	[tilespmem:s17+$0x30] =	vst v0  }
0x21a: {  	vm5 =	vmand vm7, vm5;
	v12 =	vsel vm2, s18, v13;
	[tilespmem:s17+$0x20] =	vst v0;
	vm2 =	vmneg vm8  }
0x21b: {  	s14 =	sadd.s32 $0xFFFFFFFB, s12;
	vm15 =	vmor vm8, vm6;
	[tilespmem:s17+$0x10] =	vst v0;
	v9 =	vsel vm5, v10, v9;
	v10 =	vsel vm3, s13, v12  }
0x21c: {  	s30 =	sadd.s32 $0xFFFFFFFA, s12;
	[tilespmem:s17+$0x0] =	vst v0;
	vm2 =	vmand vm6, vm2;
	vm3 =	vmneg vm15;
	v10 =	vsel vm5, s14, v10  }
0x21d: {  	s31 =	sadd.s32 $0xFFFFFFF9, s12;
	[tilespmem:s17+$0xFFFFFFF0] =	vst v0;
	v8 =	vsel vm2, v8, v9;
	vm3 =	vmand vm4, vm3;
	v9 =	vsel vm2, s30, v10  }
0x21e: {  	s12 =	simm.s32 $0x0;
	[tilespmem:s17+$0xFFFFFFE0] =	vst v0;
	v8 =	vsel vm3, v11, v8;
	v9 =	vsel vm3, s31, v9  }
.LBB2_21:
0x21f: {  	s12 =	sadd.s32 $0x80, s12;
	[tilespmem:s17+$0xFFFFFFD0] =	vst v0;
	s17 =	sadd.s32 $0x80, s17  }
0x220: {  	[tilespmem:s17+$0xFFFFFFC0] =	vst v0;
	p0 =	slt.u32 s12, $0xF80  }
0x221: {  	[tilespmem:s17+$0x30] =	vst v0  }
.Ltmp9:
0x222: {  	[tilespmem:s17+$0x20] =	vst v0;
	(pc) =	sbr.rel @p0 .LBB2_21-.Ltmp9, $4  }
0x223: {  	[tilespmem:s17+$0x10] =	vst v0  }
0x224: {  	[tilespmem:s17+$0x0] =	vst v0  }
0x225: {  	[tilespmem:s17+$0xFFFFFFF0] =	vst v0  }
0x226: {  	[tilespmem:s17+$0xFFFFFFE0] =	vst v0  }
0x227: {  	v6 =	vshll.u32 v6, $0x8;
	s14 =	simm.s32 $0xE  }
0x228: {  	s12 =	simm.s32 $0x0;
	s18 =	simm.s32 $0x1;
	v6 =	vor.u32 v6, v9;
	v12 =	vadd.s32 s14, v1  }
0x229: {  	s22 =	simm.s32 $0x8;
	v9 =	vor.u32 s12, v2;
	v10 =	vadd.s32 s18, v1;
	v12 =	vand.u32 $0xFFF, v12  }
0x22a: {  	s23 =	simm.s32 $0xA;
	v16 =	vadd.s32 s22, v1;
	v10 =	vand.u32 $0xFFF, v10;
	v12 =	vor.u32 v4, v12  }
0x22b: {  	s19 =	simm.s32 $0x4;
	v17 =	vadd.s32 s23, v1;
	v16 =	vand.u32 $0xFF8, v16;
	v10 =	vor.u32 v4, v10  }
0x22c: {  	s20 =	simm.s32 $0x5;
	v13 =	vadd.s32 s19, v1;
	v17 =	vand.u32 $0xFFF, v17;
	v16 =	vor.u32 v5, v16  }
0x22d: {  	s13 =	simm.s32 $0x2;
	[tilespmem:s17+$0xFFFFFFD0] =	vst v0;
	v14 =	vadd.s32 s20, v1;
	v13 =	vand.u32 $0xFFF, v13;
	v17 =	vor.u32 v4, v17  }
0x22e: {  	s21 =	simm.s32 $0x7;
	v11 =	vadd.s32 s13, v1;
	v14 =	vand.u32 $0xFFF, v14;
	v13 =	vor.u32 v4, v13;
	v23 =	vld.idx.msk [tilespmem:v9+s1+$0x0], $0xffff  }
0x22f: {  	s24 =	simm.s32 $0xB;
	s25 =	simm.s32 $0xD;
	v15 =	vadd.s32 s21, v1;
	v11 =	vand.u32 $0xFFF, v11;
	v14 =	vor.u32 v4, v14;
	v12 =	vld.idx.msk [tilespmem:v12+s1+$0x0], $0xffff  }
0x230: {  	s26 =	simm.s32 $0x3;
	s28 =	simm.s32 $0xC;
	s29 =	simm.s32 $0x6;
	v18 =	vadd.s32 s24, v1;
	v19 =	vadd.s32 s25, v1;
	v11 =	vor.u32 v4, v11;
	v10 =	vld.idx.msk [tilespmem:v10+s1+$0x0], $0xffff  }
0x231: {  	s30 =	simm.s32 $0xF;
	s31 =	simm.s32 $0x9;
	v20 =	vadd.s32 s26, v1;
	v21 =	vadd.s32 s28, v1;
	v22 =	vadd.s32 s29, v1;
	v16 =	vld.idx.msk [tilespmem:v16+s1+$0x0], $0xffff  }
0x232: {  	v37 =	vadd.s32 s30, v1;
	v38 =	vadd.s32 s31, v1;
	v15 =	vand.u32 $0xFFF, v15;
	v17 =	vld.idx.msk [tilespmem:v17+s1+$0x0], $0xffff  }
0x233: {  	v19 =	vand.u32 $0xFFF, v19;
	v18 =	vand.u32 $0xFFF, v18;
	v20 =	vand.u32 $0xFFF, v20;
	v13 =	vld.idx.msk [tilespmem:v13+s1+$0x0], $0xffff  }
0x234: {  	v15 =	vor.u32 v4, v15;
	v20 =	vor.u32 v4, v20;
	v9 =	vand.u32 $0xFFF, v22;
	v14 =	vld.idx.msk [tilespmem:v14+s1+$0x0], $0xffff  }
0x235: {  	v18 =	vor.u32 v4, v18;
	v24 =	vor.u32 v4, v9;
	v9 =	vand.u32 $0xFFF, v37;
	v11 =	vld.idx.msk [tilespmem:v11+s1+$0x0], $0xffff  }
0x236: {  	v19 =	vor.u32 v4, v19;
	v25 =	vor.u32 v4, v9;
	v9 =	vand.u32 $0xFFF, v21  }
0x237: {  	v22 =	vand.u32 $0xFFF, v38;
	v27 =	vor.u32 v4, v9;
	v40 =	vshra.s32 v23, $0x1F  }
0x238: {  	v39 =	vshra.s32 v12, $0x1F;
	v26 =	vshra.s32 v10, $0x1F;
	v43 =	vshra.s32 v16, $0x1F  }
0x239: {  	v33 =	vshra.s32 v17, $0x1F;
	v46 =	vshra.s32 v13, $0x1F;
	v47 =	vshra.s32 v14, $0x1F  }
0x23a: {  	v53 =	vshra.s32 v11, $0x1F;
	v9 =	vor.u32 $0x80000000, v26;
	v21 =	vor.u32 $0x80000000, v39  }
0x23b: {  	v26 =	vor.u32 $0x80000000, v40;
	v44 =	vor.u32 $0x80000000, v43;
	v45 =	vor.u32 $0x80000000, v33  }
0x23c: {  	v10 =	vxor.u32 v10, v9;
	v12 =	vxor.u32 v12, v21;
	v9 =	vor.u32 $0xFF8, v1  }
0x23d: {  	v16 =	vxor.u32 v16, v44;
	v17 =	vxor.u32 v17, v45;
	v23 =	vxor.u32 v23, v26  }
0x23e: {  	v24 =	vld.idx.msk [tilespmem:v24+s1+$0x0], $0xffff;
	v41 =	vshll.u32 v10, $0x4;
	v10 =	vshrl.u32 v10, $0x8;
	v28 =	vshll.u32 v12, $0x4  }
0x23f: {  	v20 =	vld.idx.msk [tilespmem:v20+s1+$0x0], $0xffff;
	v12 =	vshrl.u32 v12, $0x8;
	v52 =	vshrl.u32 v17, $0x8;
	v17 =	vshll.u32 v17, $0x4  }
0x240: {  	v25 =	vld.idx.msk [tilespmem:v25+s1+$0x0], $0xffff;
	v57 =	vshll.u32 v16, $0x4;
	v59 =	vshll.u32 v23, $0x4;
	v23 =	vshrl.u32 v23, $0x8  }
0x241: {  	v27 =	vld.idx.msk [tilespmem:v27+s1+$0x0], $0xffff;
	v16 =	vshrl.u32 v16, $0x8;
	v21 =	vor.u32 v1, v41;
	vm3 =	veq.s32 v10, v6  }
0x242: {  	v18 =	vld.idx.msk [tilespmem:v18+s1+$0x0], $0xffff;
	v10 =	vor.u32 v1, v28;
	vm5 =	veq.s32 v12, v6;
	v12 =	vor.u32 v4, v22  }
0x243: {  	v29 =	vshra.s32 v24, $0x1F;
	vm7 =	veq.s32 v52, v6;
	v17 =	vor.u32 v1, v17  }
0x244: {  	v60 =	vor.u32 v1, v59;
	v21 =	vand.u32 v9, v21;
	v42 =	vand.u32 v9, v10  }
0x245: {  	v10 =	vshra.s32 v20, $0x1F;
	v31 =	vshra.s32 v25, $0x1F;
	v29 =	vor.u32 $0x80000000, v29  }
0x246: {  	v17 =	vand.u32 v9, v17;
	v10 =	vor.u32 $0x80000000, v10;
	v48 =	vshra.s32 v27, $0x1F  }
0x247: {  	v31 =	vor.u32 $0x80000000, v31;
	v20 =	vxor.u32 v20, v10;
	v10 =	vshra.s32 v18, $0x1F  }
0x248: {  	v50 =	vor.u32 $0x80000000, v48;
	v30 =	vor.u32 $0x80000000, v10;
	v32 =	vshll.u32 v20, $0x4  }
0x249: {  	v10 =	vld.idx.msk [tilespmem:v15+s1+$0x0], $0xffff;
	v15 =	vxor.u32 v24, v29;
	v20 =	vshrl.u32 v20, $0x8;
	v24 =	vor.u32 $0x80000000, v46  }
0x24a: {  	v29 =	vshll.u32 v15, $0x4;
	v15 =	vshrl.u32 v15, $0x8;
	vm4 =	veq.s32 v20, v6  }
0x24b: {  	v20 =	vor.u32 $0x80000000, v47;
	v13 =	vxor.u32 v13, v24;
	v18 =	vxor.u32 v18, v30  }
0x24c: {  	vm6 =	veq.s32 v15, v6;
	v15 =	vor.u32 v1, v32;
	v14 =	vxor.u32 v14, v20  }
0x24d: {  	v12 =	vld.idx.msk [tilespmem:v12+s1+$0x0], $0xffff;
	v20 =	vxor.u32 v27, v50;
	v55 =	vshrl.u32 v13, $0x8;
	v29 =	vor.u32 v1, v29  }
0x24e: {  	v13 =	vshll.u32 v13, $0x4;
	[tilespmem:v21+s8+$0x0] =	vst.idx.add.s32.msk vm3, v3;
	vm3 =	veq.s32 v23, v6;
	v21 =	vand.u32 v9, v60  }
0x24f: {  	v63 =	vshll.u32 v18, $0x4;
	v18 =	vshrl.u32 v18, $0x8;
	v54 =	vshrl.u32 v14, $0x8  }
0x250: {  	vm8 =	veq.s32 v55, v6;
	v56 =	vshll.u32 v20, $0x4;
	v20 =	vshrl.u32 v20, $0x8  }
0x251: {  	v29 =	vand.u32 v9, v29;
	v13 =	vor.u32 v1, v13;
	v14 =	vshll.u32 v14, $0x4  }
0x252: {  	v19 =	vld.idx.msk [tilespmem:v19+s1+$0x0], $0xffff;
	v62 =	vand.u32 v9, v15;
	v15 =	vxor.u32 v25, v31;
	v51 =	vshra.s32 v12, $0x1F  }
0x253: {  	[tilespmem:v42+s8+$0x0] =	vst.idx.add.s32.msk vm5, v3;
	vm2 =	veq.s32 v54, v6;
	v24 =	vor.u32 v1, v56;
	v28 =	vor.u32 $0x80000000, v51  }
0x254: {  	v13 =	vand.u32 v9, v13;
	vm5 =	veq.s32 v20, v6;
	v12 =	vxor.u32 v12, v28  }
0x255: {  	[tilespmem:v17+s8+$0x0] =	vst.idx.add.s32.msk vm7, v3;
	v14 =	vor.u32 v1, v14;
	v58 =	vshll.u32 v12, $0x4;
	v12 =	vshrl.u32 v12, $0x8  }
0x256: {  	v24 =	vand.u32 v9, v24;
	v26 =	vor.u32 v1, v58;
	vm9 =	veq.s32 v12, v6  }
0x257: {  	v17 =	vshra.s32 v19, $0x1F;
	[tilespmem:v21+s8+$0x0] =	vst.idx.add.s32.msk vm3, v3;
	vm3 =	veq.s32 v18, v6;
	v61 =	vand.u32 v9, v26  }
0x258: {  	[tilespmem:v62+s8+$0x0] =	vst.idx.add.s32.msk vm4, v3;
	vm4 =	veq.s32 v16, v6;
	v16 =	vor.u32 v1, v63;
	v12 =	vor.u32 $0x80000000, v53  }
0x259: {  	v49 =	vshra.s32 v10, $0x1F;
	[tilespmem:v13+s8+$0x0] =	vst.idx.add.s32.msk vm8, v3;
	v13 =	vor.u32 v1, v57;
	v11 =	vxor.u32 v11, v12  }
0x25a: {  	[tilespmem:v29+s8+$0x0] =	vst.idx.add.s32.msk vm6, v3;
	v13 =	vand.u32 v9, v13;
	v12 =	vshll.u32 v11, $0x4;
	v11 =	vshrl.u32 v11, $0x8  }
0x25b: {  	[tilespmem:v24+s8+$0x0] =	vst.idx.add.s32.msk vm5, v3;
	v12 =	vor.u32 v1, v12;
	vm5 =	veq.s32 v11, v6;
	v11 =	vor.u32 $0x80000000, v17  }
0x25c: {  	s16 =	simm.s32 $0x10;
	v17 =	vor.u32 $0x80000000, v49;
	v12 =	vand.u32 v9, v12;
	v11 =	vxor.u32 v19, v11;
	[tilespmem:v61+s8+$0x0] =	vst.idx.add.s32.msk vm9, v3  }
.LBB2_23:
0x25d: {  	s12 =	sadd.s32 $0x1, s16  }
0x25e: {  	v18 =	vor.u32 s16, v2;
	s14 =	sadd.s32 $0x2, s16;
	s17 =	sadd.s32 $0x3, s16;
	v10 =	vxor.u32 v10, v17;
	v17 =	vshrl.u32 v15, $0x8;
	s13 =	smov.u32 s16  }
0x25f: {  	s15 =	sadd.s32 $0x6, s16;
	v14 =	vand.u32 v9, v14;
	v19 =	vadd.s32 s12, v1;
	v20 =	vadd.s32 s14, v1;
	s12 =	sadd.s32 $0x4, s16;
	s14 =	sadd.s32 $0x5, s16  }
0x260: {  	s18 =	sadd.s32 $0x8, s16;
	v15 =	vshll.u32 v15, $0x4;
	v21 =	vadd.s32 s12, v1;
	v22 =	vadd.s32 s14, v1;
	s12 =	sadd.s32 $0x7, s16;
	s14 =	sadd.s32 $0x9, s16  }
0x261: {  	s19 =	sadd.s32 $0xC, s16;
	v24 =	vadd.s32 s18, v1;
	s18 =	sadd.s32 $0xB, s16;
	vm6 =	veq.s32 v17, v6;
	v23 =	vadd.s32 s12, v1;
	s12 =	sadd.s32 $0xA, s16  }
0x262: {  	s20 =	sadd.s32 $0xE, s13;
	v25 =	vadd.s32 s18, v1;
	s18 =	sadd.s32 $0xD, s13;
	v17 =	vadd.s32 s12, v1;
	s12 =	sadd.s32 $0x10, s16;
	[tilespmem:v13+s8+$0x0] =	vst.idx.add.s32.msk vm4, v3;
	v13 =	vor.u32 v1, v15  }
0x263: {  	p0 =	slt.u32 s16, $0xFF0;
	v26 =	vadd.s32 s20, v1;
	v15 =	vadd.s32 s18, v1;
	[tilespmem:v12+s8+$0x0] =	vst.idx.add.s32.msk vm5, v3;
	v12 =	vand.u32 v9, v13  }
0x264: {  	v13 =	vand.u32 $0xFFF, v23;
	v23 =	vand.u32 $0xFFF, v26;
	v26 =	vshrl.u32 v10, $0x8  }
0x265: {  	v19 =	vand.u32 $0xFFF, v19;
	v27 =	vor.u32 v4, v13;
	v13 =	vor.u32 v4, v23  }
0x266: {  	v16 =	vand.u32 v9, v16;
	v19 =	vor.u32 v4, v19;
	v23 =	vand.u32 $0xFF8, v24  }
0x267: {  	v17 =	vand.u32 $0xFFF, v17;
	v15 =	vand.u32 $0xFFF, v15;
	v24 =	vadd.s32 s17, v1  }
0x268: {  	v29 =	vshrl.u32 v11, $0x8;
	v28 =	vadd.s32 s19, v1;
	v17 =	vor.u32 v4, v17;
	[tilespmem:v12+s8+$0x0] =	vst.idx.add.s32.msk vm6, v3  }
0x269: {  	v12 =	vand.u32 $0xFFF, v22;
	v22 =	vor.u32 v5, v23;
	v23 =	vand.u32 $0xFFF, v25  }
0x26a: {  	v21 =	vand.u32 $0xFFF, v21;
	vm4 =	veq.s32 v26, v6;
	v25 =	vor.u32 v4, v12;
	v13 =	vld.idx.msk [tilespmem:v13+s1+$0x0], $0xffff  }
0x26b: {  	v21 =	vor.u32 v4, v21;
	vm5 =	veq.s32 v29, v6;
	v12 =	vadd.s32 s15, v1;
	v19 =	vld.idx.msk [tilespmem:v19+s1+$0x0], $0xffff  }
0x26c: {  	s13 =	sadd.s32 $0xF, s13;
	v24 =	vand.u32 $0xFFF, v24;
	v23 =	vor.u32 v4, v23;
	v26 =	vand.u32 $0xFFF, v12;
	[tilespmem:v16+s8+$0x0] =	vst.idx.add.s32.msk vm3, v3  }
0x26d: {  	v11 =	vshll.u32 v11, $0x4;
	v16 =	vor.u32 v4, v26;
	v12 =	vld.idx.msk [tilespmem:v18+s1+$0x0], $0xffff;
	v18 =	vadd.s32 s13, v1  }
0x26e: {  	v24 =	vor.u32 v4, v24;
	v26 =	vadd.s32 s14, v1;
	v22 =	vld.idx.msk [tilespmem:v22+s1+$0x0], $0xffff;
	v18 =	vand.u32 $0xFFF, v18  }
0x26f: {  	v10 =	vshll.u32 v10, $0x4;
	v29 =	vor.u32 v1, v11;
	v17 =	vld.idx.msk [tilespmem:v17+s1+$0x0], $0xffff;
	v18 =	vor.u32 v4, v18  }
0x270: {  	v11 =	vand.u32 $0xFFF, v28;
	v10 =	vor.u32 v1, v10;
	v28 =	vshra.s32 v13, $0x1F;
	[tilespmem:v14+s8+$0x0] =	vst.idx.add.s32.msk vm2, v3  }
0x271: {  	v30 =	vor.u32 v4, v11;
	v10 =	vand.u32 v9, v10;
	v14 =	vshra.s32 v19, $0x1F  }
0x272: {  	v14 =	vor.u32 $0x80000000, v14;
	v11 =	vld.idx.msk [tilespmem:v23+s1+$0x0], $0xffff;
	v23 =	vor.u32 $0x80000000, v28;
	v28 =	vand.u32 v9, v29  }
0x273: {  	v29 =	vshra.s32 v12, $0x1F;
	v14 =	vxor.u32 v19, v14;
	v19 =	vld.idx.msk [tilespmem:v24+s1+$0x0], $0xffff;
	v23 =	vxor.u32 v13, v23  }
0x274: {  	v13 =	vshll.u32 v14, $0x4;
	v14 =	vshrl.u32 v14, $0x8;
	v16 =	vld.idx.msk [tilespmem:v16+s1+$0x0], $0xffff  }
0x275: {  	v24 =	vor.u32 $0x80000000, v29;
	v29 =	vor.u32 v1, v13;
	v31 =	vshll.u32 v23, $0x4;
	v13 =	vld.idx.msk [tilespmem:v18+s1+$0x0], $0xffff  }
0x276: {  	vm2 =	veq.s32 v14, v6;
	v14 =	vor.u32 v1, v31;
	v18 =	vshrl.u32 v23, $0x8;
	[tilespmem:v10+s8+$0x0] =	vst.idx.add.s32.msk vm4, v3  }
0x277: {  	v23 =	vand.u32 v9, v29;
	v10 =	vand.u32 $0xFFF, v26;
	vm3 =	veq.s32 v18, v6;
	[tilespmem:v28+s8+$0x0] =	vst.idx.add.s32.msk vm5, v3  }
0x278: {  	v18 =	vand.u32 $0xFFF, v20;
	v14 =	vand.u32 v9, v14;
	v20 =	vld.idx.msk [tilespmem:v21+s1+$0x0], $0xffff;
	v21 =	vor.u32 v4, v10  }
0x279: {  	v18 =	vor.u32 v4, v18;
	v10 =	vshra.s32 v19, $0x1F  }
0x27a: {  	v26 =	vshra.s32 v22, $0x1F;
	v10 =	vor.u32 $0x80000000, v10;
	v25 =	vld.idx.msk [tilespmem:v25+s1+$0x0], $0xffff  }
0x27b: {  	v15 =	vor.u32 v4, v15;
	v28 =	vshra.s32 v11, $0x1F;
	v19 =	vxor.u32 v19, v10;
	v29 =	vld.idx.msk [tilespmem:v30+s1+$0x0], $0xffff  }
0x27c: {  	v30 =	vshra.s32 v16, $0x1F;
	v10 =	vld.idx.msk [tilespmem:v27+s1+$0x0], $0xffff;
	v27 =	vor.u32 $0x80000000, v28;
	v28 =	vshra.s32 v13, $0x1F  }
0x27d: {  	v32 =	vshra.s32 v17, $0x1F;
	v31 =	vshll.u32 v19, $0x4;
	v30 =	vor.u32 $0x80000000, v30;
	v21 =	vld.idx.msk [tilespmem:v21+s1+$0x0], $0xffff  }
0x27e: {  	v26 =	vor.u32 $0x80000000, v26;
	v16 =	vxor.u32 v16, v30;
	v30 =	vor.u32 $0x80000000, v32;
	v18 =	vld.idx.msk [tilespmem:v18+s1+$0x0], $0xffff  }
0x27f: {  	v22 =	vxor.u32 v22, v26;
	v32 =	vshll.u32 v16, $0x4;
	v17 =	vxor.u32 v17, v30;
	[tilespmem:v14+s8+$0x0] =	vst.idx.add.s32.msk vm3, v3  }
0x280: {  	v16 =	vshrl.u32 v16, $0x8;
	v14 =	vshrl.u32 v19, $0x8;
	v19 =	vshra.s32 v20, $0x1F;
	[tilespmem:v23+s8+$0x0] =	vst.idx.add.s32.msk vm2, v3  }
0x281: {  	vm3 =	veq.s32 v16, v6;
	vm4 =	veq.s32 v14, v6;
	v14 =	vshra.s32 v25, $0x1F  }
0x282: {  	v16 =	vor.u32 v1, v31;
	v14 =	vor.u32 $0x80000000, v14;
	v23 =	vshra.s32 v10, $0x1F  }
0x283: {  	v26 =	vshra.s32 v29, $0x1F;
	v14 =	vxor.u32 v25, v14;
	v25 =	vshra.s32 v21, $0x1F  }
0x284: {  	v31 =	vshll.u32 v17, $0x4;
	v26 =	vor.u32 $0x80000000, v26;
	v30 =	vshra.s32 v18, $0x1F  }
0x285: {  	v17 =	vshrl.u32 v17, $0x8;
	v31 =	vor.u32 v1, v31;
	v26 =	vxor.u32 v29, v26  }
0x286: {  	vm5 =	veq.s32 v17, v6;
	v17 =	vand.u32 v9, v31;
	v29 =	vshll.u32 v26, $0x4  }
0x287: {  	v32 =	vor.u32 v1, v32;
	v31 =	vshrl.u32 v14, $0x8;
	v26 =	vshrl.u32 v26, $0x8  }
0x288: {  	v19 =	vor.u32 $0x80000000, v19;
	vm2 =	veq.s32 v31, v6;
	v31 =	vand.u32 v9, v32  }
0x289: {  	v28 =	vor.u32 $0x80000000, v28;
	v19 =	vxor.u32 v20, v19;
	v20 =	vor.u32 v1, v29  }
0x28a: {  	v29 =	vshll.u32 v19, $0x4;
	v19 =	vshrl.u32 v19, $0x8;
	v20 =	vand.u32 v9, v20  }
0x28b: {  	v29 =	vor.u32 v1, v29;
	vm7 =	veq.s32 v19, v6;
	v19 =	vor.u32 $0x80000000, v25;
	v25 =	vld.idx.msk [tilespmem:v15+s1+$0x0], $0xffff  }
0x28c: {  	v19 =	vxor.u32 v21, v19;
	v15 =	vand.u32 v9, v29;
	v29 =	vshll.u32 v22, $0x4;
	[tilespmem:v17+s8+$0x0] =	vst.idx.add.s32.msk vm5, v3  }
0x28d: {  	v12 =	vxor.u32 v12, v24;
	v17 =	vshll.u32 v19, $0x4;
	v19 =	vshrl.u32 v19, $0x8;
	[tilespmem:v31+s8+$0x0] =	vst.idx.add.s32.msk vm3, v3  }
0x28e: {  	v21 =	vshll.u32 v12, $0x4;
	v12 =	vshrl.u32 v12, $0x8;
	v17 =	vor.u32 v1, v17  }
0x28f: {  	v21 =	vor.u32 v1, v21;
	vm3 =	veq.s32 v12, v6;
	v12 =	vshll.u32 v14, $0x4  }
0x290: {  	v21 =	vand.u32 v9, v21;
	vm5 =	veq.s32 v26, v6;
	vm6 =	veq.s32 v19, v6  }
0x291: {  	v14 =	vor.u32 $0x80000000, v30;
	v19 =	vand.u32 v9, v17;
	v17 =	vshra.s32 v25, $0x1F;
	[tilespmem:v15+s8+$0x0] =	vst.idx.add.s32.msk vm7, v3  }
0x292: {  	v16 =	vand.u32 v9, v16;
	v18 =	vxor.u32 v18, v14;
	v14 =	vor.u32 v1, v12  }
0x293: {  	v11 =	vxor.u32 v11, v27;
	v12 =	vshll.u32 v18, $0x4;
	v15 =	vxor.u32 v13, v28  }
.Ltmp10:
0x294: {  	v24 =	vshll.u32 v11, $0x4;
	v11 =	vshrl.u32 v11, $0x8;
	v12 =	vor.u32 v1, v12;
	(pc) =	sbr.rel @p0 .LBB2_23-.Ltmp10, $4  }
0x295: {  	v12 =	vand.u32 v9, v12;
	v13 =	vor.u32 v1, v29;
	[tilespmem:v21+s8+$0x0] =	vst.idx.add.s32.msk vm3, v3;
	v21 =	vshrl.u32 v22, $0x8  }
0x296: {  	v18 =	vshrl.u32 v18, $0x8;
	v13 =	vand.u32 v9, v13;
	vm3 =	veq.s32 v11, v6;
	[tilespmem:v20+s8+$0x0] =	vst.idx.add.s32.msk vm5, v3  }
0x297: {  	v11 =	vor.u32 $0x80000000, v17;
	vm5 =	veq.s32 v18, v6;
	[tilespmem:v16+s8+$0x0] =	vst.idx.add.s32.msk vm4, v3;
	vm4 =	veq.s32 v21, v6  }
0x298: {  	s16 =	smov.u32 s12;
	v17 =	vor.u32 $0x80000000, v23;
	v11 =	vxor.u32 v25, v11;
	v16 =	vor.u32 v1, v24;
	[tilespmem:v19+s8+$0x0] =	vst.idx.add.s32.msk vm6, v3  }
0x299: {  	_ =	sdelay $0x1  }
0x29a: {  	v18 =	vshrl.u32 v15, $0x8;
	v57 =	vshll.u32 v15, $0x4  }
0x29b: {  	v10 =	vxor.u32 v10, v17;
	v14 =	vand.u32 v9, v14;
	v16 =	vand.u32 v9, v16  }
0x29c: {  	v58 =	vshrl.u32 v11, $0x8;
	v11 =	vshll.u32 v11, $0x4;
	vm6 =	veq.s32 v18, v6  }
0x29d: {  	[tilespmem:v13+s8+$0x0] =	vst.idx.add.s32.msk vm4, v3;
	v15 =	vor.u32 v1, v57;
	v17 =	vshrl.u32 v10, $0x8;
	v10 =	vshll.u32 v10, $0x4  }
0x29e: {  	v15 =	vand.u32 v9, v15;
	vm4 =	veq.s32 v17, v6;
	v10 =	vor.u32 v1, v10  }
0x29f: {  	vm7 =	veq.s32 v58, v6;
	v11 =	vor.u32 v1, v11;
	v10 =	vand.u32 v9, v10  }
0x2a0: {  	[tilespmem:v12+s8+$0x0] =	vst.idx.add.s32.msk vm5, v3;
	v9 =	vand.u32 v9, v11  }
0x2a1: {  	[tilespmem:v16+s8+$0x0] =	vst.idx.add.s32.msk vm3, v3  }
0x2a2: {  	[tilespmem:v14+s8+$0x0] =	vst.idx.add.s32.msk vm2, v3  }
0x2a3: {  	[tilespmem:v15+s8+$0x0] =	vst.idx.add.s32.msk vm6, v3  }
0x2a4: {  	[tilespmem:v10+s8+$0x0] =	vst.idx.add.s32.msk vm4, v3  }
0x2a5: {  	s12 =	simm.s32 $0x10FF0;
	[tilespmem:v9+s8+$0x0] =	vst.idx.add.s32.msk vm7, v3  }
0x2a6: {  	v9 =	vld [tilespmem:s12+$0x0]  }
0x2a7: {  	v10 =	vld [tilespmem:s12+$0xFFFFFFF0]  }
0x2a8: {  	v11 =	vld [tilespmem:s12+$0xFFFFFFE0];
	_ =	sdelay $0x1  }
0x2a9: {  	v59 =	vimm.s32 $0x0;
	v12 =	vld [tilespmem:s12+$0xFFFFFFD0]  }
0x2aa: {  	v14 =	vld [tilespmem:s12+$0xFFFFFFC0];
	v9 =	vadd.s32 v59, v9  }
0x2ab: {  	v7 =	vsub.s32 v7, v8;
	v10 =	vadd.s32 v10, v9  }
0x2ac: {  	v15 =	vld [tilespmem:s12+$0xFFFFFFB0];
	vm2 =	vge.s32 v9, v7;
	v8 =	vadd.s32 v11, v10  }
0x2ad: {  	v16 =	vld [tilespmem:s12+$0xFFFFFFA0];
	vm3 =	vmor vm0, vm2;
	vm4 =	vge.s32 v10, v7;
	vm2 =	vmand vm2, vm1  }
0x2ae: {  	v60 =	vld [tilespmem:s12+$0xFFFFFF90];
	s12 =	simm.s32 $0xFF;
	v9 =	vadd.s32 v12, v8;
	vm6 =	vge.s32 v8, v7;
	vm7 =	vmor vm3, vm4  }
0x2af: {  	vm3 =	vmneg vm3;
	v13 =	vsel vm2, s12, v59;
	v11 =	vadd.s32 v14, v9  }
0x2b0: {  	vm5 =	vge.s32 v9, v7;
	vm9 =	vmor vm7, vm6;
	vm7 =	vmneg vm7  }
0x2b1: {  	vm3 =	vmand vm4, vm3;
	v9 =	vadd.s32 v15, v11;
	vm8 =	vge.s32 v11, v7  }
0x2b2: {  	s13 =	simm.s32 $0x10F70;
	s14 =	simm.s32 $0xFE;
	vm10 =	vmor vm9, vm5;
	vm4 =	vmneg vm9;
	vm6 =	vmand vm6, vm7  }
0x2b3: {  	v13 =	vsel vm3, s14, v13;
	v8 =	vadd.s32 v16, v9;
	vm11 =	vge.s32 v9, v7;
	v9 =	vld [tilespmem:s13+$0x0]  }
0x2b4: {  	s29 =	simm.s32 $0xFD;
	vm5 =	vmand vm5, vm4;
	vm4 =	vmneg vm10;
	vm7 =	vmor vm10, vm8  }
0x2b5: {  	v10 =	vld [tilespmem:s13+$0xFFFFFFF0];
	v13 =	vsel vm6, s29, v13;
	vm1 =	vge.s32 v8, v7;
	v8 =	vadd.s32 v60, v8  }
0x2b6: {  	s30 =	simm.s32 $0xFC;
	v11 =	vld [tilespmem:s13+$0xFFFFFFE0];
	vm9 =	vmand vm8, vm4;
	vm2 =	vmor vm7, vm11;
	vm4 =	vmneg vm7  }
0x2b7: {  	v61 =	vld [tilespmem:s13+$0xFFFFFFD0];
	v63 =	vsel vm5, s30, v13;
	vm12 =	vmor vm2, vm1;
	vm10 =	vge.s32 v8, v7  }
0x2b8: {  	v62 =	vld [tilespmem:s13+$0xFFFFFFC0];
	vm13 =	vmand vm11, vm4;
	vm2 =	vmneg vm2;
	v8 =	vadd.s32 v8, v9  }
0x2b9: {  	vm11 =	vmor vm12, vm10;
	vm8 =	vmand vm1, vm2;
	v9 =	vld [tilespmem:s13+$0xFFFFFFB0];
	vm14 =	vge.s32 v8, v7  }
0x2ba: {  	vm1 =	vmneg vm11;
	v8 =	vadd.s32 v10, v8;
	v10 =	vld [tilespmem:s13+$0xFFFFFFA0];
	vm15 =	vmor vm11, vm14  }
0x2bb: {  	v11 =	vadd.s32 v11, v8;
	vm4 =	vge.s32 v8, v7;
	vm6 =	vmand vm14, vm1  }
0x2bc: {  	vm1 =	vmneg vm12;
	v8 =	vadd.s32 v61, v11;
	vm7 =	vge.s32 v11, v7;
	v11 =	vld [tilespmem:s13+$0xFFFFFF90]  }
0x2bd: {  	vm11 =	vmor vm15, vm4;
	vm3 =	vge.s32 v8, v7;
	v8 =	vadd.s32 v62, v8  }
0x2be: {  	vm10 =	vmand vm10, vm1;
	vm14 =	vmor vm11, vm7;
	v9 =	vadd.s32 v9, v8  }
0x2bf: {  	s31 =	simm.s32 $0xFB;
	vm5 =	vge.s32 v8, v7;
	vm12 =	vmor vm14, vm3;
	v10 =	vadd.s32 v10, v9  }
0x2c0: {  	s15 =	simm.s32 $0xF9;
	s18 =	simm.s32 $0xFA;
	s17 =	simm.s32 $0xF1;
	vm2 =	vge.s32 v9, v7;
	v9 =	vsel vm9, s31, v63;
	vm9 =	vmneg vm15  }
0x2c1: {  	s16 =	simm.s32 $0x10EF0;
	s14 =	simm.s32 $0x8;
	s13 =	simm.s32 $0xF7;
	vm1 =	vge.s32 v10, v7;
	v9 =	vsel vm13, s18, v9;
	v8 =	vadd.s32 v11, v10  }
.LBB2_25:
0x2c2: {  	v10 =	vld [tilespmem:s16+$0x0];
	s14 =	sadd.s32 $0x8, s14;
	vm4 =	vmand vm4, vm9;
	vm9 =	vmneg vm11;
	vm11 =	vmneg vm14  }
0x2c3: {  	v9 =	vsel vm8, s15, v9;
	s15 =	sadd.s32 $0xFFFFFFF9, s12;
	s12 =	smov.u32 s13;
	v11 =	vld [tilespmem:s16+$0xFFFFFFF0];
	p0 =	slt.u32 s14, $0xF8;
	vm7 =	vmand vm7, vm9;
	vm3 =	vmand vm3, vm11  }
0x2c4: {  	vm8 =	vmneg vm12;
	vm11 =	vmor vm12, vm5;
	v9 =	vsel vm10, s15, v9;
	s15 =	smov.u32 s17;
	v12 =	vld [tilespmem:s16+$0xFFFFFFE0]  }
0x2c5: {  	vm9 =	vmand vm5, vm8;
	v9 =	vsel vm6, s13, v9;
	vm5 =	vmor vm11, vm2;
	v13 =	vld [tilespmem:s16+$0xFFFFFFD0]  }
0x2c6: {  	vm10 =	vge.s32 v8, v7;
	vm6 =	vmneg vm11;
	vm12 =	vmor vm5, vm1;
	v14 =	vld [tilespmem:s16+$0xFFFFFFC0]  }
0x2c7: {  	s17 =	sadd.s32 $0xFFFFFFFF, s13;
	vm13 =	vmand vm2, vm6;
	vm2 =	vmor vm12, vm10;
	v8 =	vadd.s32 v8, v10;
	v10 =	vld [tilespmem:s16+$0xFFFFFFB0]  }
0x2c8: {  	v9 =	vsel vm4, s17, v9;
	s17 =	sadd.s32 $0xFFFFFFFE, s13;
	vm6 =	vge.s32 v8, v7;
	v8 =	vadd.s32 v11, v8;
	v11 =	vld [tilespmem:s16+$0xFFFFFFA0]  }
0x2c9: {  	v9 =	vsel vm7, s17, v9;
	s17 =	sadd.s32 $0xFFFFFFFD, s13;
	vm15 =	vmor vm2, vm6;
	v12 =	vadd.s32 v12, v8  }
0x2ca: {  	s13 =	sadd.s32 $0xFFFFFFF8, s13;
	v9 =	vsel vm3, s17, v9;
	vm4 =	vge.s32 v8, v7;
	v8 =	vadd.s32 v13, v12  }
0x2cb: {  	vm5 =	vmneg vm5;
	s17 =	sadd.s32 $0xFFFFFFFA, s13;
	vm3 =	vge.s32 v8, v7;
	v8 =	vadd.s32 v14, v8  }
0x2cc: {  	vm8 =	vmand vm1, vm5;
	vm7 =	vge.s32 v12, v7;
	v10 =	vadd.s32 v10, v8;
	v12 =	vld [tilespmem:s16+$0xFFFFFF90]  }
.Ltmp11:
0x2cd: {  	vm1 =	vmneg vm2;
	vm11 =	vmor vm15, vm4;
	v11 =	vadd.s32 v11, v10;
	(pc) =	sbr.rel @p0 .LBB2_25-.Ltmp11, $4  }
0x2ce: {  	s18 =	sadd.s32 $0xFFFFFFFC, s12;
	vm6 =	vmand vm6, vm1;
	vm1 =	vmneg vm12;
	vm5 =	vge.s32 v8, v7  }
0x2cf: {  	vm10 =	vmand vm10, vm1;
	vm14 =	vmor vm11, vm7;
	vm2 =	vge.s32 v10, v7  }
0x2d0: {  	v9 =	vsel vm9, s18, v9;
	s18 =	sadd.s32 $0xFFFFFFFB, s12;
	vm12 =	vmor vm14, vm3;
	vm1 =	vge.s32 v11, v7  }
0x2d1: {  	v9 =	vsel vm13, s18, v9;
	vm9 =	vmneg vm15;
	s16 =	sadd.s32 $0xFFFFFF80, s16;
	v8 =	vadd.s32 v12, v11  }
0x2d2: {  	vm4 =	vmand vm4, vm9;
	vm13 =	vmneg vm11  }
0x2d3: {  	v9 =	vsel vm8, s15, v9;
	vm14 =	vmneg vm14;
	vm15 =	vmneg vm12  }
0x2d4: {  	s12 =	sadd.s32 $0xFFFFFFF9, s12;
	vm11 =	vmor vm12, vm5;
	v6 =	vshll.u32 v6, $0x8;
	vm7 =	vmand vm7, vm13  }
0x2d5: {  	s16 =	simm.s32 $0xD;
	v9 =	vsel vm10, s12, v9;
	vm3 =	vmand vm3, vm14;
	vm12 =	vmand vm5, vm15  }
0x2d6: {  	s21 =	simm.s32 $0x5;
	s22 =	simm.s32 $0x7;
	vm13 =	vmor vm11, vm2;
	vm15 =	vge.s32 v8, v7;
	v8 =	vadd.s32 s16, v1  }
0x2d7: {  	s28 =	sadd.s32 $0xFFFFFFFF, s13;
	s23 =	simm.s32 $0x8;
	s25 =	simm.s32 $0xA;
	v10 =	vadd.s32 s21, v1;
	v12 =	vadd.s32 s22, v1;
	v9 =	vsel vm6, s13, v9  }
0x2d8: {  	s29 =	sadd.s32 $0xFFFFFFFE, s13;
	s24 =	simm.s32 $0x3;
	v13 =	vadd.s32 s23, v1;
	v15 =	vadd.s32 s25, v1;
	v9 =	vsel vm4, s28, v9  }
0x2d9: {  	s30 =	sadd.s32 $0xFFFFFFFD, s13;
	v16 =	vadd.s32 s24, v1;
	vm6 =	vmneg vm11;
	v9 =	vsel vm7, s29, v9  }
0x2da: {  	s31 =	sadd.s32 $0xFFFFFFFC, s13;
	vm14 =	vmor vm13, vm1;
	v8 =	vand.u32 $0xFFF, v8;
	v7 =	vsel vm3, s30, v9  }
0x2db: {  	s14 =	sadd.s32 $0xFFFFFFFB, s13;
	vm2 =	vmand vm2, vm6;
	vm3 =	vmneg vm13;
	v7 =	vsel vm12, s31, v7  }
0x2dc: {  	vm1 =	vmand vm1, vm3;
	vm3 =	vmneg vm14;
	v7 =	vsel vm2, s14, v7  }
0x2dd: {  	s15 =	sadd.s32 $0xFFFFFFF9, s13;
	v16 =	vand.u32 $0xFFF, v16;
	vm2 =	vmand vm15, vm3;
	v7 =	vsel vm1, s17, v7  }
0x2de: {  	s18 =	simm.s32 $0x1;
	v21 =	vand.u32 $0xFFF, v10;
	v14 =	vor.u32 v4, v8;
	s17 =	simm.s32 $0xE;
	v7 =	vsel vm2, s15, v7  }
0x2df: {  	v8 =	vadd.s32 s18, v1;
	v6 =	vor.u32 v6, v7;
	v7 =	vadd.s32 s17, v1  }
0x2e0: {  	s28 =	simm.s32 $0xC;
	v21 =	vor.u32 v4, v21;
	v18 =	vand.u32 $0xFFF, v8;
	s14 =	simm.s32 $0xB;
	v7 =	vand.u32 $0xFFF, v7  }
0x2e1: {  	s19 =	simm.s32 $0x2;
	v8 =	vadd.s32 s28, v1;
	v11 =	vadd.s32 s14, v1;
	v22 =	vor.u32 v4, v7  }
0x2e2: {  	v9 =	vadd.s32 s19, v1;
	v8 =	vand.u32 $0xFFF, v8;
	v11 =	vand.u32 $0xFFF, v11  }
0x2e3: {  	s20 =	simm.s32 $0x4;
	v23 =	vand.u32 $0xFFF, v9;
	v9 =	vor.u32 v4, v16;
	v17 =	vld.idx.msk [tilespmem:v14+s1+$0x0], $0xffff;
	v28 =	vor.u32 v4, v11  }
0x2e4: {  	s26 =	simm.s32 $0xF;
	v11 =	vand.u32 $0xFF8, v13;
	v13 =	vand.u32 $0xFFF, v15;
	v7 =	vadd.s32 s20, v1  }
0x2e5: {  	v15 =	vadd.s32 s26, v1;
	v19 =	vor.u32 v5, v11;
	v7 =	vand.u32 $0xFFF, v7  }
0x2e6: {  	s29 =	simm.s32 $0x9;
	v32 =	vor.u32 v4, v7;
	v7 =	vor.u32 v4, v8;
	v8 =	vand.u32 $0xFFF, v15;
	v20 =	vld.idx.msk [tilespmem:v22+s1+$0x0], $0xffff  }
0x2e7: {  	v11 =	vand.u32 $0xFFF, v12;
	v12 =	vadd.s32 s29, v1;
	v33 =	vor.u32 v4, v8  }
0x2e8: {  	v6 =	vxor.u32 $0x80000000, v6;
	v26 =	vand.u32 $0xFFF, v12;
	v25 =	vld.idx.msk [tilespmem:v28+s1+$0x0], $0xffff;
	v8 =	vshra.s32 v17, $0x1F  }
0x2e9: {  	v10 =	vor.u32 v4, v13;
	v26 =	vor.u32 v4, v26;
	v8 =	vand.u32 $0x7FFFFFFF, v8  }
0x2ea: {  	v24 =	vld.idx.msk [tilespmem:v19+s1+$0x0], $0xffff;
	v15 =	vxor.u32 v17, v8;
	v8 =	vor.u32 v4, v11;
	v11 =	vor.u32 v4, v18  }
0x2eb: {  	s30 =	simm.s32 $0x6;
	v18 =	vor.u32 v4, v23;
	vm1 =	vlt.s32 v15, v6;
	v30 =	vld.idx.msk [tilespmem:v32+s1+$0x0], $0xffff;
	v13 =	vshra.s32 v20, $0x1F  }
0x2ec: {  	v29 =	vsel vm1, $0x0, v17;
	v17 =	vadd.s32 s30, v1;
	v34 =	vld.idx.msk [tilespmem:v33+s1+$0x0], $0xffff;
	v13 =	vand.u32 $0x7FFFFFFF, v13  }
0x2ed: {  	s31 =	simm.s32 $0x0;
	v16 =	vshra.s32 v25, $0x1F;
	v17 =	vand.u32 $0xFFF, v17;
	v13 =	vxor.u32 v20, v13  }
0x2ee: {  	v27 =	vld.idx.msk [tilespmem:v21+s1+$0x0], $0xffff;
	v23 =	vand.u32 $0x7FFFFFFF, v16;
	v16 =	vor.u32 s31, v2;
	vm1 =	vlt.s32 v13, v6  }
0x2ef: {  	v35 =	vshra.s32 v24, $0x1F;
	v12 =	vxor.u32 v25, v23;
	v36 =	vsel vm1, $0x0, v20;
	v20 =	vld.idx.msk [tilespmem:v10+s1+$0x0], $0xffff  }
0x2f0: {  	v15 =	vld.idx.msk [tilespmem:v7+s1+$0x0], $0xffff;
	vm1 =	vlt.s32 v12, v6;
	v12 =	vor.u32 v4, v17;
	v17 =	vshra.s32 v30, $0x1F  }
0x2f1: {  	v13 =	vld.idx.msk [tilespmem:v9+s1+$0x0], $0xffff;
	v23 =	vshra.s32 v34, $0x1F;
	v38 =	vsel vm1, $0x0, v25;
	v25 =	vand.u32 $0x7FFFFFFF, v17  }
0x2f2: {  	[tilespmem:v14+s1+$0x0] =	vst.idx.msk $0xffff, v29;
	v29 =	vand.u32 $0x7FFFFFFF, v35;
	v23 =	vand.u32 $0x7FFFFFFF, v23;
	v17 =	vld.idx.msk [tilespmem:v8+s1+$0x0], $0xffff;
	v31 =	vxor.u32 v30, v25  }
0x2f3: {  	v61 =	vxor.u32 v24, v29;
	v23 =	vxor.u32 v34, v23;
	v25 =	vld.idx.msk [tilespmem:v18+s1+$0x0], $0xffff;
	vm1 =	vlt.s32 v31, v6  }
0x2f4: {  	v39 =	vsel vm1, $0x0, v30;
	vm1 =	vlt.s32 v23, v6;
	v23 =	vld.idx.msk [tilespmem:v16+s1+$0x0], $0xffff;
	v30 =	vshra.s32 v20, $0x1F  }
0x2f5: {  	v37 =	vshra.s32 v15, $0x1F;
	[tilespmem:v22+s1+$0x0] =	vst.idx.msk $0xffff, v36;
	v22 =	vshra.s32 v27, $0x1F;
	v14 =	vld.idx.msk [tilespmem:v12+s1+$0x0], $0xffff;
	v59 =	vand.u32 $0x7FFFFFFF, v30  }
0x2f6: {  	v60 =	vand.u32 $0x7FFFFFFF, v37;
	v30 =	vand.u32 $0x7FFFFFFF, v22;
	v22 =	vxor.u32 v20, v59  }
0x2f7: {  	v31 =	vshra.s32 v13, $0x1F;
	v34 =	vsel vm1, $0x0, v34;
	vm1 =	vlt.s32 v22, v6;
	v22 =	vld.idx.msk [tilespmem:v11+s1+$0x0], $0xffff  }
0x2f8: {  	vm2 =	vlt.s32 v61, v6;
	v29 =	vxor.u32 v15, v60;
	[tilespmem:v28+s1+$0x0] =	vst.idx.msk $0xffff, v38;
	v31 =	vand.u32 $0x7FFFFFFF, v31  }
0x2f9: {  	[tilespmem:v32+s1+$0x0] =	vst.idx.msk $0xffff, v39;
	v32 =	vld.idx.msk [tilespmem:v26+s1+$0x0], $0xffff;
	v28 =	vshra.s32 v17, $0x1F;
	v63 =	vshra.s32 v25, $0x1F;
	v62 =	vshra.s32 v23, $0x1F  }
0x2fa: {  	s16 =	simm.s32 $0x10;
	[tilespmem:v33+s1+$0x0] =	vst.idx.msk $0xffff, v34;
	v33 =	vand.u32 $0x7FFFFFFF, v63;
	v34 =	vand.u32 $0x7FFFFFFF, v62;
	v35 =	vshra.s32 v14, $0x1F  }
.LBB2_27:
0x2fb: {  	s12 =	sadd.s32 $0x1, s16  }
0x2fc: {  	s14 =	sadd.s32 $0x2, s16;
	s17 =	sadd.s32 $0x3, s16;
	v36 =	vshra.s32 v22, $0x1F;
	v37 =	vxor.u32 v27, v30;
	v30 =	vand.u32 $0x7FFFFFFF, v35;
	s13 =	smov.u32 s16  }
0x2fd: {  	s15 =	sadd.s32 $0x5, s16;
	v24 =	vsel vm2, $0x0, v24;
	v35 =	vadd.s32 s12, v1;
	v38 =	vadd.s32 s14, v1;
	s12 =	sadd.s32 $0x4, s16;
	s14 =	sadd.s32 $0x6, s16  }
0x2fe: {  	s18 =	sadd.s32 $0x8, s16;
	v40 =	vadd.s32 s15, v1;
	s15 =	sadd.s32 $0x9, s16;
	v39 =	vadd.s32 s12, v1;
	s12 =	sadd.s32 $0x7, s16;
	[tilespmem:v19+s1+$0x0] =	vst.idx.msk $0xffff, v24;
	v19 =	vshra.s32 v32, $0x1F  }
0x2ff: {  	v41 =	vadd.s32 s18, v1;
	s18 =	sadd.s32 $0xA, s13;
	s19 =	sadd.s32 $0xB, s13;
	v24 =	vadd.s32 s12, v1;
	s12 =	sadd.s32 $0x10, s16;
	v19 =	vand.u32 $0x7FFFFFFF, v19  }
0x300: {  	p0 =	slt.u32 s16, $0xFF0;
	v34 =	vxor.u32 v23, v34;
	v42 =	vadd.s32 s18, v1;
	v43 =	vadd.s32 s19, v1;
	s18 =	sadd.s32 $0xD, s13;
	s19 =	sadd.s32 $0xE, s13  }
0x301: {  	vm3 =	vlt.s32 v34, v6;
	v44 =	vadd.s32 s18, v1;
	v45 =	vadd.s32 s19, v1  }
0x302: {  	v31 =	vxor.u32 v13, v31;
	v34 =	vand.u32 $0xFFF, v44;
	v44 =	vand.u32 $0xFFF, v45  }
0x303: {  	vm2 =	vlt.s32 v31, v6;
	v34 =	vor.u32 v4, v34;
	v44 =	vor.u32 v4, v44  }
0x304: {  	v31 =	vadd.s32 s17, v1;
	v41 =	vand.u32 $0xFF8, v41;
	s16 =	sadd.s32 $0xC, s13;
	v19 =	vxor.u32 v32, v19  }
0x305: {  	s17 =	sadd.s32 $0xF, s13;
	vm4 =	vlt.s32 v37, v6;
	v42 =	vand.u32 $0xFFF, v42;
	v43 =	vand.u32 $0xFFF, v43  }
0x306: {  	v27 =	vsel vm4, $0x0, v27;
	v37 =	vor.u32 v4, v43;
	v43 =	vadd.s32 s17, v1  }
0x307: {  	v35 =	vand.u32 $0xFFF, v35;
	v45 =	vadd.s32 s16, v1;
	vm4 =	vlt.s32 v19, v6;
	[tilespmem:v21+s1+$0x0] =	vst.idx.msk $0xffff, v27  }
0x308: {  	v19 =	vand.u32 $0xFFF, v39;
	v21 =	vand.u32 $0xFFF, v31;
	v31 =	vsel vm4, $0x0, v32;
	v27 =	vld.idx.msk [tilespmem:v34+s1+$0x0], $0xffff  }
0x309: {  	v38 =	vand.u32 $0xFFF, v38;
	v32 =	vor.u32 v4, v19;
	v19 =	vxor.u32 v25, v33;
	v39 =	vld.idx.msk [tilespmem:v44+s1+$0x0], $0xffff  }
0x30a: {  	v33 =	vand.u32 $0xFFF, v40;
	v40 =	vand.u32 $0xFFF, v43;
	vm4 =	vlt.s32 v19, v6;
	[tilespmem:v26+s1+$0x0] =	vst.idx.msk $0xffff, v31  }
0x30b: {  	v24 =	vand.u32 $0xFFF, v24;
	v25 =	vsel vm4, $0x0, v25;
	v31 =	vand.u32 $0xFFF, v45;
	v26 =	vld.idx.msk [tilespmem:v37+s1+$0x0], $0xffff  }
0x30c: {  	v42 =	vor.u32 v4, v42;
	v19 =	vor.u32 v5, v41;
	v41 =	vadd.s32 s15, v1;
	[tilespmem:v18+s1+$0x0] =	vst.idx.msk $0xffff, v25  }
0x30d: {  	v40 =	vor.u32 v4, v40;
	v25 =	vor.u32 v4, v21;
	v18 =	vsel vm1, $0x0, v20  }
0x30e: {  	v36 =	vand.u32 $0x7FFFFFFF, v36;
	v31 =	vor.u32 v4, v31;
	v20 =	vshra.s32 v27, $0x1F;
	[tilespmem:v10+s1+$0x0] =	vst.idx.msk $0xffff, v18;
	v10 =	vmovc v42  }
0x30f: {  	v42 =	vor.u32 v4, v24;
	v18 =	vand.u32 $0x7FFFFFFF, v20;
	v20 =	vshra.s32 v39, $0x1F  }
0x310: {  	v21 =	vsel vm3, $0x0, v23;
	v18 =	vxor.u32 v27, v18;
	v20 =	vand.u32 $0x7FFFFFFF, v20  }
0x311: {  	v23 =	vand.u32 $0x7FFFFFFF, v28;
	vm1 =	vlt.s32 v18, v6;
	v18 =	vxor.u32 v39, v20;
	v24 =	vld.idx.msk [tilespmem:v19+s1+$0x0], $0xffff  }
0x312: {  	v28 =	vshra.s32 v26, $0x1F;
	v20 =	vsel vm1, $0x0, v27;
	vm1 =	vlt.s32 v29, v6;
	v43 =	vld.idx.msk [tilespmem:v40+s1+$0x0], $0xffff;
	[tilespmem:v16+s1+$0x0] =	vst.idx.msk $0xffff, v21  }
0x313: {  	v13 =	vsel vm2, $0x0, v13;
	v29 =	vor.u32 v4, v35;
	v16 =	vadd.s32 s14, v1;
	v35 =	vld.idx.msk [tilespmem:v31+s1+$0x0], $0xffff;
	[tilespmem:v34+s1+$0x0] =	vst.idx.msk $0xffff, v20  }
0x314: {  	vm2 =	vlt.s32 v18, v6;
	v15 =	vsel vm1, $0x0, v15;
	v34 =	vand.u32 $0xFFF, v16;
	[tilespmem:v9+s1+$0x0] =	vst.idx.msk $0xffff, v13;
	v9 =	vmovc v25  }
0x315: {  	v18 =	vor.u32 v4, v38;
	v21 =	vor.u32 v4, v33;
	v20 =	vxor.u32 v22, v36;
	v38 =	vld.idx.msk [tilespmem:v32+s1+$0x0], $0xffff  }
0x316: {  	v33 =	vand.u32 $0xFFF, v41;
	v16 =	vor.u32 s13, v2;
	vm1 =	vlt.s32 v20, v6;
	v13 =	vld.idx.msk [tilespmem:v25+s1+$0x0], $0xffff  }
0x317: {  	v22 =	vsel vm1, $0x0, v22;
	v36 =	vshra.s32 v24, $0x1F;
	v25 =	vand.u32 $0x7FFFFFFF, v28;
	v20 =	vld.idx.msk [tilespmem:v10+s1+$0x0], $0xffff;
	[tilespmem:v7+s1+$0x0] =	vst.idx.msk $0xffff, v15;
	v7 =	vmovc v31  }
0x318: {  	v41 =	vxor.u32 v26, v25;
	v25 =	vsel vm2, $0x0, v39;
	[tilespmem:v11+s1+$0x0] =	vst.idx.msk $0xffff, v22;
	v22 =	vxor.u32 v14, v30  }
0x319: {  	v23 =	vxor.u32 v17, v23;
	vm1 =	vlt.s32 v41, v6;
	v28 =	vshra.s32 v35, $0x1F;
	[tilespmem:v44+s1+$0x0] =	vst.idx.msk $0xffff, v25  }
0x31a: {  	v30 =	vor.u32 v4, v34;
	v34 =	vshra.s32 v43, $0x1F;
	v11 =	vmovc v29;
	v15 =	vmovc v35;
	v31 =	vsel vm1, $0x0, v26;
	v27 =	vld.idx.msk [tilespmem:v21+s1+$0x0], $0xffff  }
0x31b: {  	v26 =	vor.u32 v4, v33;
	v33 =	vand.u32 $0x7FFFFFFF, v34;
	v29 =	vshra.s32 v38, $0x1F;
	v25 =	vld.idx.msk [tilespmem:v18+s1+$0x0], $0xffff;
	[tilespmem:v37+s1+$0x0] =	vst.idx.msk $0xffff, v31  }
0x31c: {  	vm1 =	vlt.s32 v22, v6;
	v31 =	vshra.s32 v13, $0x1F;
	v29 =	vand.u32 $0x7FFFFFFF, v29;
	v34 =	vld.idx.msk [tilespmem:v42+s1+$0x0], $0xffff  }
0x31d: {  	vm2 =	vlt.s32 v23, v6;
	v31 =	vand.u32 $0x7FFFFFFF, v31;
	v22 =	vxor.u32 v38, v29  }
0x31e: {  	v17 =	vsel vm2, $0x0, v17;
	vm3 =	vlt.s32 v22, v6;
	v22 =	vxor.u32 v43, v33;
	v23 =	vld.idx.msk [tilespmem:v16+s1+$0x0], $0xffff  }
0x31f: {  	v33 =	vsel vm1, $0x0, v14;
	v29 =	vsel vm3, $0x0, v38;
	vm2 =	vlt.s32 v22, v6;
	v14 =	vld.idx.msk [tilespmem:v30+s1+$0x0], $0xffff;
	[tilespmem:v8+s1+$0x0] =	vst.idx.msk $0xffff, v17  }
0x320: {  	v35 =	vshra.s32 v20, $0x1F;
	v17 =	vand.u32 $0x7FFFFFFF, v36;
	v36 =	vsel vm2, $0x0, v43;
	v8 =	vmovc v42;
	v22 =	vld.idx.msk [tilespmem:v11+s1+$0x0], $0xffff;
	[tilespmem:v12+s1+$0x0] =	vst.idx.msk $0xffff, v33  }
.Ltmp12:
0x321: {  	v37 =	vand.u32 $0x7FFFFFFF, v28;
	v35 =	vand.u32 $0x7FFFFFFF, v35;
	v33 =	vshra.s32 v27, $0x1F;
	v12 =	vmovc v30;
	[tilespmem:v40+s1+$0x0] =	vst.idx.msk $0xffff, v36;
	(pc) =	sbr.rel @p0 .LBB2_27-.Ltmp12, $4  }
0x322: {  	v30 =	vand.u32 $0x7FFFFFFF, v33;
	v28 =	vshra.s32 v34, $0x1F;
	[tilespmem:v32+s1+$0x0] =	vst.idx.msk $0xffff, v29;
	v32 =	vld.idx.msk [tilespmem:v26+s1+$0x0], $0xffff;
	v29 =	vxor.u32 v20, v35  }
0x323: {  	v33 =	vxor.u32 v24, v17;
	v17 =	vmovc v34;
	vm1 =	vlt.s32 v29, v6;
	v29 =	vxor.u32 v15, v37  }
0x324: {  	v35 =	vshra.s32 v25, $0x1F;
	vm2 =	vlt.s32 v33, v6;
	v34 =	vshra.s32 v23, $0x1F  }
0x325: {  	s16 =	smov.u32 s12;
	v33 =	vand.u32 $0x7FFFFFFF, v35;
	v34 =	vand.u32 $0x7FFFFFFF, v34;
	v35 =	vshra.s32 v14, $0x1F  }
0x326: {  	_ = 	snop  }
0x327: {  	v30 =	vxor.u32 v27, v30  }
0x328: {  	v24 =	vsel vm2, $0x0, v24;
	v48 =	vshra.s32 v22, $0x1F;
	v50 =	vxor.u32 v25, v33  }
0x329: {  	v51 =	vand.u32 $0x7FFFFFFF, v35;
	v54 =	vxor.u32 v13, v31;
	v56 =	vsel vm1, $0x0, v20  }
0x32a: {  	vm1 =	vlt.s32 v29, v6;
	v36 =	vshra.s32 v32, $0x1F;
	vm2 =	vlt.s32 v30, v6;
	[tilespmem:v19+s1+$0x0] =	vst.idx.msk $0xffff, v24  }
0x32b: {  	vm3 =	vlt.s32 v54, v6;
	v57 =	vand.u32 $0x7FFFFFFF, v48;
	[tilespmem:v10+s1+$0x0] =	vst.idx.msk $0xffff, v56;
	v62 =	vsel vm1, $0x0, v15  }
0x32c: {  	v36 =	vand.u32 $0x7FFFFFFF, v36;
	v49 =	vsel vm2, $0x0, v27;
	v61 =	vxor.u32 v22, v57;
	[tilespmem:v7+s1+$0x0] =	vst.idx.msk $0xffff, v62  }
0x32d: {  	v60 =	vsel vm3, $0x0, v13;
	v36 =	vxor.u32 v32, v36;
	[tilespmem:v21+s1+$0x0] =	vst.idx.msk $0xffff, v49;
	vm1 =	vlt.s32 v61, v6  }
0x32e: {  	v53 =	vxor.u32 v23, v34;
	[tilespmem:v9+s1+$0x0] =	vst.idx.msk $0xffff, v60;
	vm2 =	vlt.s32 v36, v6;
	v13 =	vsel vm1, $0x0, v22  }
0x32f: {  	v59 =	vand.u32 $0x7FFFFFFF, v28;
	v52 =	vsel vm2, $0x0, v32;
	vm2 =	vlt.s32 v50, v6;
	[tilespmem:v11+s1+$0x0] =	vst.idx.msk $0xffff, v13  }
0x330: {  	v63 =	vxor.u32 v17, v59;
	[tilespmem:v26+s1+$0x0] =	vst.idx.msk $0xffff, v52;
	v55 =	vsel vm2, $0x0, v25;
	vm2 =	vlt.s32 v53, v6  }
0x331: {  	v7 =	vxor.u32 v14, v51;
	vm1 =	vlt.s32 v63, v6;
	[tilespmem:v18+s1+$0x0] =	vst.idx.msk $0xffff, v55;
	v58 =	vsel vm2, $0x0, v23  }
0x332: {  	s10 =	sadd.s32 $0x1, s10;
	vm2 =	vlt.s32 v7, v6;
	v6 =	vsel vm1, $0x0, v17;
	[tilespmem:v16+s1+$0x0] =	vst.idx.msk $0xffff, v58  }
0x333: {  	p0 =	sne.s32 s10, $0x5;
	v7 =	vsel vm2, $0x0, v14;
	[tilespmem:v8+s1+$0x0] =	vst.idx.msk $0xffff, v6  }
.Ltmp13:
0x334: {  	s11 =	sadd.s32 s4, s11;
	[tilespmem:v12+s1+$0x0] =	vst.idx.msk $0xffff, v7;
	(pc) =	sbr.rel @p0 .LBB2_2-.Ltmp13, $4  }
0x335: {  	[hbm4b:s11+s1] =	stream.linear.scatter [tilespmem:s1], [sflag:$0x1], $0x10000, $0x38;
	[tilespmem:$0x11000] =	vst v63  }
0x336: {  	_ =	swait.ge [sflag:s7], $0x10000  }
0x337: {  	[sflag:s7] =	ssyncset.done $0x0  }
0x338: {  	[sflag:s7] =	ssyncadd.s32 $0xFFFF0000  }
0x339: {  	s9 =	sadd.s32 $0x1, s9  }
0x33a: {  	p0 =	sne.s32 s9, s6  }
.Ltmp14:
0x33b: {  	_ = 	snop;
	(pc) =	sbr.rel @p0 .LBB2_1-.Ltmp14, $1  }
0x33c: {  	_ =	sdelay $0x3  }
0x33d: {  	_ =	sfence.sel $0x180000  }
0x33e: {  	[bflag:$0x0] =	sbarrier.arrive $0xFFFF  }
0x33f: {  	p0 =	sne.s32 s2, $0x0;
	_ =	strace $0x9000004A  }
0x340: {  	s0 =	sadd.s32 @!p0 $0x100000, s0;
	[bflag:$0x2] =	sbarrier.arrive $0xFFFF  }
0x341: {  	[sflag:s0] =	ssyncadd.tile.s32 @!p0 $0x1;
	_ =	shalt  }
.Lfunc_end2:
_tile_overlayer_lowered:
.L_overlay_start_2:
0x342: {  	(tag) =	ssettag $0x2  }
0x343: {  	s0 =	rddreg [dreg:$0x0];
	s2 =	stileid.u32  }
0x344: {  	s1 =	rddreg [dreg:$0x1];
	p0 =	sne.s32 s2, $0x0  }
0x345: {  	s3 =	rddreg [dreg:$0x2];
	[bflag:$0x3] =	sbarrier.arrive $0xFFFF;
	s2 =	simm.s32 @!p0 $0x1C01  }
0x346: {  	[timem:s3], [sflag:s2] =	dma.local @!p0 [hbm:s0], s1  }
0x347: {  	s0 =	simm.s32 @!p0 $0x1  }
0x348: {  	_ =	swait.ge @!p0 [sflag:s0], s1  }
0x349: {  	s1 =	ssub.s32 @!p0 $0x0, s1;
	[sflag:s0] =	ssyncset.done @!p0 $0x0  }
0x34a: {  	[sflag:s0] =	ssyncadd.s32 @!p0 s1  }
0x34b: {  	[bflag:$0x3] =	sbarrier.arrive $0xFFFF  }
0x34c: {  	_ =	shalt  }

// kernel: sparse-core-data-format-call.cloned.1.call-start
scs
called_computation_lowered:
.L_overlay_start_0:
0x0: {  	s2 =	sld [smem:$0x3FD9]  }
0x1: {  	s3 =	sld [smem:$0x3FFE];
	_ =	sdelay $0x1  }
0x2: {  	s1 =	srdreg.scid  }
0x3: {  	s0 =	sand.u32 $0x1, s1  }
0x4: {  	s18 =	sshll.u32 s0, $0xA;
	s2 =	sadd.s32 s3, s2  }
0x5: {  	s2 =	sadd.s32 s2, s18  }
0x6: {  	[smem:$0x3FC7] =	sst s2  }
0x7: {  	_ = 	snop  }
0x8: {  	s2 =	sld [smem:$0x3FD0];
	(tm) =	ssettm $0x1  }
0x9: {  	s19 =	sld [smem:$0x3FFB];
	_ =	sdelay $0x3  }
0xa: {  	_ =	strace s19  }
0xb: {  	s3 =	sld [smem:$0x3FFC];
	_ =	sdelay $0x3  }
0xc: {  	_ =	strace s3  }
0xd: {  	s3 =	sld [smem:$0x3FFD];
	_ =	sdelay $0x3  }
0xe: {  	_ =	strace s3  }
0xf: {  	_ =	strace $0x8FFFFFFF  }
0x10: {  	s20 =	sld [smem:$0x3FDB];
	_ =	sdelay $0x1  }
0x11: {  	s4 =	simm.s32 $_scs_section_size  }
0x12: {  	s5 =	simm.s32 $_size__tile_overlayer_lowered;
	s6 =	simm.s32 $_tile_overlayer_lowered  }
0x13: {  	s23 =	simm.s32 $0x1BFF;
	s22 =	sshll.u32 s6, $0x1;
	s3 =	sadd.s32 s4, s20  }
0x14: {  	s7 =	simm.s32 $0x0;
	s21 =	sshll.u32 s5, $0x1;
	s5 =	sadd.s32 s22, s3  }
0x15: {  	[timem:s7], [sflag:s23] =	dma.local [hbm:s5], s21  }
0x16: {  	_ =	swait.ge [sflag:s23], s21  }
0x17: {  	s4 =	ssub.s32 $0x0, s21;
	[sflag:s23] =	ssyncset.done $0x0  }
0x18: {  	[sflag:s23] =	ssyncadd.s32 s4;
	_ =	sdelay $0x1  }
0x19: {  	s24 =	simm.s32 $0x1B8B  }
0x1a: {  	_ =	swait.ge [sflag:s24], $0x1  }
0x1b: {  	[sflag:s24] =	ssyncset.done $0x0  }
0x1c: {  	s26 =	simm.s32 $0x1B8E;
	s25 =	sld [smem:$0x3FFE];
	[sflag:s24] =	ssyncadd.s32 $0xFFFFFFFF  }
0x1d: {  	s27 =	simm.s32 $execute0_lowered;
	[smem:$0x3FD2] =	sst s26  }
0x1e: {  	s5 =	sshll.u32 s27, $0x1;
	_ =	strace $0x80000046;
	[dreg:$0x1] =	wrdreg $0xFFFFFFFF  }
0x1f: {  	s28 =	simm.s32 $_size_execute0_lowered;
	s3 =	sadd.s32 s3, s5;
	[dreg:$0x0] =	wrdreg $0x0  }
0x20: {  	s5 =	sshll.u32 s28, $0x1;
	[dreg:$0x2] =	wrdreg s3  }
0x21: {  	[dreg:$0x3] =	wrdreg s5  }
0x22: {  	[dreg:$0x4] =	wrdreg $0xC0  }
0x23: {  	_ =	task [dreg:s7], $0x5FFFF  }
0x24: {  	[dreg:$0x1] =	wrdreg $0xFFFFFFFF  }
0x25: {  	[dreg:$0x0] =	wrdreg $0x60  }
0x26: {  	[dreg:$0x2] =	wrdreg s2  }
0x27: {  	[dreg:$0x3] =	wrdreg s25  }
0x28: {  	[dreg:$0x4] =	wrdreg $0x9  }
0x29: {  	_ =	task.clear_ibuf [dreg:s7], $0x5FFFF;
	_ =	strace $0x90000046  }
0x2a: {  	s29 =	simm.s32 $0x9;
	_ =	strace $0x80000048  }
0x2b: {  	_ =	swait.ge [sflag:s29], $0x1  }
0x2c: {  	[sflag:s29] =	ssyncadd.s32 $0xFFFFFFFF  }
0x2d: {  	_ =	strace $0x90000048  }
0x2e: {  	_ =	sfence  }
0x2f: {  	s30 =	sld [smem:$0x0];
	_ =	sdelay $0x2  }
0x30: {  	s31 =	sshll.u32 s1, $0xD;
	s1 =	sshrl.u32 s1, $0x2  }
0x31: {  	s3 =	sand.u32 $0x4000, s31;
	s1 =	sadd.s32 s1, s30  }
0x32: {  	s0 =	sor.u32 s3, s0;
	s1 =	sshll.u32 s1, $0x11  }
0x33: {  	s0 =	sor.u32 s1, s0  }
0x34: {  	s0 =	sadd.s32 $0x8F2B, s0  }
0x35: {  	[sflag:s0] =	ssyncadd.remote.s32 $0x1  }
0x36: {  	_ =	sfence.sel $0xFFFF  }
0x37: {  	[dreg:$0x0] =	wrdreg $0xFFFFFFFF;
	(pc) =	sbr.abs _section_cstart, $3  }
0x38: {  	[dreg:$0x1] =	wrdreg $0xFFFFFFFF  }
0x39: {  	_ =	task.clear_ibuf [dreg:s7], $0x2FFFF;
	_ =	strace $0x9FFFFFFF  }
0x3a: {  	(tm) =	ssettm $0x7FFFFFFF  }
0x3b: {  	_ =	shalt  }
tec
execute0_lowered:
.L_overlay_start_1:
0x0: {  	(tag) =	ssettag $0x1  }
0x1: {  	s2 =	rddreg [dreg:$0x0]  }
0x2: {  	s1 =	rddreg [dreg:$0x1]  }
0x3: {  	s0 =	rddreg [dreg:$0x2];
	_ =	strace $0x80000047;
	s4 =	srdreg.scid  }
0x4: {  	s6 =	simm.s32 $0x2;
	s11 =	simm.s32 $0x0;
	p0 =	por $0x0, $0x0  }
.Ltmp0:
0x5: {  	s7 =	simm.s32 $0x1000;
	s12 =	simm.s32 $0x0;
	(pc) =	sbr.rel .LBB1_1-.Ltmp0, $4  }
0x6: {  	s9 =	simm.s32 $0x0;
	s3 =	sadd.s32 $0x800, s1;
	s5 =	sshll.u32 s4, $0x4  }
0x7: {  	s1 =	stileid.u32;
	s4 =	simm.s32 $0x1;
	s5 =	sand.u32 $0x10, s5  }
0x8: {  	s8 =	simm.s32 $0x0;
	[sflag:s4] =	ssyncpa.u1 $0x0;
	s5 =	sor.u32 s1, s5  }
0x9: {  	[sflag:s6] =	ssyncpa.u1 $0x0;
	s6 =	simm.s32 $0x800;
	s10 =	smov.u32 s5  }
.LBB1_7:
0xa: {  	s13 =	sadd.s32 $0x10, s9  }
0xb: {  	s11 =	sadd.s32 $0x20, s10;
	s15 =	smov.u32 s10;
	p2 =	sgt.s32 s13, $0x1F  }
0xc: {  	p1 =	slt.u32 s8, $0x2;
	s15 =	smov.u32 @p2 s11  }
0xd: {  	s8 =	sadd.s32 $0x1, s8;
	s13 =	simm.s32 @p2 $0x0;
	p2 =	sgt.s32 s15, $0x13F  }
0xe: {  	s15 =	smov.u32 @p2 s5;
	p2 =	sne.s32 s8, $0x16  }
.Ltmp1:
0xf: {  	_ = 	snop;
	(pc) =	sbr.rel @!p2 .LBB1_8-.Ltmp1, $4  }
0x10: {  	s14 =	simm.s32 @!p1 $0x2  }
0x11: {  	s12 =	smov.u32 s10;
	_ =	swait.ge @!p1 [sflag:s14], $0x4000  }
0x12: {  	p0 =	por !p0, !p0;
	s11 =	smov.u32 s9;
	[sflag:s14] =	ssyncset.done @!p1 $0x0  }
0x13: {  	s9 =	smov.u32 s13;
	[sflag:s14] =	ssyncadd.s32 @!p1 $0xFFFFC000;
	s10 =	smov.u32 s15  }
.LBB1_1:
0x14: {  	p1 =	sgt.u32 s8, $0x13  }
0x15: {  	s13 =	sxor.u32 @!p1 $0xFFFFFFFF, s8;
	s14 =	sshll.u32 @!p1 s10, $0xC  }
0x16: {  	s15 =	sshll.u32 @!p1 s9, $0x7;
	s13 =	sshll.u32 @!p1 s13, $0xE;
	s14 =	sadd.s32 @!p1 s2, s14  }
0x17: {  	s13 =	sand.u32 @!p1 $0x4000, s13;
	s14 =	sadd.s32 @!p1 s15, s14;
	s15 =	simm.s32 @!p1 $0x0  }
0x18: {  	[tilespmem:s13], [sflag:$0x1] =	stream.linear.gather @!p1 [hbm4b:s14+s15], $0x4000, $0x38;
	[tilespmem:$0x10000] =	vst v63  }
0x19: {  	p1 =	seq.s32 s8, $0x0  }
0x1a: {  	p2 =	seq.s32 @!p1 s8, $0x15  }
0x1b: {  	p1 =	por p1, p2  }
.Ltmp2:
0x1c: {  	_ = 	snop;
	(pc) =	sbr.rel @p1 .LBB1_7-.Ltmp2, $1  }
0x1d: {  	_ =	sdelay $0x3  }
0x1e: {  	s13 =	simm.s32 $0x1;
	_ =	swait.ge [sflag:s4], $0x4000;
	s16 =	sshll.u32 s8, $0xE  }
0x1f: {  	s13 =	simm.s32 @!p0 $0x0;
	[sflag:s4] =	ssyncset.done $0x0;
	s31 =	sand.u32 $0x4000, s16  }
0x20: {  	s16 =	simm.s32 $0x0;
	s14 =	sshll.u32 s13, $0xE;
	[sflag:s4] =	ssyncadd.s32 $0xFFFFC000  }
0x21: {  	s13 =	sor.u32 $0x8040, s14;
	s15 =	sor.u32 $0x40, s14;
	s14 =	sor.u32 $0x8000, s31  }
.LBB1_3:
0x22: {  	v0 =	vmov s15;
	_ =	sdelay $0x3  }
0x23: {  	s18 =	simm.s32 $0x0  }
0x24: {  	v6 =	vld.idx.msk [tilespmem:v0+s18+$0x30 ss:$0x1], $0xffff  }
0x25: {  	v7 =	vld.idx.msk [tilespmem:v0+s18+$0xFFFFFFC0 ss:$0x1], $0xffff  }
0x26: {  	v5 =	vld.idx.msk [tilespmem:v0+s18+$0xFFFFFFD0 ss:$0x1], $0xffff  }
0x27: {  	v4 =	vld.idx.msk [tilespmem:v0+s18+$0xFFFFFFE0 ss:$0x1], $0xffff  }
0x28: {  	v3 =	vld.idx.msk [tilespmem:v0+s18+$0xFFFFFFF0 ss:$0x1], $0xffff  }
0x29: {  	v1 =	vld.idx.msk [tilespmem:v0+s18+$0x0 ss:$0x1], $0xffff  }
0x2a: {  	v2 =	vld.idx.msk [tilespmem:v0+s18+$0x10 ss:$0x1], $0xffff;
	[tilespmem:s13+$0x30] =	vst v6  }
0x2b: {  	s17 =	simm.s32 $0x80;
	s19 =	simm.s32 $0x400;
	[tilespmem:s13+$0xFFFFFFC0] =	vst v7;
	v6 =	vld.idx.msk [tilespmem:v0+s18+$0x20 ss:$0x1], $0xffff;
	s18 =	smov.u32 s13  }
.LBB1_4:
0x2c: {  	p1 =	sne.s32 s19, $0xE00;
	v7 =	vld.idx.msk [tilespmem:v0+s17+$0x30 ss:$0x1], $0xffff;
	[tilespmem:s18+$0xFFFFFFD0] =	vst v5  }
0x2d: {  	v8 =	vld.idx.msk [tilespmem:v0+s17+$0xFFFFFFC0 ss:$0x1], $0xffff;
	[tilespmem:s18+$0xFFFFFFE0] =	vst v4  }
0x2e: {  	v5 =	vld.idx.msk [tilespmem:v0+s17+$0xFFFFFFD0 ss:$0x1], $0xffff;
	[tilespmem:s18+$0xFFFFFFF0] =	vst v3  }
.Ltmp3:
0x2f: {  	v4 =	vld.idx.msk [tilespmem:v0+s17+$0xFFFFFFE0 ss:$0x1], $0xffff;
	[tilespmem:s18+$0x0] =	vst v1;
	(pc) =	sbr.rel @p1 .LBB1_4-.Ltmp3, $4  }
0x30: {  	v3 =	vld.idx.msk [tilespmem:v0+s17+$0xFFFFFFF0 ss:$0x1], $0xffff;
	[tilespmem:s18+$0x10] =	vst v2  }
0x31: {  	v1 =	vld.idx.msk [tilespmem:v0+s17+$0x0 ss:$0x1], $0xffff;
	[tilespmem:s18+$0x20] =	vst v6;
	s18 =	sadd.s32 $0x800, s18  }
0x32: {  	v2 =	vld.idx.msk [tilespmem:v0+s17+$0x10 ss:$0x1], $0xffff;
	[tilespmem:s18+$0x30] =	vst v7  }
0x33: {  	[tilespmem:s18+$0xFFFFFFC0] =	vst v8;
	v6 =	vld.idx.msk [tilespmem:v0+s17+$0x20 ss:$0x1], $0xffff;
	s17 =	sshra.s32 s19, $0x2;
	s19 =	sadd.s32 $0x200, s19  }
0x34: {  	_ =	sdelay $0x2  }
0x35: {  	[tilespmem:s18+$0xFFFFFFD0] =	vst v5  }
0x36: {  	v56 =	vld.idx.msk [tilespmem:v0+s17+$0x30 ss:$0x1], $0xffff;
	[tilespmem:s18+$0xFFFFFFE0] =	vst v4  }
0x37: {  	v57 =	vld.idx.msk [tilespmem:v0+s17+$0xFFFFFFC0 ss:$0x1], $0xffff;
	[tilespmem:s18+$0xFFFFFFF0] =	vst v3  }
0x38: {  	v58 =	vld.idx.msk [tilespmem:v0+s17+$0xFFFFFFD0 ss:$0x1], $0xffff;
	[tilespmem:s18+$0x0] =	vst v1  }
0x39: {  	v59 =	vld.idx.msk [tilespmem:v0+s17+$0xFFFFFFE0 ss:$0x1], $0xffff;
	[tilespmem:s18+$0x10] =	vst v2  }
0x3a: {  	v60 =	vld.idx.msk [tilespmem:v0+s17+$0xFFFFFFF0 ss:$0x1], $0xffff;
	s31 =	sadd.s32 $0x800, s18;
	[tilespmem:s18+$0x20] =	vst v6  }
0x3b: {  	v61 =	vld.idx.msk [tilespmem:v0+s17+$0x0 ss:$0x1], $0xffff;
	[tilespmem:s31+$0x30] =	vst v56  }
0x3c: {  	v62 =	vld.idx.msk [tilespmem:v0+s17+$0x10 ss:$0x1], $0xffff;
	s16 =	sadd.s32 $0x1, s16;
	[tilespmem:s31+$0xFFFFFFC0] =	vst v57  }
0x3d: {  	v63 =	vld.idx.msk [tilespmem:v0+s17+$0x20 ss:$0x1], $0xffff;
	p1 =	sne.s32 s16, $0x10;
	[tilespmem:s31+$0xFFFFFFD0] =	vst v58  }
.Ltmp4:
0x3e: {  	[tilespmem:s31+$0xFFFFFFE0] =	vst v59;
	(pc) =	sbr.rel @p1 .LBB1_3-.Ltmp4, $4  }
0x3f: {  	[tilespmem:s31+$0xFFFFFFF0] =	vst v60  }
0x40: {  	[tilespmem:s31+$0x0] =	vst v61  }
0x41: {  	[tilespmem:s31+$0x10] =	vst v62  }
0x42: {  	s13 =	sadd.s32 $0x80, s13;
	s15 =	sadd.s32 $0x400, s15;
	[tilespmem:s31+$0x20] =	vst v63  }
.Ltmp5:
0x43: {  	(pc) =	sbr.rel .LBB1_7-.Ltmp5, $4  }
0x44: {  	s12 =	sshll.u32 s12, $0xC;
	s11 =	sshll.u32 s11, $0x4  }
0x45: {  	s11 =	sand.u32 $0x1F0, s11;
	s12 =	sadd.s32 s3, s12  }
0x46: {  	s11 =	sadd.s32 s11, s12  }
0x47: {  	[hbm4b:s11+s6] =	stream.strided.scatter [tilespmem:s14], [sflag:$0x2], $0x4000, s7, s6, $0x38;
	[tilespmem:$0x10000] =	vst v63  }
.LBB1_8:
0x48: {  	_ =	sfence.sel $0x180000  }
0x49: {  	s2 =	simm.s32 $0x1;
	[bflag:$0x0] =	sbarrier.arrive $0xFFFF  }
0x4a: {  	s31 =	simm.s32 $0x2;
	[sflag:s2] =	ssyncpa.u1 $0x1  }
0x4b: {  	[sflag:s31] =	ssyncpa.u1 $0x1  }
0x4c: {  	p0 =	sne.s32 s1, $0x0;
	_ =	strace $0x90000047  }
0x4d: {  	s0 =	sadd.s32 @!p0 $0x100000, s0;
	[bflag:$0x2] =	sbarrier.arrive $0xFFFF  }
0x4e: {  	[sflag:s0] =	ssyncadd.tile.s32 @!p0 $0x1;
	_ =	shalt  }
.Lfunc_end1:
_tile_overlayer_lowered:
.L_overlay_start_2:
0x4f: {  	(tag) =	ssettag $0x2  }
0x50: {  	s0 =	rddreg [dreg:$0x0];
	s2 =	stileid.u32  }
0x51: {  	s1 =	rddreg [dreg:$0x1];
	p0 =	sne.s32 s2, $0x0  }
0x52: {  	s3 =	rddreg [dreg:$0x2];
	[bflag:$0x3] =	sbarrier.arrive $0xFFFF;
	s2 =	simm.s32 @!p0 $0x1C01  }
0x53: {  	[timem:s3], [sflag:s2] =	dma.local @!p0 [hbm:s0], s1  }
0x54: {  	s0 =	simm.s32 @!p0 $0x1  }
0x55: {  	_ =	swait.ge @!p0 [sflag:s0], s1  }
0x56: {  	s1 =	ssub.s32 @!p0 $0x0, s1;
	[sflag:s0] =	ssyncset.done @!p0 $0x0  }
0x57: {  	[sflag:s0] =	ssyncadd.s32 @!p0 s1  }
0x58: {  	[bflag:$0x3] =	sbarrier.arrive $0xFFFF  }
0x59: {  	_ =	shalt  }

</sc_bundles>
